<compile_context>
chip_gen: v7x
topology: tpu7x:2x2x1
jax: 0.10.2.dev20260603
libtpu: 0.0.44.dev20260713+nightly
codegen_flags: <defaults>
</compile_context>

<pallas_src>
import numpy as np
import jax
import jax.numpy as jnp
from jax import lax
from jax.experimental import pallas as pl
from jax.experimental.pallas import tpu as pltpu
from jax.experimental.pallas import tpu_sc as plsc

_WIN = 24
_R = 2 * _WIN - 1
_RP = _R + 1
_H = 32
_N = _WIN * _WIN


def _build_coords_const() -> np.ndarray:
    d = np.arange(-(_WIN - 1), _WIN, dtype=np.float32)
    hh, ww = np.meshgrid(d, d, indexing="ij")
    tbl = np.stack([hh, ww], axis=-1).reshape(-1, 2)
    tbl = tbl / np.float32(_WIN - 1)
    tbl = tbl * 8.0
    tbl = np.sign(tbl) * np.log2(np.abs(tbl) + 1.0) / np.log2(8.0)
    tbl = tbl.astype(np.float32)

    flat = np.zeros((_R * _RP, 2), dtype=np.float32)
    a = np.arange(_R)
    b = np.arange(_R)
    cols = (a[:, None] * _RP + b[None, :]).reshape(-1)
    src = (2208 - (a[:, None] * _R + b[None, :])).reshape(-1)
    flat[cols] = tbl[src]
    return np.ascontiguousarray(flat.T)


_COORDS_CONST = _build_coords_const()


def _tc_mlp_body(c_ref, w0_ref, b0_ref, w1_ref, d_ref):
    c = c_ref[...]
    w0t = w0_ref[...].T
    b0 = b0_ref[...].reshape(1, -1).T
    hid = (w0t[:, 0:1] * c[0:1, :] + w0t[:, 1:2] * c[1:2, :]
           + b0)
    hid = jnp.maximum(hid, 0.0)
    t = jnp.dot(w1_ref[...].T, hid, preferred_element_type=jnp.float32)
    t = 16.0 / (1.0 + jnp.exp(-t))
    d_ref[...] = t.reshape(_H, _R, _RP)


def _sc_expand_body(tbl_hbm, out_hbm, tbl_v, d_v, sem):
    c = lax.axis_index("c")
    s = lax.axis_index("s")
    h = s * 2 + c

    pltpu.sync_copy(tbl_hbm.at[h], tbl_v)

    def _build_row(a, carry):
        for iw in range(_WIN):
            o = 23 - iw
            d_v[iw, a, pl.ds(0, 16)] = tbl_v[a, pl.ds(o, 16)]
            d_v[iw, a, pl.ds(8, 16)] = tbl_v[a, pl.ds(o + 8, 16)]
        return carry

    lax.fori_loop(0, _R, _build_row, 0)

    for ih in range(_WIN):
        pltpu.make_async_copy(
            d_v.at[:, pl.ds(23 - ih, _WIN), :], out_hbm.at[h, ih], sem
        ).start()
    for ih in range(_WIN):
        pltpu.make_async_copy(
            d_v.at[:, pl.ds(23 - ih, _WIN), :], out_hbm.at[h, ih], sem
        ).wait()


_SC_EXPAND_CACHE = []


def _sc_expand():
    if not _SC_EXPAND_CACHE:
        _SC_EXPAND_CACHE.append(pl.kernel(
            _sc_expand_body,
            out_type=jax.ShapeDtypeStruct(
                (_H, _WIN, _WIN, _WIN, _WIN), jnp.float32),
            mesh=plsc.VectorSubcoreMesh(
                core_axis_name="c", subcore_axis_name="s"),
            scratch_types=[
                pltpu.VMEM((_R, _RP), jnp.float32),
                pltpu.VMEM((_WIN, _R, _WIN), jnp.float32),
                pltpu.SemaphoreType.DMA,
            ],
            compiler_params=pltpu.CompilerParams(use_tc_tiling_on_sc=False),
        ))
    return _SC_EXPAND_CACHE[0]


def kernel(W0, b0, W1):
    coords = jnp.asarray(_COORDS_CONST)
    table = pl.pallas_call(
        _tc_mlp_body,
        out_shape=jax.ShapeDtypeStruct((_H, _R, _RP), jnp.float32),
    )(coords, W0, b0, W1)
    out5 = _sc_expand()(table)
    return out5.reshape(_H, _N, _N)

# --- scband reference (transcript-rebuilt; emitter-appended) ---
"""Pipeline reference for scband-swinv2-relative-position-bias-17789754540146 (READ-ONLY COPY).

The authoritative reference and input builder live on the scoring server;
editing this copy changes nothing except your own understanding.
"""

import jax, jax.numpy as jnp
import numpy as np

WINDOW_SIZE = (24, 24)
NUM_HEADS = 32
PRETRAINED_WINDOW_SIZE = (0, 0)


def _build_tables(window_size=WINDOW_SIZE, pretrained_window_size=PRETRAINED_WINDOW_SIZE):
    relative_coords_h = np.arange(-(window_size[0] - 1), window_size[0], dtype=np.float32)
    relative_coords_w = np.arange(-(window_size[1] - 1), window_size[1], dtype=np.float32)
    relative_coords_table = np.stack(np.meshgrid(relative_coords_h, relative_coords_w, indexing='ij'))
    relative_coords_table = relative_coords_table.transpose(1, 2, 0).reshape(-1, 2)
    if pretrained_window_size[0] > 0:
        relative_coords_table = relative_coords_table / np.array(
            [pretrained_window_size[0] - 1, pretrained_window_size[1] - 1], dtype=np.float32)
    else:
        denom_h = max(window_size[0] - 1, 1)
        denom_w = max(window_size[1] - 1, 1)
        relative_coords_table = relative_coords_table / np.array([denom_h, denom_w], dtype=np.float32)
    relative_coords_table = relative_coords_table * 8
    relative_coords_table = np.sign(relative_coords_table) * np.log2(np.abs(relative_coords_table) + 1.0) / np.log2(8.0)

    coords_h = np.arange(window_size[0])
    coords_w = np.arange(window_size[1])
    coords = np.stack(np.meshgrid(coords_h, coords_w, indexing='ij'))
    coords_flatten = coords.reshape(2, -1)
    relative_coords = coords_flatten[:, :, None] - coords_flatten[:, None, :]
    relative_coords = relative_coords.transpose(1, 2, 0)
    relative_coords = relative_coords + np.array([window_size[0] - 1, window_size[1] - 1])
    relative_coords = relative_coords * np.array([2 * window_size[1] - 1, 1])
    relative_position_index = relative_coords.sum(-1).astype(np.int32)
    return relative_coords_table.astype(np.float32), relative_position_index


_COORDS_TABLE_NP, _REL_POS_INDEX_NP = _build_tables()


def setup_inputs(seed: int = 0) -> dict:
    key = jax.random.key(seed)
    k0, k1 = jax.random.split(key, 2)
    W0 = jax.random.normal(k0, (2, 512), dtype=jnp.float32) * 0.02
    b0 = jnp.zeros((512,), dtype=jnp.float32)
    W1 = jax.random.normal(k1, (512, NUM_HEADS), dtype=jnp.float32) * 0.02
    return {"W0": W0, "b0": b0, "W1": W1}


def reference(W0, b0, W1):
    relative_coords_table = jnp.asarray(_COORDS_TABLE_NP)
    relative_position_index = jnp.asarray(_REL_POS_INDEX_NP)
    # cpb MLP: Dense(512) + bias, relu, Dense(num_heads) no bias
    h = relative_coords_table @ W0 + b0
    h = jax.nn.relu(h)
    relative_position_bias = h @ W1
    relative_position_bias = relative_position_bias.reshape(-1, NUM_HEADS)
    # large gather: (Wh*Ww)^2 rows of num_heads floats
    relative_position_bias = relative_position_bias[relative_position_index.reshape(-1)]
    N = WINDOW_SIZE[0] * WINDOW_SIZE[1]
    relative_position_bias = relative_position_bias.reshape(N, N, -1)
    relative_position_bias = relative_position_bias.transpose(2, 0, 1)
    relative_position_bias = 16 * jax.nn.sigmoid(relative_position_bias)
    return relative_position_bias

if __name__ == "__main__":
    import jax
    _d = setup_inputs()
    print(jax.jit(kernel)(*tuple(_d.values())))

</pallas_src>

<mosaic_0001>
#map = affine_map<(d0, d1) -> (0, 0, 0)>
#map1 = affine_map<(d0, d1) -> (0, 0, 0, 0, 0)>
module attributes {stable_mosaic.version = 14 : i64} {
  func.func @_sc_expand_body(%arg0: i32, %arg1: i32, %arg2: memref<32x47x48xf32, #tpu.memory_space<hbm>>, %arg3: memref<32x24x24x24x24xf32, #tpu.memory_space<hbm>>, %arg4: memref<47x48xf32, #tpu.memory_space<vmem>>, %arg5: memref<24x47x24xf32, #tpu.memory_space<vmem>>, %arg6: memref<!tpu.dma_semaphore, #tpu.memory_space<semaphore_mem>>) attributes {dimension_semantics = [#tpu.dimension_semantics<core_parallel>, #tpu.dimension_semantics<subcore_parallel>], iteration_bounds = array<i64: 2, 16>, scalar_prefetch = 0 : i64, scratch_operands = 3 : i64, tpu.core_type = #tpu.core_type<sc_vector_subcore>, window_params = [{transform_indices = #map}, {transform_indices = #map1}]} {
    %mul3A = arith.constant 2 : i32
    %mul3A_0 = arith.muli %arg1, %mul3A : i32
    %add3A = arith.addi %mul3A_0, %arg0 : i32
    "tpu.region"() ({
      %run_scoped3A = tpu.sem_alloc : memref<!tpu.dma_semaphore, #tpu.memory_space<semaphore_mem>>
      %dma_start3A_916 = arith.constant 0 : i32
      %dma_start3A_917 = arith.constant 0 : i32
      %dma_start3A_918 = tpu.memref_slice %arg2[%add3A, %dma_start3A_916, %dma_start3A_917] : memref<32x47x48xf32, #tpu.memory_space<hbm>> -> memref<1x47x48xf32, #tpu.memory_space<hbm>>
      %dma_start3A_919 = tpu.memref_squeeze %dma_start3A_918 : memref<1x47x48xf32, #tpu.memory_space<hbm>> -> memref<47x48xf32, #tpu.memory_space<hbm>>
      %dma_start3A_920 = arith.constant 0 : i32
      %dma_start3A_921 = arith.constant 0 : i32
      %dma_start3A_922 = tpu.memref_slice %arg2[%add3A, %dma_start3A_920, %dma_start3A_921] : memref<32x47x48xf32, #tpu.memory_space<hbm>> -> memref<1x47x48xf32, #tpu.memory_space<hbm>>
      %dma_start3A_923 = tpu.memref_squeeze %dma_start3A_922 : memref<1x47x48xf32, #tpu.memory_space<hbm>> -> memref<47x48xf32, #tpu.memory_space<hbm>>
      tpu.enqueue_dma source(%dma_start3A_923 : memref<47x48xf32, #tpu.memory_space<hbm>>) target(%arg4 : memref<47x48xf32, #tpu.memory_space<vmem>>) target_semaphore(%run_scoped3A : memref<!tpu.dma_semaphore, #tpu.memory_space<semaphore_mem>>)
      %dma_wait3A_924 = arith.constant 0 : i32
      %dma_wait3A_925 = arith.constant 0 : i32
      %dma_wait3A_926 = tpu.memref_slice %arg2[%add3A, %dma_wait3A_924, %dma_wait3A_925] : memref<32x47x48xf32, #tpu.memory_space<hbm>> -> memref<1x47x48xf32, #tpu.memory_space<hbm>>
      %dma_wait3A_927 = tpu.memref_squeeze %dma_wait3A_926 : memref<1x47x48xf32, #tpu.memory_space<hbm>> -> memref<47x48xf32, #tpu.memory_space<hbm>>
      %dma_wait3A_928 = arith.constant 0 : i32
      %dma_wait3A_929 = arith.constant 0 : i32
      %dma_wait3A_930 = tpu.memref_slice %arg2[%add3A, %dma_wait3A_928, %dma_wait3A_929] : memref<32x47x48xf32, #tpu.memory_space<hbm>> -> memref<1x47x48xf32, #tpu.memory_space<hbm>>
      %dma_wait3A_931 = tpu.memref_squeeze %dma_wait3A_930 : memref<1x47x48xf32, #tpu.memory_space<hbm>> -> memref<47x48xf32, #tpu.memory_space<hbm>>
      tpu.wait_dma2 semaphore(%run_scoped3A : memref<!tpu.dma_semaphore, #tpu.memory_space<semaphore_mem>>) src(%dma_wait3A_931 : memref<47x48xf32, #tpu.memory_space<hbm>>) dst(%arg4 : memref<47x48xf32, #tpu.memory_space<vmem>>)
      tpu.yield
    }) : () -> ()
    %scan3A = arith.constant 0 : i32
    %scan3A_1 = arith.constant 0 : i32
    %scan3A_2 = arith.constant 47 : i32
    %scan3A_3 = arith.addi %scan3A_1, %scan3A_2 : i32
    %scan3A_4 = arith.constant 1 : i32
    scf.for %scan3A_916 = %scan3A_1 to %scan3A_3 step %scan3A_4  : i32 {
      %get3A = arith.index_cast %scan3A_916 : i32 to index
      %get3A_917 = arith.constant 23 : index
      %get3A_918 = tpu.vector_load %arg4[%get3A, %get3A_917] {strides = array<i32>} : memref<47x48xf32, #tpu.memory_space<vmem>>, vector<1x16xf32>,
      %get3A_919 = vector.shape_cast %get3A_918 : vector<1x16xf32> to vector<16xf32>
      %swap3A = arith.constant 0 : i32
      %swap3A_920 = arith.index_cast %swap3A : i32 to index
      %swap3A_921 = arith.index_cast %scan3A_916 : i32 to index
      %swap3A_922 = arith.constant 0 : index
      %swap3A_923 = tpu.vector_load %arg5[%swap3A_920, %swap3A_921, %swap3A_922] {strides = array<i32>} : memref<24x47x24xf32, #tpu.memory_space<vmem>>, vector<1x1x16xf32>,
      %swap3A_924 = vector.shape_cast %swap3A_923 : vector<1x1x16xf32> to vector<16xf32>
      %swap3A_925 = vector.shape_cast %get3A_919 : vector<16xf32> to vector<1x1x16xf32>
      tpu.vector_store %arg5[%swap3A_920, %swap3A_921, %swap3A_922], %swap3A_925 {strides = array<i32>} : memref<24x47x24xf32, #tpu.memory_space<vmem>>, vector<1x1x16xf32>,
      %get3A_926 = arith.index_cast %scan3A_916 : i32 to index
      %get3A_927 = arith.constant 31 : index
      %get3A_928 = tpu.vector_load %arg4[%get3A_926, %get3A_927] {strides = array<i32>} : memref<47x48xf32, #tpu.memory_space<vmem>>, vector<1x16xf32>,
      %get3A_929 = vector.shape_cast %get3A_928 : vector<1x16xf32> to vector<16xf32>
      %swap3A_930 = arith.constant 0 : i32
      %swap3A_931 = arith.index_cast %swap3A_930 : i32 to index
      %swap3A_932 = arith.index_cast %scan3A_916 : i32 to index
      %swap3A_933 = arith.constant 8 : index
      %swap3A_934 = tpu.vector_load %arg5[%swap3A_931, %swap3A_932, %swap3A_933] {strides = array<i32>} : memref<24x47x24xf32, #tpu.memory_space<vmem>>, vector<1x1x16xf32>,
      %swap3A_935 = vector.shape_cast %swap3A_934 : vector<1x1x16xf32> to vector<16xf32>
      %swap3A_936 = vector.shape_cast %get3A_929 : vector<16xf32> to vector<1x1x16xf32>
      tpu.vector_store %arg5[%swap3A_931, %swap3A_932, %swap3A_933], %swap3A_936 {strides = array<i32>} : memref<24x47x24xf32, #tpu.memory_space<vmem>>, vector<1x1x16xf32>,
      %get3A_937 = arith.index_cast %scan3A_916 : i32 to index
      %get3A_938 = arith.constant 22 : index
      %get3A_939 = tpu.vector_load %arg4[%get3A_937, %get3A_938] {strides = array<i32>} : memref<47x48xf32, #tpu.memory_space<vmem>>, vector<1x16xf32>,
      %get3A_940 = vector.shape_cast %get3A_939 : vector<1x16xf32> to vector<16xf32>
      %swap3A_941 = arith.constant 1 : i32
      %swap3A_942 = arith.index_cast %swap3A_941 : i32 to index
      %swap3A_943 = arith.index_cast %scan3A_916 : i32 to index
      %swap3A_944 = arith.constant 0 : index
      %swap3A_945 = tpu.vector_load %arg5[%swap3A_942, %swap3A_943, %swap3A_944] {strides = array<i32>} : memref<24x47x24xf32, #tpu.memory_space<vmem>>, vector<1x1x16xf32>,
      %swap3A_946 = vector.shape_cast %swap3A_945 : vector<1x1x16xf32> to vector<16xf32>
      %swap3A_947 = vector.shape_cast %get3A_940 : vector<16xf32> to vector<1x1x16xf32>
      tpu.vector_store %arg5[%swap3A_942, %swap3A_943, %swap3A_944], %swap3A_947 {strides = array<i32>} : memref<24x47x24xf32, #tpu.memory_space<vmem>>, vector<1x1x16xf32>,
      %get3A_948 = arith.index_cast %scan3A_916 : i32 to index
      %get3A_949 = arith.constant 30 : index
      %get3A_950 = tpu.vector_load %arg4[%get3A_948, %get3A_949] {strides = array<i32>} : memref<47x48xf32, #tpu.memory_space<vmem>>, vector<1x16xf32>,
      %get3A_951 = vector.shape_cast %get3A_950 : vector<1x16xf32> to vector<16xf32>
      %swap3A_952 = arith.constant 1 : i32
      %swap3A_953 = arith.index_cast %swap3A_952 : i32 to index
      %swap3A_954 = arith.index_cast %scan3A_916 : i32 to index
      %swap3A_955 = arith.constant 8 : index
      %swap3A_956 = tpu.vector_load %arg5[%swap3A_953, %swap3A_954, %swap3A_955] {strides = array<i32>} : memref<24x47x24xf32, #tpu.memory_space<vmem>>, vector<1x1x16xf32>,
      %swap3A_957 = vector.shape_cast %swap3A_956 : vector<1x1x16xf32> to vector<16xf32>
      %swap3A_958 = vector.shape_cast %get3A_951 : vector<16xf32> to vector<1x1x16xf32>
      tpu.vector_store %arg5[%swap3A_953, %swap3A_954, %swap3A_955], %swap3A_958 {strides = array<i32>} : memref<24x47x24xf32, #tpu.memory_space<vmem>>, vector<1x1x16xf32>,
      %get3A_959 = arith.index_cast %scan3A_916 : i32 to index
      %get3A_960 = arith.constant 21 : index
      %get3A_961 = tpu.vector_load %arg4[%get3A_959, %get3A_960] {strides = array<i32>} : memref<47x48xf32, #tpu.memory_space<vmem>>, vector<1x16xf32>,
      %get3A_962 = vector.shape_cast %get3A_961 : vector<1x16xf32> to vector<16xf32>
      %swap3A_963 = arith.constant 2 : i32
      %swap3A_964 = arith.index_cast %swap3A_963 : i32 to index
      %swap3A_965 = arith.index_cast %scan3A_916 : i32 to index
      %swap3A_966 = arith.constant 0 : index
      %swap3A_967 = tpu.vector_load %arg5[%swap3A_964, %swap3A_965, %swap3A_966] {strides = array<i32>} : memref<24x47x24xf32, #tpu.memory_space<vmem>>, vector<1x1x16xf32>,
      %swap3A_968 = vector.shape_cast %swap3A_967 : vector<1x1x16xf32> to vector<16xf32>
      %swap3A_969 = vector.shape_cast %get3A_962 : vector<16xf32> to vector<1x1x16xf32>
      tpu.vector_store %arg5[%swap3A_964, %swap3A_965, %swap3A_966], %swap3A_969 {strides = array<i32>} : memref<24x47x24xf32, #tpu.memory_space<vmem>>, vector<1x1x16xf32>,
      %get3A_970 = arith.index_cast %scan3A_916 : i32 to index
      %get3A_971 = arith.constant 29 : index
      %get3A_972 = tpu.vector_load %arg4[%get3A_970, %get3A_971] {strides = array<i32>} : memref<47x48xf32, #tpu.memory_space<vmem>>, vector<1x16xf32>,
      %get3A_973 = vector.shape_cast %get3A_972 : vector<1x16xf32> to vector<16xf32>
      %swap3A_974 = arith.constant 2 : i32
      %swap3A_975 = arith.index_cast %swap3A_974 : i32 to index
      %swap3A_976 = arith.index_cast %scan3A_916 : i32 to index
      %swap3A_977 = arith.constant 8 : index
      %swap3A_978 = tpu.vector_load %arg5[%swap3A_975, %swap3A_976, %swap3A_977] {strides = array<i32>} : memref<24x47x24xf32, #tpu.memory_space<vmem>>, vector<1x1x16xf32>,
      %swap3A_979 = vector.shape_cast %swap3A_978 : vector<1x1x16xf32> to vector<16xf32>
      %swap3A_980 = vector.shape_cast %get3A_973 : vector<16xf32> to vector<1x1x16xf32>
      tpu.vector_store %arg5[%swap3A_975, %swap3A_976, %swap3A_977], %swap3A_980 {strides = array<i32>} : memref<24x47x24xf32, #tpu.memory_space<vmem>>, vector<1x1x16xf32>,
      %get3A_981 = arith.index_cast %scan3A_916 : i32 to index
      %get3A_982 = arith.constant 20 : index
      %get3A_983 = tpu.vector_load %arg4[%get3A_981, %get3A_982] {strides = array<i32>} : memref<47x48xf32, #tpu.memory_space<vmem>>, vector<1x16xf32>,
      %get3A_984 = vector.shape_cast %get3A_983 : vector<1x16xf32> to vector<16xf32>
      %swap3A_985 = arith.constant 3 : i32
      %swap3A_986 = arith.index_cast %swap3A_985 : i32 to index
      %swap3A_987 = arith.index_cast %scan3A_916 : i32 to index
      %swap3A_988 = arith.constant 0 : index
      %swap3A_989 = tpu.vector_load %arg5[%swap3A_986, %swap3A_987, %swap3A_988] {strides = array<i32>} : memref<24x47x24xf32, #tpu.memory_space<vmem>>, vector<1x1x16xf32>,
      %swap3A_990 = vector.shape_cast %swap3A_989 : vector<1x1x16xf32> to vector<16xf32>
      %swap3A_991 = vector.shape_cast %get3A_984 : vector<16xf32> to vector<1x1x16xf32>
      tpu.vector_store %arg5[%swap3A_986, %swap3A_987, %swap3A_988], %swap3A_991 {strides = array<i32>} : memref<24x47x24xf32, #tpu.memory_space<vmem>>, vector<1x1x16xf32>,
      %get3A_992 = arith.index_cast %scan3A_916 : i32 to index
      %get3A_993 = arith.constant 28 : index
      %get3A_994 = tpu.vector_load %arg4[%get3A_992, %get3A_993] {strides = array<i32>} : memref<47x48xf32, #tpu.memory_space<vmem>>, vector<1x16xf32>,
      %get3A_995 = vector.shape_cast %get3A_994 : vector<1x16xf32> to vector<16xf32>
      %swap3A_996 = arith.constant 3 : i32
      %swap3A_997 = arith.index_cast %swap3A_996 : i32 to index
      %swap3A_998 = arith.index_cast %scan3A_916 : i32 to index
      %swap3A_999 = arith.constant 8 : index
      %swap3A_1000 = tpu.vector_load %arg5[%swap3A_997, %swap3A_998, %swap3A_999] {strides = array<i32>} : memref<24x47x24xf32, #tpu.memory_space<vmem>>, vector<1x1x16xf32>,
      %swap3A_1001 = vector.shape_cast %swap3A_1000 : vector<1x1x16xf32> to vector<16xf32>
      %swap3A_1002 = vector.shape_cast %get3A_995 : vector<16xf32> to vector<1x1x16xf32>
      tpu.vector_store %arg5[%swap3A_997, %swap3A_998, %swap3A_999], %swap3A_1002 {strides = array<i32>} : memref<24x47x24xf32, #tpu.memory_space<vmem>>, vector<1x1x16xf32>,
      %get3A_1003 = arith.index_cast %scan3A_916 : i32 to index
      %get3A_1004 = arith.constant 19 : index
      %get3A_1005 = tpu.vector_load %arg4[%get3A_1003, %get3A_1004] {strides = array<i32>} : memref<47x48xf32, #tpu.memory_space<vmem>>, vector<1x16xf32>,
      %get3A_1006 = vector.shape_cast %get3A_1005 : vector<1x16xf32> to vector<16xf32>
      %swap3A_1007 = arith.constant 4 : i32
      %swap3A_1008 = arith.index_cast %swap3A_1007 : i32 to index
      %swap3A_1009 = arith.index_cast %scan3A_916 : i32 to index
      %swap3A_1010 = arith.constant 0 : index
      %swap3A_1011 = tpu.vector_load %arg5[%swap3A_1008, %swap3A_1009, %swap3A_1010] {strides = array<i32>} : memref<24x47x24xf32, #tpu.memory_space<vmem>>, vector<1x1x16xf32>,
      %swap3A_1012 = vector.shape_cast %swap3A_1011 : vector<1x1x16xf32> to vector<16xf32>
      %swap3A_1013 = vector.shape_cast %get3A_1006 : vector<16xf32> to vector<1x1x16xf32>
      tpu.vector_store %arg5[%swap3A_1008, %swap3A_1009, %swap3A_1010], %swap3A_1013 {strides = array<i32>} : memref<24x47x24xf32, #tpu.memory_space<vmem>>, vector<1x1x16xf32>,
      %get3A_1014 = arith.index_cast %scan3A_916 : i32 to index
      %get3A_1015 = arith.constant 27 : index
      %get3A_1016 = tpu.vector_load %arg4[%get3A_1014, %get3A_1015] {strides = array<i32>} : memref<47x48xf32, #tpu.memory_space<vmem>>, vector<1x16xf32>,
      %get3A_1017 = vector.shape_cast %get3A_1016 : vector<1x16xf32> to vector<16xf32>
      %swap3A_1018 = arith.constant 4 : i32
      %swap3A_1019 = arith.index_cast %swap3A_1018 : i32 to index
      %swap3A_1020 = arith.index_cast %scan3A_916 : i32 to index
      %swap3A_1021 = arith.constant 8 : index
      %swap3A_1022 = tpu.vector_load %arg5[%swap3A_1019, %swap3A_1020, %swap3A_1021] {strides = array<i32>} : memref<24x47x24xf32, #tpu.memory_space<vmem>>, vector<1x1x16xf32>,
      %swap3A_1023 = vector.shape_cast %swap3A_1022 : vector<1x1x16xf32> to vector<16xf32>
      %swap3A_1024 = vector.shape_cast %get3A_1017 : vector<16xf32> to vector<1x1x16xf32>
      tpu.vector_store %arg5[%swap3A_1019, %swap3A_1020, %swap3A_1021], %swap3A_1024 {strides = array<i32>} : memref<24x47x24xf32, #tpu.memory_space<vmem>>, vector<1x1x16xf32>,
      %get3A_1025 = arith.index_cast %scan3A_916 : i32 to index
      %get3A_1026 = arith.constant 18 : index
      %get3A_1027 = tpu.vector_load %arg4[%get3A_1025, %get3A_1026] {strides = array<i32>} : memref<47x48xf32, #tpu.memory_space<vmem>>, vector<1x16xf32>,
      %get3A_1028 = vector.shape_cast %get3A_1027 : vector<1x16xf32> to vector<16xf32>
      %swap3A_1029 = arith.constant 5 : i32
      %swap3A_1030 = arith.index_cast %swap3A_1029 : i32 to index
      %swap3A_1031 = arith.index_cast %scan3A_916 : i32 to index
      %swap3A_1032 = arith.constant 0 : index
      %swap3A_1033 = tpu.vector_load %arg5[%swap3A_1030, %swap3A_1031, %swap3A_1032] {strides = array<i32>} : memref<24x47x24xf32, #tpu.memory_space<vmem>>, vector<1x1x16xf32>,
      %swap3A_1034 = vector.shape_cast %swap3A_1033 : vector<1x1x16xf32> to vector<16xf32>
      %swap3A_1035 = vector.shape_cast %get3A_1028 : vector<16xf32> to vector<1x1x16xf32>
      tpu.vector_store %arg5[%swap3A_1030, %swap3A_1031, %swap3A_1032], %swap3A_1035 {strides = array<i32>} : memref<24x47x24xf32, #tpu.memory_space<vmem>>, vector<1x1x16xf32>,
      %get3A_1036 = arith.index_cast %scan3A_916 : i32 to index
      %get3A_1037 = arith.constant 26 : index
      %get3A_1038 = tpu.vector_load %arg4[%get3A_1036, %get3A_1037] {strides = array<i32>} : memref<47x48xf32, #tpu.memory_space<vmem>>, vector<1x16xf32>,
      %get3A_1039 = vector.shape_cast %get3A_1038 : vector<1x16xf32> to vector<16xf32>
      %swap3A_1040 = arith.constant 5 : i32
      %swap3A_1041 = arith.index_cast %swap3A_1040 : i32 to index
      %swap3A_1042 = arith.index_cast %scan3A_916 : i32 to index
      %swap3A_1043 = arith.constant 8 : index
      %swap3A_1044 = tpu.vector_load %arg5[%swap3A_1041, %swap3A_1042, %swap3A_1043] {strides = array<i32>} : memref<24x47x24xf32, #tpu.memory_space<vmem>>, vector<1x1x16xf32>,
      %swap3A_1045 = vector.shape_cast %swap3A_1044 : vector<1x1x16xf32> to vector<16xf32>
      %swap3A_1046 = vector.shape_cast %get3A_1039 : vector<16xf32> to vector<1x1x16xf32>
      tpu.vector_store %arg5[%swap3A_1041, %swap3A_1042, %swap3A_1043], %swap3A_1046 {strides = array<i32>} : memref<24x47x24xf32, #tpu.memory_space<vmem>>, vector<1x1x16xf32>,
      %get3A_1047 = arith.index_cast %scan3A_916 : i32 to index
      %get3A_1048 = arith.constant 17 : index
      %get3A_1049 = tpu.vector_load %arg4[%get3A_1047, %get3A_1048] {strides = array<i32>} : memref<47x48xf32, #tpu.memory_space<vmem>>, vector<1x16xf32>,
      %get3A_1050 = vector.shape_cast %get3A_1049 : vector<1x16xf32> to vector<16xf32>
      %swap3A_1051 = arith.constant 6 : i32
      %swap3A_1052 = arith.index_cast %swap3A_1051 : i32 to index
      %swap3A_1053 = arith.index_cast %scan3A_916 : i32 to index
      %swap3A_1054 = arith.constant 0 : index
      %swap3A_1055 = tpu.vector_load %arg5[%swap3A_1052, %swap3A_1053, %swap3A_1054] {strides = array<i32>} : memref<24x47x24xf32, #tpu.memory_space<vmem>>, vector<1x1x16xf32>,
      %swap3A_1056 = vector.shape_cast %swap3A_1055 : vector<1x1x16xf32> to vector<16xf32>
      %swap3A_1057 = vector.shape_cast %get3A_1050 : vector<16xf32> to vector<1x1x16xf32>
      tpu.vector_store %arg5[%swap3A_1052, %swap3A_1053, %swap3A_1054], %swap3A_1057 {strides = array<i32>} : memref<24x47x24xf32, #tpu.memory_space<vmem>>, vector<1x1x16xf32>,
      %get3A_1058 = arith.index_cast %scan3A_916 : i32 to index
      %get3A_1059 = arith.constant 25 : index
      %get3A_1060 = tpu.vector_load %arg4[%get3A_1058, %get3A_1059] {strides = array<i32>} : memref<47x48xf32, #tpu.memory_space<vmem>>, vector<1x16xf32>,
      %get3A_1061 = vector.shape_cast %get3A_1060 : vector<1x16xf32> to vector<16xf32>
      %swap3A_1062 = arith.constant 6 : i32
      %swap3A_1063 = arith.index_cast %swap3A_1062 : i32 to index
      %swap3A_1064 = arith.index_cast %scan3A_916 : i32 to index
      %swap3A_1065 = arith.constant 8 : index
      %swap3A_1066 = tpu.vector_load %arg5[%swap3A_1063, %swap3A_1064, %swap3A_1065] {strides = array<i32>} : memref<24x47x24xf32, #tpu.memory_space<vmem>>, vector<1x1x16xf32>,
      %swap3A_1067 = vector.shape_cast %swap3A_1066 : vector<1x1x16xf32> to vector<16xf32>
      %swap3A_1068 = vector.shape_cast %get3A_1061 : vector<16xf32> to vector<1x1x16xf32>
      tpu.vector_store %arg5[%swap3A_1063, %swap3A_1064, %swap3A_1065], %swap3A_1068 {strides = array<i32>} : memref<24x47x24xf32, #tpu.memory_space<vmem>>, vector<1x1x16xf32>,
      %get3A_1069 = arith.index_cast %scan3A_916 : i32 to index
      %get3A_1070 = arith.constant 16 : index
      %get3A_1071 = tpu.vector_load %arg4[%get3A_1069, %get3A_1070] {strides = array<i32>} : memref<47x48xf32, #tpu.memory_space<vmem>>, vector<1x16xf32>,
      %get3A_1072 = vector.shape_cast %get3A_1071 : vector<1x16xf32> to vector<16xf32>
      %swap3A_1073 = arith.constant 7 : i32
      %swap3A_1074 = arith.index_cast %swap3A_1073 : i32 to index
      %swap3A_1075 = arith.index_cast %scan3A_916 : i32 to index
      %swap3A_1076 = arith.constant 0 : index
      %swap3A_1077 = tpu.vector_load %arg5[%swap3A_1074, %swap3A_1075, %swap3A_1076] {strides = array<i32>} : memref<24x47x24xf32, #tpu.memory_space<vmem>>, vector<1x1x16xf32>,
      %swap3A_1078 = vector.shape_cast %swap3A_1077 : vector<1x1x16xf32> to vector<16xf32>
      %swap3A_1079 = vector.shape_cast %get3A_1072 : vector<16xf32> to vector<1x1x16xf32>
      tpu.vector_store %arg5[%swap3A_1074, %swap3A_1075, %swap3A_1076], %swap3A_1079 {strides = array<i32>} : memref<24x47x24xf32, #tpu.memory_space<vmem>>, vector<1x1x16xf32>,
      %get3A_1080 = arith.index_cast %scan3A_916 : i32 to index
      %get3A_1081 = arith.constant 24 : index
      %get3A_1082 = tpu.vector_load %arg4[%get3A_1080, %get3A_1081] {strides = array<i32>} : memref<47x48xf32, #tpu.memory_space<vmem>>, vector<1x16xf32>,
      %get3A_1083 = vector.shape_cast %get3A_1082 : vector<1x16xf32> to vector<16xf32>
      %swap3A_1084 = arith.constant 7 : i32
      %swap3A_1085 = arith.index_cast %swap3A_1084 : i32 to index
      %swap3A_1086 = arith.index_cast %scan3A_916 : i32 to index
      %swap3A_1087 = arith.constant 8 : index
      %swap3A_1088 = tpu.vector_load %arg5[%swap3A_1085, %swap3A_1086, %swap3A_1087] {strides = array<i32>} : memref<24x47x24xf32, #tpu.memory_space<vmem>>, vector<1x1x16xf32>,
      %swap3A_1089 = vector.shape_cast %swap3A_1088 : vector<1x1x16xf32> to vector<16xf32>
      %swap3A_1090 = vector.shape_cast %get3A_1083 : vector<16xf32> to vector<1x1x16xf32>
      tpu.vector_store %arg5[%swap3A_1085, %swap3A_1086, %swap3A_1087], %swap3A_1090 {strides = array<i32>} : memref<24x47x24xf32, #tpu.memory_space<vmem>>, vector<1x1x16xf32>,
      %get3A_1091 = arith.index_cast %scan3A_916 : i32 to index
      %get3A_1092 = arith.constant 15 : index
      %get3A_1093 = tpu.vector_load %arg4[%get3A_1091, %get3A_1092] {strides = array<i32>} : memref<47x48xf32, #tpu.memory_space<vmem>>, vector<1x16xf32>,
      %get3A_1094 = vector.shape_cast %get3A_1093 : vector<1x16xf32> to vector<16xf32>
      %swap3A_1095 = arith.constant 8 : i32
      %swap3A_1096 = arith.index_cast %swap3A_1095 : i32 to index
      %swap3A_1097 = arith.index_cast %scan3A_916 : i32 to index
      %swap3A_1098 = arith.constant 0 : index
      %swap3A_1099 = tpu.vector_load %arg5[%swap3A_1096, %swap3A_1097, %swap3A_1098] {strides = array<i32>} : memref<24x47x24xf32, #tpu.memory_space<vmem>>, vector<1x1x16xf32>,
      %swap3A_1100 = vector.shape_cast %swap3A_1099 : vector<1x1x16xf32> to vector<16xf32>
      %swap3A_1101 = vector.shape_cast %get3A_1094 : vector<16xf32> to vector<1x1x16xf32>
      tpu.vector_store %arg5[%swap3A_1096, %swap3A_1097, %swap3A_1098], %swap3A_1101 {strides = array<i32>} : memref<24x47x24xf32, #tpu.memory_space<vmem>>, vector<1x1x16xf32>,
      %get3A_1102 = arith.index_cast %scan3A_916 : i32 to index
      %get3A_1103 = arith.constant 23 : index
      %get3A_1104 = tpu.vector_load %arg4[%get3A_1102, %get3A_1103] {strides = array<i32>} : memref<47x48xf32, #tpu.memory_space<vmem>>, vector<1x16xf32>,
      %get3A_1105 = vector.shape_cast %get3A_1104 : vector<1x16xf32> to vector<16xf32>
      %swap3A_1106 = arith.constant 8 : i32
      %swap3A_1107 = arith.index_cast %swap3A_1106 : i32 to index
      %swap3A_1108 = arith.index_cast %scan3A_916 : i32 to index
      %swap3A_1109 = arith.constant 8 : index
      %swap3A_1110 = tpu.vector_load %arg5[%swap3A_1107, %swap3A_1108, %swap3A_1109] {strides = array<i32>} : memref<24x47x24xf32, #tpu.memory_space<vmem>>, vector<1x1x16xf32>,
      %swap3A_1111 = vector.shape_cast %swap3A_1110 : vector<1x1x16xf32> to vector<16xf32>
      %swap3A_1112 = vector.shape_cast %get3A_1105 : vector<16xf32> to vector<1x1x16xf32>
      tpu.vector_store %arg5[%swap3A_1107, %swap3A_1108, %swap3A_1109], %swap3A_1112 {strides = array<i32>} : memref<24x47x24xf32, #tpu.memory_space<vmem>>, vector<1x1x16xf32>,
      %get3A_1113 = arith.index_cast %scan3A_916 : i32 to index
      %get3A_1114 = arith.constant 14 : index
      %get3A_1115 = tpu.vector_load %arg4[%get3A_1113, %get3A_1114] {strides = array<i32>} : memref<47x48xf32, #tpu.memory_space<vmem>>, vector<1x16xf32>,
      %get3A_1116 = vector.shape_cast %get3A_1115 : vector<1x16xf32> to vector<16xf32>
      %swap3A_1117 = arith.constant 9 : i32
      %swap3A_1118 = arith.index_cast %swap3A_1117 : i32 to index
      %swap3A_1119 = arith.index_cast %scan3A_916 : i32 to index
      %swap3A_1120 = arith.constant 0 : index
      %swap3A_1121 = tpu.vector_load %arg5[%swap3A_1118, %swap3A_1119, %swap3A_1120] {strides = array<i32>} : memref<24x47x24xf32, #tpu.memory_space<vmem>>, vector<1x1x16xf32>,
      %swap3A_1122 = vector.shape_cast %swap3A_1121 : vector<1x1x16xf32> to vector<16xf32>
      %swap3A_1123 = vector.shape_cast %get3A_1116 : vector<16xf32> to vector<1x1x16xf32>
      tpu.vector_store %arg5[%swap3A_1118, %swap3A_1119, %swap3A_1120], %swap3A_1123 {strides = array<i32>} : memref<24x47x24xf32, #tpu.memory_space<vmem>>, vector<1x1x16xf32>,
      %get3A_1124 = arith.index_cast %scan3A_916 : i32 to index
      %get3A_1125 = arith.constant 22 : index
      %get3A_1126 = tpu.vector_load %arg4[%get3A_1124, %get3A_1125] {strides = array<i32>} : memref<47x48xf32, #tpu.memory_space<vmem>>, vector<1x16xf32>,
      %get3A_1127 = vector.shape_cast %get3A_1126 : vector<1x16xf32> to vector<16xf32>
      %swap3A_1128 = arith.constant 9 : i32
      %swap3A_1129 = arith.index_cast %swap3A_1128 : i32 to index
      %swap3A_1130 = arith.index_cast %scan3A_916 : i32 to index
      %swap3A_1131 = arith.constant 8 : index
      %swap3A_1132 = tpu.vector_load %arg5[%swap3A_1129, %swap3A_1130, %swap3A_1131] {strides = array<i32>} : memref<24x47x24xf32, #tpu.memory_space<vmem>>, vector<1x1x16xf32>,
      %swap3A_1133 = vector.shape_cast %swap3A_1132 : vector<1x1x16xf32> to vector<16xf32>
      %swap3A_1134 = vector.shape_cast %get3A_1127 : vector<16xf32> to vector<1x1x16xf32>
      tpu.vector_store %arg5[%swap3A_1129, %swap3A_1130, %swap3A_1131], %swap3A_1134 {strides = array<i32>} : memref<24x47x24xf32, #tpu.memory_space<vmem>>, vector<1x1x16xf32>,
      %get3A_1135 = arith.index_cast %scan3A_916 : i32 to index
      %get3A_1136 = arith.constant 13 : index
      %get3A_1137 = tpu.vector_load %arg4[%get3A_1135, %get3A_1136] {strides = array<i32>} : memref<47x48xf32, #tpu.memory_space<vmem>>, vector<1x16xf32>,
      %get3A_1138 = vector.shape_cast %get3A_1137 : vector<1x16xf32> to vector<16xf32>
      %swap3A_1139 = arith.constant 10 : i32
      %swap3A_1140 = arith.index_cast %swap3A_1139 : i32 to index
      %swap3A_1141 = arith.index_cast %scan3A_916 : i32 to index
      %swap3A_1142 = arith.constant 0 : index
      %swap3A_1143 = tpu.vector_load %arg5[%swap3A_1140, %swap3A_1141, %swap3A_1142] {strides = array<i32>} : memref<24x47x24xf32, #tpu.memory_space<vmem>>, vector<1x1x16xf32>,
      %swap3A_1144 = vector.shape_cast %swap3A_1143 : vector<1x1x16xf32> to vector<16xf32>
      %swap3A_1145 = vector.shape_cast %get3A_1138 : vector<16xf32> to vector<1x1x16xf32>
      tpu.vector_store %arg5[%swap3A_1140, %swap3A_1141, %swap3A_1142], %swap3A_1145 {strides = array<i32>} : memref<24x47x24xf32, #tpu.memory_space<vmem>>, vector<1x1x16xf32>,
      %get3A_1146 = arith.index_cast %scan3A_916 : i32 to index
      %get3A_1147 = arith.constant 21 : index
      %get3A_1148 = tpu.vector_load %arg4[%get3A_1146, %get3A_1147] {strides = array<i32>} : memref<47x48xf32, #tpu.memory_space<vmem>>, vector<1x16xf32>,
      %get3A_1149 = vector.shape_cast %get3A_1148 : vector<1x16xf32> to vector<16xf32>
      %swap3A_1150 = arith.constant 10 : i32
      %swap3A_1151 = arith.index_cast %swap3A_1150 : i32 to index
      %swap3A_1152 = arith.index_cast %scan3A_916 : i32 to index
      %swap3A_1153 = arith.constant 8 : index
      %swap3A_1154 = tpu.vector_load %arg5[%swap3A_1151, %swap3A_1152, %swap3A_1153] {strides = array<i32>} : memref<24x47x24xf32, #tpu.memory_space<vmem>>, vector<1x1x16xf32>,
      %swap3A_1155 = vector.shape_cast %swap3A_1154 : vector<1x1x16xf32> to vector<16xf32>
      %swap3A_1156 = vector.shape_cast %get3A_1149 : vector<16xf32> to vector<1x1x16xf32>
      tpu.vector_store %arg5[%swap3A_1151, %swap3A_1152, %swap3A_1153], %swap3A_1156 {strides = array<i32>} : memref<24x47x24xf32, #tpu.memory_space<vmem>>, vector<1x1x16xf32>,
      %get3A_1157 = arith.index_cast %scan3A_916 : i32 to index
      %get3A_1158 = arith.constant 12 : index
      %get3A_1159 = tpu.vector_load %arg4[%get3A_1157, %get3A_1158] {strides = array<i32>} : memref<47x48xf32, #tpu.memory_space<vmem>>, vector<1x16xf32>,
      %get3A_1160 = vector.shape_cast %get3A_1159 : vector<1x16xf32> to vector<16xf32>
      %swap3A_1161 = arith.constant 11 : i32
      %swap3A_1162 = arith.index_cast %swap3A_1161 : i32 to index
      %swap3A_1163 = arith.index_cast %scan3A_916 : i32 to index
      %swap3A_1164 = arith.constant 0 : index
      %swap3A_1165 = tpu.vector_load %arg5[%swap3A_1162, %swap3A_1163, %swap3A_1164] {strides = array<i32>} : memref<24x47x24xf32, #tpu.memory_space<vmem>>, vector<1x1x16xf32>,
      %swap3A_1166 = vector.shape_cast %swap3A_1165 : vector<1x1x16xf32> to vector<16xf32>
      %swap3A_1167 = vector.shape_cast %get3A_1160 : vector<16xf32> to vector<1x1x16xf32>
      tpu.vector_store %arg5[%swap3A_1162, %swap3A_1163, %swap3A_1164], %swap3A_1167 {strides = array<i32>} : memref<24x47x24xf32, #tpu.memory_space<vmem>>, vector<1x1x16xf32>,
      %get3A_1168 = arith.index_cast %scan3A_916 : i32 to index
      %get3A_1169 = arith.constant 20 : index
      %get3A_1170 = tpu.vector_load %arg4[%get3A_1168, %get3A_1169] {strides = array<i32>} : memref<47x48xf32, #tpu.memory_space<vmem>>, vector<1x16xf32>,
      %get3A_1171 = vector.shape_cast %get3A_1170 : vector<1x16xf32> to vector<16xf32>
      %swap3A_1172 = arith.constant 11 : i32
      %swap3A_1173 = arith.index_cast %swap3A_1172 : i32 to index
      %swap3A_1174 = arith.index_cast %scan3A_916 : i32 to index
      %swap3A_1175 = arith.constant 8 : index
      %swap3A_1176 = tpu.vector_load %arg5[%swap3A_1173, %swap3A_1174, %swap3A_1175] {strides = array<i32>} : memref<24x47x24xf32, #tpu.memory_space<vmem>>, vector<1x1x16xf32>,
      %swap3A_1177 = vector.shape_cast %swap3A_1176 : vector<1x1x16xf32> to vector<16xf32>
      %swap3A_1178 = vector.shape_cast %get3A_1171 : vector<16xf32> to vector<1x1x16xf32>
      tpu.vector_store %arg5[%swap3A_1173, %swap3A_1174, %swap3A_1175], %swap3A_1178 {strides = array<i32>} : memref<24x47x24xf32, #tpu.memory_space<vmem>>, vector<1x1x16xf32>,
      %get3A_1179 = arith.index_cast %scan3A_916 : i32 to index
      %get3A_1180 = arith.constant 11 : index
      %get3A_1181 = tpu.vector_load %arg4[%get3A_1179, %get3A_1180] {strides = array<i32>} : memref<47x48xf32, #tpu.memory_space<vmem>>, vector<1x16xf32>,
      %get3A_1182 = vector.shape_cast %get3A_1181 : vector<1x16xf32> to vector<16xf32>
      %swap3A_1183 = arith.constant 12 : i32
      %swap3A_1184 = arith.index_cast %swap3A_1183 : i32 to index
      %swap3A_1185 = arith.index_cast %scan3A_916 : i32 to index
      %swap3A_1186 = arith.constant 0 : index
      %swap3A_1187 = tpu.vector_load %arg5[%swap3A_1184, %swap3A_1185, %swap3A_1186] {strides = array<i32>} : memref<24x47x24xf32, #tpu.memory_space<vmem>>, vector<1x1x16xf32>,
      %swap3A_1188 = vector.shape_cast %swap3A_1187 : vector<1x1x16xf32> to vector<16xf32>
      %swap3A_1189 = vector.shape_cast %get3A_1182 : vector<16xf32> to vector<1x1x16xf32>
      tpu.vector_store %arg5[%swap3A_1184, %swap3A_1185, %swap3A_1186], %swap3A_1189 {strides = array<i32>} : memref<24x47x24xf32, #tpu.memory_space<vmem>>, vector<1x1x16xf32>,
      %get3A_1190 = arith.index_cast %scan3A_916 : i32 to index
      %get3A_1191 = arith.constant 19 : index
      %get3A_1192 = tpu.vector_load %arg4[%get3A_1190, %get3A_1191] {strides = array<i32>} : memref<47x48xf32, #tpu.memory_space<vmem>>, vector<1x16xf32>,
      %get3A_1193 = vector.shape_cast %get3A_1192 : vector<1x16xf32> to vector<16xf32>
      %swap3A_1194 = arith.constant 12 : i32
      %swap3A_1195 = arith.index_cast %swap3A_1194 : i32 to index
      %swap3A_1196 = arith.index_cast %scan3A_916 : i32 to index
      %swap3A_1197 = arith.constant 8 : index
      %swap3A_1198 = tpu.vector_load %arg5[%swap3A_1195, %swap3A_1196, %swap3A_1197] {strides = array<i32>} : memref<24x47x24xf32, #tpu.memory_space<vmem>>, vector<1x1x16xf32>,
      %swap3A_1199 = vector.shape_cast %swap3A_1198 : vector<1x1x16xf32> to vector<16xf32>
      %swap3A_1200 = vector.shape_cast %get3A_1193 : vector<16xf32> to vector<1x1x16xf32>
      tpu.vector_store %arg5[%swap3A_1195, %swap3A_1196, %swap3A_1197], %swap3A_1200 {strides = array<i32>} : memref<24x47x24xf32, #tpu.memory_space<vmem>>, vector<1x1x16xf32>,
      %get3A_1201 = arith.index_cast %scan3A_916 : i32 to index
      %get3A_1202 = arith.constant 10 : index
      %get3A_1203 = tpu.vector_load %arg4[%get3A_1201, %get3A_1202] {strides = array<i32>} : memref<47x48xf32, #tpu.memory_space<vmem>>, vector<1x16xf32>,
      %get3A_1204 = vector.shape_cast %get3A_1203 : vector<1x16xf32> to vector<16xf32>
      %swap3A_1205 = arith.constant 13 : i32
      %swap3A_1206 = arith.index_cast %swap3A_1205 : i32 to index
      %swap3A_1207 = arith.index_cast %scan3A_916 : i32 to index
      %swap3A_1208 = arith.constant 0 : index
      %swap3A_1209 = tpu.vector_load %arg5[%swap3A_1206, %swap3A_1207, %swap3A_1208] {strides = array<i32>} : memref<24x47x24xf32, #tpu.memory_space<vmem>>, vector<1x1x16xf32>,
      %swap3A_1210 = vector.shape_cast %swap3A_1209 : vector<1x1x16xf32> to vector<16xf32>
      %swap3A_1211 = vector.shape_cast %get3A_1204 : vector<16xf32> to vector<1x1x16xf32>
      tpu.vector_store %arg5[%swap3A_1206, %swap3A_1207, %swap3A_1208], %swap3A_1211 {strides = array<i32>} : memref<24x47x24xf32, #tpu.memory_space<vmem>>, vector<1x1x16xf32>,
      %get3A_1212 = arith.index_cast %scan3A_916 : i32 to index
      %get3A_1213 = arith.constant 18 : index
      %get3A_1214 = tpu.vector_load %arg4[%get3A_1212, %get3A_1213] {strides = array<i32>} : memref<47x48xf32, #tpu.memory_space<vmem>>, vector<1x16xf32>,
      %get3A_1215 = vector.shape_cast %get3A_1214 : vector<1x16xf32> to vector<16xf32>
      %swap3A_1216 = arith.constant 13 : i32
      %swap3A_1217 = arith.index_cast %swap3A_1216 : i32 to index
      %swap3A_1218 = arith.index_cast %scan3A_916 : i32 to index
      %swap3A_1219 = arith.constant 8 : index
      %swap3A_1220 = tpu.vector_load %arg5[%swap3A_1217, %swap3A_1218, %swap3A_1219] {strides = array<i32>} : memref<24x47x24xf32, #tpu.memory_space<vmem>>, vector<1x1x16xf32>,
      %swap3A_1221 = vector.shape_cast %swap3A_1220 : vector<1x1x16xf32> to vector<16xf32>
      %swap3A_1222 = vector.shape_cast %get3A_1215 : vector<16xf32> to vector<1x1x16xf32>
      tpu.vector_store %arg5[%swap3A_1217, %swap3A_1218, %swap3A_1219], %swap3A_1222 {strides = array<i32>} : memref<24x47x24xf32, #tpu.memory_space<vmem>>, vector<1x1x16xf32>,
      %get3A_1223 = arith.index_cast %scan3A_916 : i32 to index
      %get3A_1224 = arith.constant 9 : index
      %get3A_1225 = tpu.vector_load %arg4[%get3A_1223, %get3A_1224] {strides = array<i32>} : memref<47x48xf32, #tpu.memory_space<vmem>>, vector<1x16xf32>,
      %get3A_1226 = vector.shape_cast %get3A_1225 : vector<1x16xf32> to vector<16xf32>
      %swap3A_1227 = arith.constant 14 : i32
      %swap3A_1228 = arith.index_cast %swap3A_1227 : i32 to index
      %swap3A_1229 = arith.index_cast %scan3A_916 : i32 to index
      %swap3A_1230 = arith.constant 0 : index
      %swap3A_1231 = tpu.vector_load %arg5[%swap3A_1228, %swap3A_1229, %swap3A_1230] {strides = array<i32>} : memref<24x47x24xf32, #tpu.memory_space<vmem>>, vector<1x1x16xf32>,
      %swap3A_1232 = vector.shape_cast %swap3A_1231 : vector<1x1x16xf32> to vector<16xf32>
      %swap3A_1233 = vector.shape_cast %get3A_1226 : vector<16xf32> to vector<1x1x16xf32>
      tpu.vector_store %arg5[%swap3A_1228, %swap3A_1229, %swap3A_1230], %swap3A_1233 {strides = array<i32>} : memref<24x47x24xf32, #tpu.memory_space<vmem>>, vector<1x1x16xf32>,
      %get3A_1234 = arith.index_cast %scan3A_916 : i32 to index
      %get3A_1235 = arith.constant 17 : index
      %get3A_1236 = tpu.vector_load %arg4[%get3A_1234, %get3A_1235] {strides = array<i32>} : memref<47x48xf32, #tpu.memory_space<vmem>>, vector<1x16xf32>,
      %get3A_1237 = vector.shape_cast %get3A_1236 : vector<1x16xf32> to vector<16xf32>
      %swap3A_1238 = arith.constant 14 : i32
      %swap3A_1239 = arith.index_cast %swap3A_1238 : i32 to index
      %swap3A_1240 = arith.index_cast %scan3A_916 : i32 to index
      %swap3A_1241 = arith.constant 8 : index
      %swap3A_1242 = tpu.vector_load %arg5[%swap3A_1239, %swap3A_1240, %swap3A_1241] {strides = array<i32>} : memref<24x47x24xf32, #tpu.memory_space<vmem>>, vector<1x1x16xf32>,
      %swap3A_1243 = vector.shape_cast %swap3A_1242 : vector<1x1x16xf32> to vector<16xf32>
      %swap3A_1244 = vector.shape_cast %get3A_1237 : vector<16xf32> to vector<1x1x16xf32>
      tpu.vector_store %arg5[%swap3A_1239, %swap3A_1240, %swap3A_1241], %swap3A_1244 {strides = array<i32>} : memref<24x47x24xf32, #tpu.memory_space<vmem>>, vector<1x1x16xf32>,
      %get3A_1245 = arith.index_cast %scan3A_916 : i32 to index
      %get3A_1246 = arith.constant 8 : index
      %get3A_1247 = tpu.vector_load %arg4[%get3A_1245, %get3A_1246] {strides = array<i32>} : memref<47x48xf32, #tpu.memory_space<vmem>>, vector<1x16xf32>,
      %get3A_1248 = vector.shape_cast %get3A_1247 : vector<1x16xf32> to vector<16xf32>
      %swap3A_1249 = arith.constant 15 : i32
      %swap3A_1250 = arith.index_cast %swap3A_1249 : i32 to index
      %swap3A_1251 = arith.index_cast %scan3A_916 : i32 to index
      %swap3A_1252 = arith.constant 0 : index
      %swap3A_1253 = tpu.vector_load %arg5[%swap3A_1250, %swap3A_1251, %swap3A_1252] {strides = array<i32>} : memref<24x47x24xf32, #tpu.memory_space<vmem>>, vector<1x1x16xf32>,
      %swap3A_1254 = vector.shape_cast %swap3A_1253 : vector<1x1x16xf32> to vector<16xf32>
      %swap3A_1255 = vector.shape_cast %get3A_1248 : vector<16xf32> to vector<1x1x16xf32>
      tpu.vector_store %arg5[%swap3A_1250, %swap3A_1251, %swap3A_1252], %swap3A_1255 {strides = array<i32>} : memref<24x47x24xf32, #tpu.memory_space<vmem>>, vector<1x1x16xf32>,
      %get3A_1256 = arith.index_cast %scan3A_916 : i32 to index
      %get3A_1257 = arith.constant 16 : index
      %get3A_1258 = tpu.vector_load %arg4[%get3A_1256, %get3A_1257] {strides = array<i32>} : memref<47x48xf32, #tpu.memory_space<vmem>>, vector<1x16xf32>,
      %get3A_1259 = vector.shape_cast %get3A_1258 : vector<1x16xf32> to vector<16xf32>
      %swap3A_1260 = arith.constant 15 : i32
      %swap3A_1261 = arith.index_cast %swap3A_1260 : i32 to index
      %swap3A_1262 = arith.index_cast %scan3A_916 : i32 to index
      %swap3A_1263 = arith.constant 8 : index
      %swap3A_1264 = tpu.vector_load %arg5[%swap3A_1261, %swap3A_1262, %swap3A_1263] {strides = array<i32>} : memref<24x47x24xf32, #tpu.memory_space<vmem>>, vector<1x1x16xf32>,
      %swap3A_1265 = vector.shape_cast %swap3A_1264 : vector<1x1x16xf32> to vector<16xf32>
      %swap3A_1266 = vector.shape_cast %get3A_1259 : vector<16xf32> to vector<1x1x16xf32>
      tpu.vector_store %arg5[%swap3A_1261, %swap3A_1262, %swap3A_1263], %swap3A_1266 {strides = array<i32>} : memref<24x47x24xf32, #tpu.memory_space<vmem>>, vector<1x1x16xf32>,
      %get3A_1267 = arith.index_cast %scan3A_916 : i32 to index
      %get3A_1268 = arith.constant 7 : index
      %get3A_1269 = tpu.vector_load %arg4[%get3A_1267, %get3A_1268] {strides = array<i32>} : memref<47x48xf32, #tpu.memory_space<vmem>>, vector<1x16xf32>,
      %get3A_1270 = vector.shape_cast %get3A_1269 : vector<1x16xf32> to vector<16xf32>
      %swap3A_1271 = arith.constant 16 : i32
      %swap3A_1272 = arith.index_cast %swap3A_1271 : i32 to index
      %swap3A_1273 = arith.index_cast %scan3A_916 : i32 to index
      %swap3A_1274 = arith.constant 0 : index
      %swap3A_1275 = tpu.vector_load %arg5[%swap3A_1272, %swap3A_1273, %swap3A_1274] {strides = array<i32>} : memref<24x47x24xf32, #tpu.memory_space<vmem>>, vector<1x1x16xf32>,
      %swap3A_1276 = vector.shape_cast %swap3A_1275 : vector<1x1x16xf32> to vector<16xf32>
      %swap3A_1277 = vector.shape_cast %get3A_1270 : vector<16xf32> to vector<1x1x16xf32>
      tpu.vector_store %arg5[%swap3A_1272, %swap3A_1273, %swap3A_1274], %swap3A_1277 {strides = array<i32>} : memref<24x47x24xf32, #tpu.memory_space<vmem>>, vector<1x1x16xf32>,
      %get3A_1278 = arith.index_cast %scan3A_916 : i32 to index
      %get3A_1279 = arith.constant 15 : index
      %get3A_1280 = tpu.vector_load %arg4[%get3A_1278, %get3A_1279] {strides = array<i32>} : memref<47x48xf32, #tpu.memory_space<vmem>>, vector<1x16xf32>,
      %get3A_1281 = vector.shape_cast %get3A_1280 : vector<1x16xf32> to vector<16xf32>
      %swap3A_1282 = arith.constant 16 : i32
      %swap3A_1283 = arith.index_cast %swap3A_1282 : i32 to index
      %swap3A_1284 = arith.index_cast %scan3A_916 : i32 to index
      %swap3A_1285 = arith.constant 8 : index
      %swap3A_1286 = tpu.vector_load %arg5[%swap3A_1283, %swap3A_1284, %swap3A_1285] {strides = array<i32>} : memref<24x47x24xf32, #tpu.memory_space<vmem>>, vector<1x1x16xf32>,
      %swap3A_1287 = vector.shape_cast %swap3A_1286 : vector<1x1x16xf32> to vector<16xf32>
      %swap3A_1288 = vector.shape_cast %get3A_1281 : vector<16xf32> to vector<1x1x16xf32>
      tpu.vector_store %arg5[%swap3A_1283, %swap3A_1284, %swap3A_1285], %swap3A_1288 {strides = array<i32>} : memref<24x47x24xf32, #tpu.memory_space<vmem>>, vector<1x1x16xf32>,
      %get3A_1289 = arith.index_cast %scan3A_916 : i32 to index
      %get3A_1290 = arith.constant 6 : index
      %get3A_1291 = tpu.vector_load %arg4[%get3A_1289, %get3A_1290] {strides = array<i32>} : memref<47x48xf32, #tpu.memory_space<vmem>>, vector<1x16xf32>,
      %get3A_1292 = vector.shape_cast %get3A_1291 : vector<1x16xf32> to vector<16xf32>
      %swap3A_1293 = arith.constant 17 : i32
      %swap3A_1294 = arith.index_cast %swap3A_1293 : i32 to index
      %swap3A_1295 = arith.index_cast %scan3A_916 : i32 to index
      %swap3A_1296 = arith.constant 0 : index
      %swap3A_1297 = tpu.vector_load %arg5[%swap3A_1294, %swap3A_1295, %swap3A_1296] {strides = array<i32>} : memref<24x47x24xf32, #tpu.memory_space<vmem>>, vector<1x1x16xf32>,
      %swap3A_1298 = vector.shape_cast %swap3A_1297 : vector<1x1x16xf32> to vector<16xf32>
      %swap3A_1299 = vector.shape_cast %get3A_1292 : vector<16xf32> to vector<1x1x16xf32>
      tpu.vector_store %arg5[%swap3A_1294, %swap3A_1295, %swap3A_1296], %swap3A_1299 {strides = array<i32>} : memref<24x47x24xf32, #tpu.memory_space<vmem>>, vector<1x1x16xf32>,
      %get3A_1300 = arith.index_cast %scan3A_916 : i32 to index
      %get3A_1301 = arith.constant 14 : index
      %get3A_1302 = tpu.vector_load %arg4[%get3A_1300, %get3A_1301] {strides = array<i32>} : memref<47x48xf32, #tpu.memory_space<vmem>>, vector<1x16xf32>,
      %get3A_1303 = vector.shape_cast %get3A_1302 : vector<1x16xf32> to vector<16xf32>
      %swap3A_1304 = arith.constant 17 : i32
      %swap3A_1305 = arith.index_cast %swap3A_1304 : i32 to index
      %swap3A_1306 = arith.index_cast %scan3A_916 : i32 to index
      %swap3A_1307 = arith.constant 8 : index
      %swap3A_1308 = tpu.vector_load %arg5[%swap3A_1305, %swap3A_1306, %swap3A_1307] {strides = array<i32>} : memref<24x47x24xf32, #tpu.memory_space<vmem>>, vector<1x1x16xf32>,
      %swap3A_1309 = vector.shape_cast %swap3A_1308 : vector<1x1x16xf32> to vector<16xf32>
      %swap3A_1310 = vector.shape_cast %get3A_1303 : vector<16xf32> to vector<1x1x16xf32>
      tpu.vector_store %arg5[%swap3A_1305, %swap3A_1306, %swap3A_1307], %swap3A_1310 {strides = array<i32>} : memref<24x47x24xf32, #tpu.memory_space<vmem>>, vector<1x1x16xf32>,
      %get3A_1311 = arith.index_cast %scan3A_916 : i32 to index
      %get3A_1312 = arith.constant 5 : index
      %get3A_1313 = tpu.vector_load %arg4[%get3A_1311, %get3A_1312] {strides = array<i32>} : memref<47x48xf32, #tpu.memory_space<vmem>>, vector<1x16xf32>,
      %get3A_1314 = vector.shape_cast %get3A_1313 : vector<1x16xf32> to vector<16xf32>
      %swap3A_1315 = arith.constant 18 : i32
      %swap3A_1316 = arith.index_cast %swap3A_1315 : i32 to index
      %swap3A_1317 = arith.index_cast %scan3A_916 : i32 to index
      %swap3A_1318 = arith.constant 0 : index
      %swap3A_1319 = tpu.vector_load %arg5[%swap3A_1316, %swap3A_1317, %swap3A_1318] {strides = array<i32>} : memref<24x47x24xf32, #tpu.memory_space<vmem>>, vector<1x1x16xf32>,
      %swap3A_1320 = vector.shape_cast %swap3A_1319 : vector<1x1x16xf32> to vector<16xf32>
      %swap3A_1321 = vector.shape_cast %get3A_1314 : vector<16xf32> to vector<1x1x16xf32>
      tpu.vector_store %arg5[%swap3A_1316, %swap3A_1317, %swap3A_1318], %swap3A_1321 {strides = array<i32>} : memref<24x47x24xf32, #tpu.memory_space<vmem>>, vector<1x1x16xf32>,
      %get3A_1322 = arith.index_cast %scan3A_916 : i32 to index
      %get3A_1323 = arith.constant 13 : index
      %get3A_1324 = tpu.vector_load %arg4[%get3A_1322, %get3A_1323] {strides = array<i32>} : memref<47x48xf32, #tpu.memory_space<vmem>>, vector<1x16xf32>,
      %get3A_1325 = vector.shape_cast %get3A_1324 : vector<1x16xf32> to vector<16xf32>
      %swap3A_1326 = arith.constant 18 : i32
      %swap3A_1327 = arith.index_cast %swap3A_1326 : i32 to index
      %swap3A_1328 = arith.index_cast %scan3A_916 : i32 to index
      %swap3A_1329 = arith.constant 8 : index
      %swap3A_1330 = tpu.vector_load %arg5[%swap3A_1327, %swap3A_1328, %swap3A_1329] {strides = array<i32>} : memref<24x47x24xf32, #tpu.memory_space<vmem>>, vector<1x1x16xf32>,
      %swap3A_1331 = vector.shape_cast %swap3A_1330 : vector<1x1x16xf32> to vector<16xf32>
      %swap3A_1332 = vector.shape_cast %get3A_1325 : vector<16xf32> to vector<1x1x16xf32>
      tpu.vector_store %arg5[%swap3A_1327, %swap3A_1328, %swap3A_1329], %swap3A_1332 {strides = array<i32>} : memref<24x47x24xf32, #tpu.memory_space<vmem>>, vector<1x1x16xf32>,
      %get3A_1333 = arith.index_cast %scan3A_916 : i32 to index
      %get3A_1334 = arith.constant 4 : index
      %get3A_1335 = tpu.vector_load %arg4[%get3A_1333, %get3A_1334] {strides = array<i32>} : memref<47x48xf32, #tpu.memory_space<vmem>>, vector<1x16xf32>,
      %get3A_1336 = vector.shape_cast %get3A_1335 : vector<1x16xf32> to vector<16xf32>
      %swap3A_1337 = arith.constant 19 : i32
      %swap3A_1338 = arith.index_cast %swap3A_1337 : i32 to index
      %swap3A_1339 = arith.index_cast %scan3A_916 : i32 to index
      %swap3A_1340 = arith.constant 0 : index
      %swap3A_1341 = tpu.vector_load %arg5[%swap3A_1338, %swap3A_1339, %swap3A_1340] {strides = array<i32>} : memref<24x47x24xf32, #tpu.memory_space<vmem>>, vector<1x1x16xf32>,
      %swap3A_1342 = vector.shape_cast %swap3A_1341 : vector<1x1x16xf32> to vector<16xf32>
      %swap3A_1343 = vector.shape_cast %get3A_1336 : vector<16xf32> to vector<1x1x16xf32>
      tpu.vector_store %arg5[%swap3A_1338, %swap3A_1339, %swap3A_1340], %swap3A_1343 {strides = array<i32>} : memref<24x47x24xf32, #tpu.memory_space<vmem>>, vector<1x1x16xf32>,
      %get3A_1344 = arith.index_cast %scan3A_916 : i32 to index
      %get3A_1345 = arith.constant 12 : index
      %get3A_1346 = tpu.vector_load %arg4[%get3A_1344, %get3A_1345] {strides = array<i32>} : memref<47x48xf32, #tpu.memory_space<vmem>>, vector<1x16xf32>,
      %get3A_1347 = vector.shape_cast %get3A_1346 : vector<1x16xf32> to vector<16xf32>
      %swap3A_1348 = arith.constant 19 : i32
      %swap3A_1349 = arith.index_cast %swap3A_1348 : i32 to index
      %swap3A_1350 = arith.index_cast %scan3A_916 : i32 to index
      %swap3A_1351 = arith.constant 8 : index
      %swap3A_1352 = tpu.vector_load %arg5[%swap3A_1349, %swap3A_1350, %swap3A_1351] {strides = array<i32>} : memref<24x47x24xf32, #tpu.memory_space<vmem>>, vector<1x1x16xf32>,
      %swap3A_1353 = vector.shape_cast %swap3A_1352 : vector<1x1x16xf32> to vector<16xf32>
      %swap3A_1354 = vector.shape_cast %get3A_1347 : vector<16xf32> to vector<1x1x16xf32>
      tpu.vector_store %arg5[%swap3A_1349, %swap3A_1350, %swap3A_1351], %swap3A_1354 {strides = array<i32>} : memref<24x47x24xf32, #tpu.memory_space<vmem>>, vector<1x1x16xf32>,
      %get3A_1355 = arith.index_cast %scan3A_916 : i32 to index
      %get3A_1356 = arith.constant 3 : index
      %get3A_1357 = tpu.vector_load %arg4[%get3A_1355, %get3A_1356] {strides = array<i32>} : memref<47x48xf32, #tpu.memory_space<vmem>>, vector<1x16xf32>,
      %get3A_1358 = vector.shape_cast %get3A_1357 : vector<1x16xf32> to vector<16xf32>
      %swap3A_1359 = arith.constant 20 : i32
      %swap3A_1360 = arith.index_cast %swap3A_1359 : i32 to index
      %swap3A_1361 = arith.index_cast %scan3A_916 : i32 to index
      %swap3A_1362 = arith.constant 0 : index
      %swap3A_1363 = tpu.vector_load %arg5[%swap3A_1360, %swap3A_1361, %swap3A_1362] {strides = array<i32>} : memref<24x47x24xf32, #tpu.memory_space<vmem>>, vector<1x1x16xf32>,
      %swap3A_1364 = vector.shape_cast %swap3A_1363 : vector<1x1x16xf32> to vector<16xf32>
      %swap3A_1365 = vector.shape_cast %get3A_1358 : vector<16xf32> to vector<1x1x16xf32>
      tpu.vector_store %arg5[%swap3A_1360, %swap3A_1361, %swap3A_1362], %swap3A_1365 {strides = array<i32>} : memref<24x47x24xf32, #tpu.memory_space<vmem>>, vector<1x1x16xf32>,
      %get3A_1366 = arith.index_cast %scan3A_916 : i32 to index
      %get3A_1367 = arith.constant 11 : index
      %get3A_1368 = tpu.vector_load %arg4[%get3A_1366, %get3A_1367] {strides = array<i32>} : memref<47x48xf32, #tpu.memory_space<vmem>>, vector<1x16xf32>,
      %get3A_1369 = vector.shape_cast %get3A_1368 : vector<1x16xf32> to vector<16xf32>
      %swap3A_1370 = arith.constant 20 : i32
      %swap3A_1371 = arith.index_cast %swap3A_1370 : i32 to index
      %swap3A_1372 = arith.index_cast %scan3A_916 : i32 to index
      %swap3A_1373 = arith.constant 8 : index
      %swap3A_1374 = tpu.vector_load %arg5[%swap3A_1371, %swap3A_1372, %swap3A_1373] {strides = array<i32>} : memref<24x47x24xf32, #tpu.memory_space<vmem>>, vector<1x1x16xf32>,
      %swap3A_1375 = vector.shape_cast %swap3A_1374 : vector<1x1x16xf32> to vector<16xf32>
      %swap3A_1376 = vector.shape_cast %get3A_1369 : vector<16xf32> to vector<1x1x16xf32>
      tpu.vector_store %arg5[%swap3A_1371, %swap3A_1372, %swap3A_1373], %swap3A_1376 {strides = array<i32>} : memref<24x47x24xf32, #tpu.memory_space<vmem>>, vector<1x1x16xf32>,
      %get3A_1377 = arith.index_cast %scan3A_916 : i32 to index
      %get3A_1378 = arith.constant 2 : index
      %get3A_1379 = tpu.vector_load %arg4[%get3A_1377, %get3A_1378] {strides = array<i32>} : memref<47x48xf32, #tpu.memory_space<vmem>>, vector<1x16xf32>,
      %get3A_1380 = vector.shape_cast %get3A_1379 : vector<1x16xf32> to vector<16xf32>
      %swap3A_1381 = arith.constant 21 : i32
      %swap3A_1382 = arith.index_cast %swap3A_1381 : i32 to index
      %swap3A_1383 = arith.index_cast %scan3A_916 : i32 to index
      %swap3A_1384 = arith.constant 0 : index
      %swap3A_1385 = tpu.vector_load %arg5[%swap3A_1382, %swap3A_1383, %swap3A_1384] {strides = array<i32>} : memref<24x47x24xf32, #tpu.memory_space<vmem>>, vector<1x1x16xf32>,
      %swap3A_1386 = vector.shape_cast %swap3A_1385 : vector<1x1x16xf32> to vector<16xf32>
      %swap3A_1387 = vector.shape_cast %get3A_1380 : vector<16xf32> to vector<1x1x16xf32>
      tpu.vector_store %arg5[%swap3A_1382, %swap3A_1383, %swap3A_1384], %swap3A_1387 {strides = array<i32>} : memref<24x47x24xf32, #tpu.memory_space<vmem>>, vector<1x1x16xf32>,
      %get3A_1388 = arith.index_cast %scan3A_916 : i32 to index
      %get3A_1389 = arith.constant 10 : index
      %get3A_1390 = tpu.vector_load %arg4[%get3A_1388, %get3A_1389] {strides = array<i32>} : memref<47x48xf32, #tpu.memory_space<vmem>>, vector<1x16xf32>,
      %get3A_1391 = vector.shape_cast %get3A_1390 : vector<1x16xf32> to vector<16xf32>
      %swap3A_1392 = arith.constant 21 : i32
      %swap3A_1393 = arith.index_cast %swap3A_1392 : i32 to index
      %swap3A_1394 = arith.index_cast %scan3A_916 : i32 to index
      %swap3A_1395 = arith.constant 8 : index
      %swap3A_1396 = tpu.vector_load %arg5[%swap3A_1393, %swap3A_1394, %swap3A_1395] {strides = array<i32>} : memref<24x47x24xf32, #tpu.memory_space<vmem>>, vector<1x1x16xf32>,
      %swap3A_1397 = vector.shape_cast %swap3A_1396 : vector<1x1x16xf32> to vector<16xf32>
      %swap3A_1398 = vector.shape_cast %get3A_1391 : vector<16xf32> to vector<1x1x16xf32>
      tpu.vector_store %arg5[%swap3A_1393, %swap3A_1394, %swap3A_1395], %swap3A_1398 {strides = array<i32>} : memref<24x47x24xf32, #tpu.memory_space<vmem>>, vector<1x1x16xf32>,
      %get3A_1399 = arith.index_cast %scan3A_916 : i32 to index
      %get3A_1400 = arith.constant 1 : index
      %get3A_1401 = tpu.vector_load %arg4[%get3A_1399, %get3A_1400] {strides = array<i32>} : memref<47x48xf32, #tpu.memory_space<vmem>>, vector<1x16xf32>,
      %get3A_1402 = vector.shape_cast %get3A_1401 : vector<1x16xf32> to vector<16xf32>
      %swap3A_1403 = arith.constant 22 : i32
      %swap3A_1404 = arith.index_cast %swap3A_1403 : i32 to index
      %swap3A_1405 = arith.index_cast %scan3A_916 : i32 to index
      %swap3A_1406 = arith.constant 0 : index
      %swap3A_1407 = tpu.vector_load %arg5[%swap3A_1404, %swap3A_1405, %swap3A_1406] {strides = array<i32>} : memref<24x47x24xf32, #tpu.memory_space<vmem>>, vector<1x1x16xf32>,
      %swap3A_1408 = vector.shape_cast %swap3A_1407 : vector<1x1x16xf32> to vector<16xf32>
      %swap3A_1409 = vector.shape_cast %get3A_1402 : vector<16xf32> to vector<1x1x16xf32>
      tpu.vector_store %arg5[%swap3A_1404, %swap3A_1405, %swap3A_1406], %swap3A_1409 {strides = array<i32>} : memref<24x47x24xf32, #tpu.memory_space<vmem>>, vector<1x1x16xf32>,
      %get3A_1410 = arith.index_cast %scan3A_916 : i32 to index
      %get3A_1411 = arith.constant 9 : index
      %get3A_1412 = tpu.vector_load %arg4[%get3A_1410, %get3A_1411] {strides = array<i32>} : memref<47x48xf32, #tpu.memory_space<vmem>>, vector<1x16xf32>,
      %get3A_1413 = vector.shape_cast %get3A_1412 : vector<1x16xf32> to vector<16xf32>
      %swap3A_1414 = arith.constant 22 : i32
      %swap3A_1415 = arith.index_cast %swap3A_1414 : i32 to index
      %swap3A_1416 = arith.index_cast %scan3A_916 : i32 to index
      %swap3A_1417 = arith.constant 8 : index
      %swap3A_1418 = tpu.vector_load %arg5[%swap3A_1415, %swap3A_1416, %swap3A_1417] {strides = array<i32>} : memref<24x47x24xf32, #tpu.memory_space<vmem>>, vector<1x1x16xf32>,
      %swap3A_1419 = vector.shape_cast %swap3A_1418 : vector<1x1x16xf32> to vector<16xf32>
      %swap3A_1420 = vector.shape_cast %get3A_1413 : vector<16xf32> to vector<1x1x16xf32>
      tpu.vector_store %arg5[%swap3A_1415, %swap3A_1416, %swap3A_1417], %swap3A_1420 {strides = array<i32>} : memref<24x47x24xf32, #tpu.memory_space<vmem>>, vector<1x1x16xf32>,
      %get3A_1421 = arith.index_cast %scan3A_916 : i32 to index
      %get3A_1422 = arith.constant 0 : index
      %get3A_1423 = tpu.vector_load %arg4[%get3A_1421, %get3A_1422] {strides = array<i32>} : memref<47x48xf32, #tpu.memory_space<vmem>>, vector<1x16xf32>,
      %get3A_1424 = vector.shape_cast %get3A_1423 : vector<1x16xf32> to vector<16xf32>
      %swap3A_1425 = arith.constant 23 : i32
      %swap3A_1426 = arith.index_cast %swap3A_1425 : i32 to index
      %swap3A_1427 = arith.index_cast %scan3A_916 : i32 to index
      %swap3A_1428 = arith.constant 0 : index
      %swap3A_1429 = tpu.vector_load %arg5[%swap3A_1426, %swap3A_1427, %swap3A_1428] {strides = array<i32>} : memref<24x47x24xf32, #tpu.memory_space<vmem>>, vector<1x1x16xf32>,
      %swap3A_1430 = vector.shape_cast %swap3A_1429 : vector<1x1x16xf32> to vector<16xf32>
      %swap3A_1431 = vector.shape_cast %get3A_1424 : vector<16xf32> to vector<1x1x16xf32>
      tpu.vector_store %arg5[%swap3A_1426, %swap3A_1427, %swap3A_1428], %swap3A_1431 {strides = array<i32>} : memref<24x47x24xf32, #tpu.memory_space<vmem>>, vector<1x1x16xf32>,
      %get3A_1432 = arith.index_cast %scan3A_916 : i32 to index
      %get3A_1433 = arith.constant 8 : index
      %get3A_1434 = tpu.vector_load %arg4[%get3A_1432, %get3A_1433] {strides = array<i32>} : memref<47x48xf32, #tpu.memory_space<vmem>>, vector<1x16xf32>,
      %get3A_1435 = vector.shape_cast %get3A_1434 : vector<1x16xf32> to vector<16xf32>
      %swap3A_1436 = arith.constant 23 : i32
      %swap3A_1437 = arith.index_cast %swap3A_1436 : i32 to index
      %swap3A_1438 = arith.index_cast %scan3A_916 : i32 to index
      %swap3A_1439 = arith.constant 8 : index
      %swap3A_1440 = tpu.vector_load %arg5[%swap3A_1437, %swap3A_1438, %swap3A_1439] {strides = array<i32>} : memref<24x47x24xf32, #tpu.memory_space<vmem>>, vector<1x1x16xf32>,
      %swap3A_1441 = vector.shape_cast %swap3A_1440 : vector<1x1x16xf32> to vector<16xf32>
      %swap3A_1442 = vector.shape_cast %get3A_1435 : vector<16xf32> to vector<1x1x16xf32>
      tpu.vector_store %arg5[%swap3A_1437, %swap3A_1438, %swap3A_1439], %swap3A_1442 {strides = array<i32>} : memref<24x47x24xf32, #tpu.memory_space<vmem>>, vector<1x1x16xf32>,
    }
    %scan3A_5 = arith.constant 47 : i32
    %dma_start3A = arith.constant 0 : i32
    %dma_start3A_6 = arith.constant 0 : i32
    %dma_start3A_7 = arith.constant 23 : i32
    %dma_start3A_8 = arith.constant 0 : i32
    %dma_start3A_9 = tpu.memref_slice %arg5[%dma_start3A_6, %dma_start3A_7, %dma_start3A_8] : memref<24x47x24xf32, #tpu.memory_space<vmem>> -> memref<24x24x24xf32, #tpu.memory_space<vmem>>
    %dma_start3A_10 = arith.constant 0 : i32
    %dma_start3A_11 = arith.constant 0 : i32
    %dma_start3A_12 = arith.constant 0 : i32
    %dma_start3A_13 = tpu.memref_slice %arg3[%add3A, %dma_start3A, %dma_start3A_10, %dma_start3A_11, %dma_start3A_12] : memref<32x24x24x24x24xf32, #tpu.memory_space<hbm>> -> memref<1x1x24x24x24xf32, #tpu.memory_space<hbm>>
    %dma_start3A_14 = tpu.memref_squeeze %dma_start3A_13 : memref<1x1x24x24x24xf32, #tpu.memory_space<hbm>> -> memref<24x24x24xf32, #tpu.memory_space<hbm>>
    %dma_start3A_15 = arith.constant 0 : i32
    %dma_start3A_16 = arith.constant 0 : i32
    %dma_start3A_17 = arith.constant 0 : i32
    %dma_start3A_18 = tpu.memref_slice %arg3[%add3A, %dma_start3A, %dma_start3A_15, %dma_start3A_16, %dma_start3A_17] : memref<32x24x24x24x24xf32, #tpu.memory_space<hbm>> -> memref<1x1x24x24x24xf32, #tpu.memory_space<hbm>>
    %dma_start3A_19 = tpu.memref_squeeze %dma_start3A_18 : memref<1x1x24x24x24xf32, #tpu.memory_space<hbm>> -> memref<24x24x24xf32, #tpu.memory_space<hbm>>
    %dma_start3A_20 = arith.constant 0 : i32
    %dma_start3A_21 = arith.constant 23 : i32
    %dma_start3A_22 = arith.constant 0 : i32
    %dma_start3A_23 = tpu.memref_slice %arg5[%dma_start3A_20, %dma_start3A_21, %dma_start3A_22] : memref<24x47x24xf32, #tpu.memory_space<vmem>> -> memref<24x24x24xf32, #tpu.memory_space<vmem>>
    tpu.enqueue_dma source(%dma_start3A_23 : memref<24x24x24xf32, #tpu.memory_space<vmem>>) target(%dma_start3A_19 : memref<24x24x24xf32, #tpu.memory_space<hbm>>) target_semaphore(%arg6 : memref<!tpu.dma_semaphore, #tpu.memory_space<semaphore_mem>>)
    %dma_start3A_24 = arith.constant 1 : i32
    %dma_start3A_25 = arith.constant 0 : i32
    %dma_start3A_26 = arith.constant 22 : i32
    %dma_start3A_27 = arith.constant 0 : i32
    %dma_start3A_28 = tpu.memref_slice %arg5[%dma_start3A_25, %dma_start3A_26, %dma_start3A_27] : memref<24x47x24xf32, #tpu.memory_space<vmem>> -> memref<24x24x24xf32, #tpu.memory_space<vmem>>
    %dma_start3A_29 = arith.constant 0 : i32
    %dma_start3A_30 = arith.constant 0 : i32
    %dma_start3A_31 = arith.constant 0 : i32
    %dma_start3A_32 = tpu.memref_slice %arg3[%add3A, %dma_start3A_24, %dma_start3A_29, %dma_start3A_30, %dma_start3A_31] : memref<32x24x24x24x24xf32, #tpu.memory_space<hbm>> -> memref<1x1x24x24x24xf32, #tpu.memory_space<hbm>>
    %dma_start3A_33 = tpu.memref_squeeze %dma_start3A_32 : memref<1x1x24x24x24xf32, #tpu.memory_space<hbm>> -> memref<24x24x24xf32, #tpu.memory_space<hbm>>
    %dma_start3A_34 = arith.constant 0 : i32
    %dma_start3A_35 = arith.constant 0 : i32
    %dma_start3A_36 = arith.constant 0 : i32
    %dma_start3A_37 = tpu.memref_slice %arg3[%add3A, %dma_start3A_24, %dma_start3A_34, %dma_start3A_35, %dma_start3A_36] : memref<32x24x24x24x24xf32, #tpu.memory_space<hbm>> -> memref<1x1x24x24x24xf32, #tpu.memory_space<hbm>>
    %dma_start3A_38 = tpu.memref_squeeze %dma_start3A_37 : memref<1x1x24x24x24xf32, #tpu.memory_space<hbm>> -> memref<24x24x24xf32, #tpu.memory_space<hbm>>
    %dma_start3A_39 = arith.constant 0 : i32
    %dma_start3A_40 = arith.constant 22 : i32
    %dma_start3A_41 = arith.constant 0 : i32
    %dma_start3A_42 = tpu.memref_slice %arg5[%dma_start3A_39, %dma_start3A_40, %dma_start3A_41] : memref<24x47x24xf32, #tpu.memory_space<vmem>> -> memref<24x24x24xf32, #tpu.memory_space<vmem>>
    tpu.enqueue_dma source(%dma_start3A_42 : memref<24x24x24xf32, #tpu.memory_space<vmem>>) target(%dma_start3A_38 : memref<24x24x24xf32, #tpu.memory_space<hbm>>) target_semaphore(%arg6 : memref<!tpu.dma_semaphore, #tpu.memory_space<semaphore_mem>>)
    %dma_start3A_43 = arith.constant 2 : i32
    %dma_start3A_44 = arith.constant 0 : i32
    %dma_start3A_45 = arith.constant 21 : i32
    %dma_start3A_46 = arith.constant 0 : i32
    %dma_start3A_47 = tpu.memref_slice %arg5[%dma_start3A_44, %dma_start3A_45, %dma_start3A_46] : memref<24x47x24xf32, #tpu.memory_space<vmem>> -> memref<24x24x24xf32, #tpu.memory_space<vmem>>
    %dma_start3A_48 = arith.constant 0 : i32
    %dma_start3A_49 = arith.constant 0 : i32
    %dma_start3A_50 = arith.constant 0 : i32
    %dma_start3A_51 = tpu.memref_slice %arg3[%add3A, %dma_start3A_43, %dma_start3A_48, %dma_start3A_49, %dma_start3A_50] : memref<32x24x24x24x24xf32, #tpu.memory_space<hbm>> -> memref<1x1x24x24x24xf32, #tpu.memory_space<hbm>>
    %dma_start3A_52 = tpu.memref_squeeze %dma_start3A_51 : memref<1x1x24x24x24xf32, #tpu.memory_space<hbm>> -> memref<24x24x24xf32, #tpu.memory_space<hbm>>
    %dma_start3A_53 = arith.constant 0 : i32
    %dma_start3A_54 = arith.constant 0 : i32
    %dma_start3A_55 = arith.constant 0 : i32
    %dma_start3A_56 = tpu.memref_slice %arg3[%add3A, %dma_start3A_43, %dma_start3A_53, %dma_start3A_54, %dma_start3A_55] : memref<32x24x24x24x24xf32, #tpu.memory_space<hbm>> -> memref<1x1x24x24x24xf32, #tpu.memory_space<hbm>>
    %dma_start3A_57 = tpu.memref_squeeze %dma_start3A_56 : memref<1x1x24x24x24xf32, #tpu.memory_space<hbm>> -> memref<24x24x24xf32, #tpu.memory_space<hbm>>
    %dma_start3A_58 = arith.constant 0 : i32
    %dma_start3A_59 = arith.constant 21 : i32
    %dma_start3A_60 = arith.constant 0 : i32
    %dma_start3A_61 = tpu.memref_slice %arg5[%dma_start3A_58, %dma_start3A_59, %dma_start3A_60] : memref<24x47x24xf32, #tpu.memory_space<vmem>> -> memref<24x24x24xf32, #tpu.memory_space<vmem>>
    tpu.enqueue_dma source(%dma_start3A_61 : memref<24x24x24xf32, #tpu.memory_space<vmem>>) target(%dma_start3A_57 : memref<24x24x24xf32, #tpu.memory_space<hbm>>) target_semaphore(%arg6 : memref<!tpu.dma_semaphore, #tpu.memory_space<semaphore_mem>>)
    %dma_start3A_62 = arith.constant 3 : i32
    %dma_start3A_63 = arith.constant 0 : i32
    %dma_start3A_64 = arith.constant 20 : i32
    %dma_start3A_65 = arith.constant 0 : i32
    %dma_start3A_66 = tpu.memref_slice %arg5[%dma_start3A_63, %dma_start3A_64, %dma_start3A_65] : memref<24x47x24xf32, #tpu.memory_space<vmem>> -> memref<24x24x24xf32, #tpu.memory_space<vmem>>
    %dma_start3A_67 = arith.constant 0 : i32
    %dma_start3A_68 = arith.constant 0 : i32
    %dma_start3A_69 = arith.constant 0 : i32
    %dma_start3A_70 = tpu.memref_slice %arg3[%add3A, %dma_start3A_62, %dma_start3A_67, %dma_start3A_68, %dma_start3A_69] : memref<32x24x24x24x24xf32, #tpu.memory_space<hbm>> -> memref<1x1x24x24x24xf32, #tpu.memory_space<hbm>>
    %dma_start3A_71 = tpu.memref_squeeze %dma_start3A_70 : memref<1x1x24x24x24xf32, #tpu.memory_space<hbm>> -> memref<24x24x24xf32, #tpu.memory_space<hbm>>
    %dma_start3A_72 = arith.constant 0 : i32
    %dma_start3A_73 = arith.constant 0 : i32
    %dma_start3A_74 = arith.constant 0 : i32
    %dma_start3A_75 = tpu.memref_slice %arg3[%add3A, %dma_start3A_62, %dma_start3A_72, %dma_start3A_73, %dma_start3A_74] : memref<32x24x24x24x24xf32, #tpu.memory_space<hbm>> -> memref<1x1x24x24x24xf32, #tpu.memory_space<hbm>>
    %dma_start3A_76 = tpu.memref_squeeze %dma_start3A_75 : memref<1x1x24x24x24xf32, #tpu.memory_space<hbm>> -> memref<24x24x24xf32, #tpu.memory_space<hbm>>
    %dma_start3A_77 = arith.constant 0 : i32
    %dma_start3A_78 = arith.constant 20 : i32
    %dma_start3A_79 = arith.constant 0 : i32
    %dma_start3A_80 = tpu.memref_slice %arg5[%dma_start3A_77, %dma_start3A_78, %dma_start3A_79] : memref<24x47x24xf32, #tpu.memory_space<vmem>> -> memref<24x24x24xf32, #tpu.memory_space<vmem>>
    tpu.enqueue_dma source(%dma_start3A_80 : memref<24x24x24xf32, #tpu.memory_space<vmem>>) target(%dma_start3A_76 : memref<24x24x24xf32, #tpu.memory_space<hbm>>) target_semaphore(%arg6 : memref<!tpu.dma_semaphore, #tpu.memory_space<semaphore_mem>>)
    %dma_start3A_81 = arith.constant 4 : i32
    %dma_start3A_82 = arith.constant 0 : i32
    %dma_start3A_83 = arith.constant 19 : i32
    %dma_start3A_84 = arith.constant 0 : i32
    %dma_start3A_85 = tpu.memref_slice %arg5[%dma_start3A_82, %dma_start3A_83, %dma_start3A_84] : memref<24x47x24xf32, #tpu.memory_space<vmem>> -> memref<24x24x24xf32, #tpu.memory_space<vmem>>
    %dma_start3A_86 = arith.constant 0 : i32
    %dma_start3A_87 = arith.constant 0 : i32
    %dma_start3A_88 = arith.constant 0 : i32
    %dma_start3A_89 = tpu.memref_slice %arg3[%add3A, %dma_start3A_81, %dma_start3A_86, %dma_start3A_87, %dma_start3A_88] : memref<32x24x24x24x24xf32, #tpu.memory_space<hbm>> -> memref<1x1x24x24x24xf32, #tpu.memory_space<hbm>>
    %dma_start3A_90 = tpu.memref_squeeze %dma_start3A_89 : memref<1x1x24x24x24xf32, #tpu.memory_space<hbm>> -> memref<24x24x24xf32, #tpu.memory_space<hbm>>
    %dma_start3A_91 = arith.constant 0 : i32
    %dma_start3A_92 = arith.constant 0 : i32
    %dma_start3A_93 = arith.constant 0 : i32
    %dma_start3A_94 = tpu.memref_slice %arg3[%add3A, %dma_start3A_81, %dma_start3A_91, %dma_start3A_92, %dma_start3A_93] : memref<32x24x24x24x24xf32, #tpu.memory_space<hbm>> -> memref<1x1x24x24x24xf32, #tpu.memory_space<hbm>>
    %dma_start3A_95 = tpu.memref_squeeze %dma_start3A_94 : memref<1x1x24x24x24xf32, #tpu.memory_space<hbm>> -> memref<24x24x24xf32, #tpu.memory_space<hbm>>
    %dma_start3A_96 = arith.constant 0 : i32
    %dma_start3A_97 = arith.constant 19 : i32
    %dma_start3A_98 = arith.constant 0 : i32
    %dma_start3A_99 = tpu.memref_slice %arg5[%dma_start3A_96, %dma_start3A_97, %dma_start3A_98] : memref<24x47x24xf32, #tpu.memory_space<vmem>> -> memref<24x24x24xf32, #tpu.memory_space<vmem>>
    tpu.enqueue_dma source(%dma_start3A_99 : memref<24x24x24xf32, #tpu.memory_space<vmem>>) target(%dma_start3A_95 : memref<24x24x24xf32, #tpu.memory_space<hbm>>) target_semaphore(%arg6 : memref<!tpu.dma_semaphore, #tpu.memory_space<semaphore_mem>>)
    %dma_start3A_100 = arith.constant 5 : i32
    %dma_start3A_101 = arith.constant 0 : i32
    %dma_start3A_102 = arith.constant 18 : i32
    %dma_start3A_103 = arith.constant 0 : i32
    %dma_start3A_104 = tpu.memref_slice %arg5[%dma_start3A_101, %dma_start3A_102, %dma_start3A_103] : memref<24x47x24xf32, #tpu.memory_space<vmem>> -> memref<24x24x24xf32, #tpu.memory_space<vmem>>
    %dma_start3A_105 = arith.constant 0 : i32
    %dma_start3A_106 = arith.constant 0 : i32
    %dma_start3A_107 = arith.constant 0 : i32
    %dma_start3A_108 = tpu.memref_slice %arg3[%add3A, %dma_start3A_100, %dma_start3A_105, %dma_start3A_106, %dma_start3A_107] : memref<32x24x24x24x24xf32, #tpu.memory_space<hbm>> -> memref<1x1x24x24x24xf32, #tpu.memory_space<hbm>>
    %dma_start3A_109 = tpu.memref_squeeze %dma_start3A_108 : memref<1x1x24x24x24xf32, #tpu.memory_space<hbm>> -> memref<24x24x24xf32, #tpu.memory_space<hbm>>
    %dma_start3A_110 = arith.constant 0 : i32
    %dma_start3A_111 = arith.constant 0 : i32
    %dma_start3A_112 = arith.constant 0 : i32
    %dma_start3A_113 = tpu.memref_slice %arg3[%add3A, %dma_start3A_100, %dma_start3A_110, %dma_start3A_111, %dma_start3A_112] : memref<32x24x24x24x24xf32, #tpu.memory_space<hbm>> -> memref<1x1x24x24x24xf32, #tpu.memory_space<hbm>>
    %dma_start3A_114 = tpu.memref_squeeze %dma_start3A_113 : memref<1x1x24x24x24xf32, #tpu.memory_space<hbm>> -> memref<24x24x24xf32, #tpu.memory_space<hbm>>
    %dma_start3A_115 = arith.constant 0 : i32
    %dma_start3A_116 = arith.constant 18 : i32
    %dma_start3A_117 = arith.constant 0 : i32
    %dma_start3A_118 = tpu.memref_slice %arg5[%dma_start3A_115, %dma_start3A_116, %dma_start3A_117] : memref<24x47x24xf32, #tpu.memory_space<vmem>> -> memref<24x24x24xf32, #tpu.memory_space<vmem>>
    tpu.enqueue_dma source(%dma_start3A_118 : memref<24x24x24xf32, #tpu.memory_space<vmem>>) target(%dma_start3A_114 : memref<24x24x24xf32, #tpu.memory_space<hbm>>) target_semaphore(%arg6 : memref<!tpu.dma_semaphore, #tpu.memory_space<semaphore_mem>>)
    %dma_start3A_119 = arith.constant 6 : i32
    %dma_start3A_120 = arith.constant 0 : i32
    %dma_start3A_121 = arith.constant 17 : i32
    %dma_start3A_122 = arith.constant 0 : i32
    %dma_start3A_123 = tpu.memref_slice %arg5[%dma_start3A_120, %dma_start3A_121, %dma_start3A_122] : memref<24x47x24xf32, #tpu.memory_space<vmem>> -> memref<24x24x24xf32, #tpu.memory_space<vmem>>
    %dma_start3A_124 = arith.constant 0 : i32
    %dma_start3A_125 = arith.constant 0 : i32
    %dma_start3A_126 = arith.constant 0 : i32
    %dma_start3A_127 = tpu.memref_slice %arg3[%add3A, %dma_start3A_119, %dma_start3A_124, %dma_start3A_125, %dma_start3A_126] : memref<32x24x24x24x24xf32, #tpu.memory_space<hbm>> -> memref<1x1x24x24x24xf32, #tpu.memory_space<hbm>>
    %dma_start3A_128 = tpu.memref_squeeze %dma_start3A_127 : memref<1x1x24x24x24xf32, #tpu.memory_space<hbm>> -> memref<24x24x24xf32, #tpu.memory_space<hbm>>
    %dma_start3A_129 = arith.constant 0 : i32
    %dma_start3A_130 = arith.constant 0 : i32
    %dma_start3A_131 = arith.constant 0 : i32
    %dma_start3A_132 = tpu.memref_slice %arg3[%add3A, %dma_start3A_119, %dma_start3A_129, %dma_start3A_130, %dma_start3A_131] : memref<32x24x24x24x24xf32, #tpu.memory_space<hbm>> -> memref<1x1x24x24x24xf32, #tpu.memory_space<hbm>>
    %dma_start3A_133 = tpu.memref_squeeze %dma_start3A_132 : memref<1x1x24x24x24xf32, #tpu.memory_space<hbm>> -> memref<24x24x24xf32, #tpu.memory_space<hbm>>
    %dma_start3A_134 = arith.constant 0 : i32
    %dma_start3A_135 = arith.constant 17 : i32
    %dma_start3A_136 = arith.constant 0 : i32
    %dma_start3A_137 = tpu.memref_slice %arg5[%dma_start3A_134, %dma_start3A_135, %dma_start3A_136] : memref<24x47x24xf32, #tpu.memory_space<vmem>> -> memref<24x24x24xf32, #tpu.memory_space<vmem>>
    tpu.enqueue_dma source(%dma_start3A_137 : memref<24x24x24xf32, #tpu.memory_space<vmem>>) target(%dma_start3A_133 : memref<24x24x24xf32, #tpu.memory_space<hbm>>) target_semaphore(%arg6 : memref<!tpu.dma_semaphore, #tpu.memory_space<semaphore_mem>>)
    %dma_start3A_138 = arith.constant 7 : i32
    %dma_start3A_139 = arith.constant 0 : i32
    %dma_start3A_140 = arith.constant 16 : i32
    %dma_start3A_141 = arith.constant 0 : i32
    %dma_start3A_142 = tpu.memref_slice %arg5[%dma_start3A_139, %dma_start3A_140, %dma_start3A_141] : memref<24x47x24xf32, #tpu.memory_space<vmem>> -> memref<24x24x24xf32, #tpu.memory_space<vmem>>
    %dma_start3A_143 = arith.constant 0 : i32
    %dma_start3A_144 = arith.constant 0 : i32
    %dma_start3A_145 = arith.constant 0 : i32
    %dma_start3A_146 = tpu.memref_slice %arg3[%add3A, %dma_start3A_138, %dma_start3A_143, %dma_start3A_144, %dma_start3A_145] : memref<32x24x24x24x24xf32, #tpu.memory_space<hbm>> -> memref<1x1x24x24x24xf32, #tpu.memory_space<hbm>>
    %dma_start3A_147 = tpu.memref_squeeze %dma_start3A_146 : memref<1x1x24x24x24xf32, #tpu.memory_space<hbm>> -> memref<24x24x24xf32, #tpu.memory_space<hbm>>
    %dma_start3A_148 = arith.constant 0 : i32
    %dma_start3A_149 = arith.constant 0 : i32
    %dma_start3A_150 = arith.constant 0 : i32
    %dma_start3A_151 = tpu.memref_slice %arg3[%add3A, %dma_start3A_138, %dma_start3A_148, %dma_start3A_149, %dma_start3A_150] : memref<32x24x24x24x24xf32, #tpu.memory_space<hbm>> -> memref<1x1x24x24x24xf32, #tpu.memory_space<hbm>>
    %dma_start3A_152 = tpu.memref_squeeze %dma_start3A_151 : memref<1x1x24x24x24xf32, #tpu.memory_space<hbm>> -> memref<24x24x24xf32, #tpu.memory_space<hbm>>
    %dma_start3A_153 = arith.constant 0 : i32
    %dma_start3A_154 = arith.constant 16 : i32
    %dma_start3A_155 = arith.constant 0 : i32
    %dma_start3A_156 = tpu.memref_slice %arg5[%dma_start3A_153, %dma_start3A_154, %dma_start3A_155] : memref<24x47x24xf32, #tpu.memory_space<vmem>> -> memref<24x24x24xf32, #tpu.memory_space<vmem>>
    tpu.enqueue_dma source(%dma_start3A_156 : memref<24x24x24xf32, #tpu.memory_space<vmem>>) target(%dma_start3A_152 : memref<24x24x24xf32, #tpu.memory_space<hbm>>) target_semaphore(%arg6 : memref<!tpu.dma_semaphore, #tpu.memory_space<semaphore_mem>>)
    %dma_start3A_157 = arith.constant 8 : i32
    %dma_start3A_158 = arith.constant 0 : i32
    %dma_start3A_159 = arith.constant 15 : i32
    %dma_start3A_160 = arith.constant 0 : i32
    %dma_start3A_161 = tpu.memref_slice %arg5[%dma_start3A_158, %dma_start3A_159, %dma_start3A_160] : memref<24x47x24xf32, #tpu.memory_space<vmem>> -> memref<24x24x24xf32, #tpu.memory_space<vmem>>
    %dma_start3A_162 = arith.constant 0 : i32
    %dma_start3A_163 = arith.constant 0 : i32
    %dma_start3A_164 = arith.constant 0 : i32
    %dma_start3A_165 = tpu.memref_slice %arg3[%add3A, %dma_start3A_157, %dma_start3A_162, %dma_start3A_163, %dma_start3A_164] : memref<32x24x24x24x24xf32, #tpu.memory_space<hbm>> -> memref<1x1x24x24x24xf32, #tpu.memory_space<hbm>>
    %dma_start3A_166 = tpu.memref_squeeze %dma_start3A_165 : memref<1x1x24x24x24xf32, #tpu.memory_space<hbm>> -> memref<24x24x24xf32, #tpu.memory_space<hbm>>
    %dma_start3A_167 = arith.constant 0 : i32
    %dma_start3A_168 = arith.constant 0 : i32
    %dma_start3A_169 = arith.constant 0 : i32
    %dma_start3A_170 = tpu.memref_slice %arg3[%add3A, %dma_start3A_157, %dma_start3A_167, %dma_start3A_168, %dma_start3A_169] : memref<32x24x24x24x24xf32, #tpu.memory_space<hbm>> -> memref<1x1x24x24x24xf32, #tpu.memory_space<hbm>>
    %dma_start3A_171 = tpu.memref_squeeze %dma_start3A_170 : memref<1x1x24x24x24xf32, #tpu.memory_space<hbm>> -> memref<24x24x24xf32, #tpu.memory_space<hbm>>
    %dma_start3A_172 = arith.constant 0 : i32
    %dma_start3A_173 = arith.constant 15 : i32
    %dma_start3A_174 = arith.constant 0 : i32
    %dma_start3A_175 = tpu.memref_slice %arg5[%dma_start3A_172, %dma_start3A_173, %dma_start3A_174] : memref<24x47x24xf32, #tpu.memory_space<vmem>> -> memref<24x24x24xf32, #tpu.memory_space<vmem>>
    tpu.enqueue_dma source(%dma_start3A_175 : memref<24x24x24xf32, #tpu.memory_space<vmem>>) target(%dma_start3A_171 : memref<24x24x24xf32, #tpu.memory_space<hbm>>) target_semaphore(%arg6 : memref<!tpu.dma_semaphore, #tpu.memory_space<semaphore_mem>>)
    %dma_start3A_176 = arith.constant 9 : i32
    %dma_start3A_177 = arith.constant 0 : i32
    %dma_start3A_178 = arith.constant 14 : i32
    %dma_start3A_179 = arith.constant 0 : i32
    %dma_start3A_180 = tpu.memref_slice %arg5[%dma_start3A_177, %dma_start3A_178, %dma_start3A_179] : memref<24x47x24xf32, #tpu.memory_space<vmem>> -> memref<24x24x24xf32, #tpu.memory_space<vmem>>
    %dma_start3A_181 = arith.constant 0 : i32
    %dma_start3A_182 = arith.constant 0 : i32
    %dma_start3A_183 = arith.constant 0 : i32
    %dma_start3A_184 = tpu.memref_slice %arg3[%add3A, %dma_start3A_176, %dma_start3A_181, %dma_start3A_182, %dma_start3A_183] : memref<32x24x24x24x24xf32, #tpu.memory_space<hbm>> -> memref<1x1x24x24x24xf32, #tpu.memory_space<hbm>>
    %dma_start3A_185 = tpu.memref_squeeze %dma_start3A_184 : memref<1x1x24x24x24xf32, #tpu.memory_space<hbm>> -> memref<24x24x24xf32, #tpu.memory_space<hbm>>
    %dma_start3A_186 = arith.constant 0 : i32
    %dma_start3A_187 = arith.constant 0 : i32
    %dma_start3A_188 = arith.constant 0 : i32
    %dma_start3A_189 = tpu.memref_slice %arg3[%add3A, %dma_start3A_176, %dma_start3A_186, %dma_start3A_187, %dma_start3A_188] : memref<32x24x24x24x24xf32, #tpu.memory_space<hbm>> -> memref<1x1x24x24x24xf32, #tpu.memory_space<hbm>>
    %dma_start3A_190 = tpu.memref_squeeze %dma_start3A_189 : memref<1x1x24x24x24xf32, #tpu.memory_space<hbm>> -> memref<24x24x24xf32, #tpu.memory_space<hbm>>
    %dma_start3A_191 = arith.constant 0 : i32
    %dma_start3A_192 = arith.constant 14 : i32
    %dma_start3A_193 = arith.constant 0 : i32
    %dma_start3A_194 = tpu.memref_slice %arg5[%dma_start3A_191, %dma_start3A_192, %dma_start3A_193] : memref<24x47x24xf32, #tpu.memory_space<vmem>> -> memref<24x24x24xf32, #tpu.memory_space<vmem>>
    tpu.enqueue_dma source(%dma_start3A_194 : memref<24x24x24xf32, #tpu.memory_space<vmem>>) target(%dma_start3A_190 : memref<24x24x24xf32, #tpu.memory_space<hbm>>) target_semaphore(%arg6 : memref<!tpu.dma_semaphore, #tpu.memory_space<semaphore_mem>>)
    %dma_start3A_195 = arith.constant 10 : i32
    %dma_start3A_196 = arith.constant 0 : i32
    %dma_start3A_197 = arith.constant 13 : i32
    %dma_start3A_198 = arith.constant 0 : i32
    %dma_start3A_199 = tpu.memref_slice %arg5[%dma_start3A_196, %dma_start3A_197, %dma_start3A_198] : memref<24x47x24xf32, #tpu.memory_space<vmem>> -> memref<24x24x24xf32, #tpu.memory_space<vmem>>
    %dma_start3A_200 = arith.constant 0 : i32
    %dma_start3A_201 = arith.constant 0 : i32
    %dma_start3A_202 = arith.constant 0 : i32
    %dma_start3A_203 = tpu.memref_slice %arg3[%add3A, %dma_start3A_195, %dma_start3A_200, %dma_start3A_201, %dma_start3A_202] : memref<32x24x24x24x24xf32, #tpu.memory_space<hbm>> -> memref<1x1x24x24x24xf32, #tpu.memory_space<hbm>>
    %dma_start3A_204 = tpu.memref_squeeze %dma_start3A_203 : memref<1x1x24x24x24xf32, #tpu.memory_space<hbm>> -> memref<24x24x24xf32, #tpu.memory_space<hbm>>
    %dma_start3A_205 = arith.constant 0 : i32
    %dma_start3A_206 = arith.constant 0 : i32
    %dma_start3A_207 = arith.constant 0 : i32
    %dma_start3A_208 = tpu.memref_slice %arg3[%add3A, %dma_start3A_195, %dma_start3A_205, %dma_start3A_206, %dma_start3A_207] : memref<32x24x24x24x24xf32, #tpu.memory_space<hbm>> -> memref<1x1x24x24x24xf32, #tpu.memory_space<hbm>>
    %dma_start3A_209 = tpu.memref_squeeze %dma_start3A_208 : memref<1x1x24x24x24xf32, #tpu.memory_space<hbm>> -> memref<24x24x24xf32, #tpu.memory_space<hbm>>
    %dma_start3A_210 = arith.constant 0 : i32
    %dma_start3A_211 = arith.constant 13 : i32
    %dma_start3A_212 = arith.constant 0 : i32
    %dma_start3A_213 = tpu.memref_slice %arg5[%dma_start3A_210, %dma_start3A_211, %dma_start3A_212] : memref<24x47x24xf32, #tpu.memory_space<vmem>> -> memref<24x24x24xf32, #tpu.memory_space<vmem>>
    tpu.enqueue_dma source(%dma_start3A_213 : memref<24x24x24xf32, #tpu.memory_space<vmem>>) target(%dma_start3A_209 : memref<24x24x24xf32, #tpu.memory_space<hbm>>) target_semaphore(%arg6 : memref<!tpu.dma_semaphore, #tpu.memory_space<semaphore_mem>>)
    %dma_start3A_214 = arith.constant 11 : i32
    %dma_start3A_215 = arith.constant 0 : i32
    %dma_start3A_216 = arith.constant 12 : i32
    %dma_start3A_217 = arith.constant 0 : i32
    %dma_start3A_218 = tpu.memref_slice %arg5[%dma_start3A_215, %dma_start3A_216, %dma_start3A_217] : memref<24x47x24xf32, #tpu.memory_space<vmem>> -> memref<24x24x24xf32, #tpu.memory_space<vmem>>
    %dma_start3A_219 = arith.constant 0 : i32
    %dma_start3A_220 = arith.constant 0 : i32
    %dma_start3A_221 = arith.constant 0 : i32
    %dma_start3A_222 = tpu.memref_slice %arg3[%add3A, %dma_start3A_214, %dma_start3A_219, %dma_start3A_220, %dma_start3A_221] : memref<32x24x24x24x24xf32, #tpu.memory_space<hbm>> -> memref<1x1x24x24x24xf32, #tpu.memory_space<hbm>>
    %dma_start3A_223 = tpu.memref_squeeze %dma_start3A_222 : memref<1x1x24x24x24xf32, #tpu.memory_space<hbm>> -> memref<24x24x24xf32, #tpu.memory_space<hbm>>
    %dma_start3A_224 = arith.constant 0 : i32
    %dma_start3A_225 = arith.constant 0 : i32
    %dma_start3A_226 = arith.constant 0 : i32
    %dma_start3A_227 = tpu.memref_slice %arg3[%add3A, %dma_start3A_214, %dma_start3A_224, %dma_start3A_225, %dma_start3A_226] : memref<32x24x24x24x24xf32, #tpu.memory_space<hbm>> -> memref<1x1x24x24x24xf32, #tpu.memory_space<hbm>>
    %dma_start3A_228 = tpu.memref_squeeze %dma_start3A_227 : memref<1x1x24x24x24xf32, #tpu.memory_space<hbm>> -> memref<24x24x24xf32, #tpu.memory_space<hbm>>
    %dma_start3A_229 = arith.constant 0 : i32
    %dma_start3A_230 = arith.constant 12 : i32
    %dma_start3A_231 = arith.constant 0 : i32
    %dma_start3A_232 = tpu.memref_slice %arg5[%dma_start3A_229, %dma_start3A_230, %dma_start3A_231] : memref<24x47x24xf32, #tpu.memory_space<vmem>> -> memref<24x24x24xf32, #tpu.memory_space<vmem>>
    tpu.enqueue_dma source(%dma_start3A_232 : memref<24x24x24xf32, #tpu.memory_space<vmem>>) target(%dma_start3A_228 : memref<24x24x24xf32, #tpu.memory_space<hbm>>) target_semaphore(%arg6 : memref<!tpu.dma_semaphore, #tpu.memory_space<semaphore_mem>>)
    %dma_start3A_233 = arith.constant 12 : i32
    %dma_start3A_234 = arith.constant 0 : i32
    %dma_start3A_235 = arith.constant 11 : i32
    %dma_start3A_236 = arith.constant 0 : i32
    %dma_start3A_237 = tpu.memref_slice %arg5[%dma_start3A_234, %dma_start3A_235, %dma_start3A_236] : memref<24x47x24xf32, #tpu.memory_space<vmem>> -> memref<24x24x24xf32, #tpu.memory_space<vmem>>
    %dma_start3A_238 = arith.constant 0 : i32
    %dma_start3A_239 = arith.constant 0 : i32
    %dma_start3A_240 = arith.constant 0 : i32
    %dma_start3A_241 = tpu.memref_slice %arg3[%add3A, %dma_start3A_233, %dma_start3A_238, %dma_start3A_239, %dma_start3A_240] : memref<32x24x24x24x24xf32, #tpu.memory_space<hbm>> -> memref<1x1x24x24x24xf32, #tpu.memory_space<hbm>>
    %dma_start3A_242 = tpu.memref_squeeze %dma_start3A_241 : memref<1x1x24x24x24xf32, #tpu.memory_space<hbm>> -> memref<24x24x24xf32, #tpu.memory_space<hbm>>
    %dma_start3A_243 = arith.constant 0 : i32
    %dma_start3A_244 = arith.constant 0 : i32
    %dma_start3A_245 = arith.constant 0 : i32
    %dma_start3A_246 = tpu.memref_slice %arg3[%add3A, %dma_start3A_233, %dma_start3A_243, %dma_start3A_244, %dma_start3A_245] : memref<32x24x24x24x24xf32, #tpu.memory_space<hbm>> -> memref<1x1x24x24x24xf32, #tpu.memory_space<hbm>>
    %dma_start3A_247 = tpu.memref_squeeze %dma_start3A_246 : memref<1x1x24x24x24xf32, #tpu.memory_space<hbm>> -> memref<24x24x24xf32, #tpu.memory_space<hbm>>
    %dma_start3A_248 = arith.constant 0 : i32
    %dma_start3A_249 = arith.constant 11 : i32
    %dma_start3A_250 = arith.constant 0 : i32
    %dma_start3A_251 = tpu.memref_slice %arg5[%dma_start3A_248, %dma_start3A_249, %dma_start3A_250] : memref<24x47x24xf32, #tpu.memory_space<vmem>> -> memref<24x24x24xf32, #tpu.memory_space<vmem>>
    tpu.enqueue_dma source(%dma_start3A_251 : memref<24x24x24xf32, #tpu.memory_space<vmem>>) target(%dma_start3A_247 : memref<24x24x24xf32, #tpu.memory_space<hbm>>) target_semaphore(%arg6 : memref<!tpu.dma_semaphore, #tpu.memory_space<semaphore_mem>>)
    %dma_start3A_252 = arith.constant 13 : i32
    %dma_start3A_253 = arith.constant 0 : i32
    %dma_start3A_254 = arith.constant 10 : i32
    %dma_start3A_255 = arith.constant 0 : i32
    %dma_start3A_256 = tpu.memref_slice %arg5[%dma_start3A_253, %dma_start3A_254, %dma_start3A_255] : memref<24x47x24xf32, #tpu.memory_space<vmem>> -> memref<24x24x24xf32, #tpu.memory_space<vmem>>
    %dma_start3A_257 = arith.constant 0 : i32
    %dma_start3A_258 = arith.constant 0 : i32
    %dma_start3A_259 = arith.constant 0 : i32
    %dma_start3A_260 = tpu.memref_slice %arg3[%add3A, %dma_start3A_252, %dma_start3A_257, %dma_start3A_258, %dma_start3A_259] : memref<32x24x24x24x24xf32, #tpu.memory_space<hbm>> -> memref<1x1x24x24x24xf32, #tpu.memory_space<hbm>>
    %dma_start3A_261 = tpu.memref_squeeze %dma_start3A_260 : memref<1x1x24x24x24xf32, #tpu.memory_space<hbm>> -> memref<24x24x24xf32, #tpu.memory_space<hbm>>
    %dma_start3A_262 = arith.constant 0 : i32
    %dma_start3A_263 = arith.constant 0 : i32
    %dma_start3A_264 = arith.constant 0 : i32
    %dma_start3A_265 = tpu.memref_slice %arg3[%add3A, %dma_start3A_252, %dma_start3A_262, %dma_start3A_263, %dma_start3A_264] : memref<32x24x24x24x24xf32, #tpu.memory_space<hbm>> -> memref<1x1x24x24x24xf32, #tpu.memory_space<hbm>>
    %dma_start3A_266 = tpu.memref_squeeze %dma_start3A_265 : memref<1x1x24x24x24xf32, #tpu.memory_space<hbm>> -> memref<24x24x24xf32, #tpu.memory_space<hbm>>
    %dma_start3A_267 = arith.constant 0 : i32
    %dma_start3A_268 = arith.constant 10 : i32
    %dma_start3A_269 = arith.constant 0 : i32
    %dma_start3A_270 = tpu.memref_slice %arg5[%dma_start3A_267, %dma_start3A_268, %dma_start3A_269] : memref<24x47x24xf32, #tpu.memory_space<vmem>> -> memref<24x24x24xf32, #tpu.memory_space<vmem>>
    tpu.enqueue_dma source(%dma_start3A_270 : memref<24x24x24xf32, #tpu.memory_space<vmem>>) target(%dma_start3A_266 : memref<24x24x24xf32, #tpu.memory_space<hbm>>) target_semaphore(%arg6 : memref<!tpu.dma_semaphore, #tpu.memory_space<semaphore_mem>>)
    %dma_start3A_271 = arith.constant 14 : i32
    %dma_start3A_272 = arith.constant 0 : i32
    %dma_start3A_273 = arith.constant 9 : i32
    %dma_start3A_274 = arith.constant 0 : i32
    %dma_start3A_275 = tpu.memref_slice %arg5[%dma_start3A_272, %dma_start3A_273, %dma_start3A_274] : memref<24x47x24xf32, #tpu.memory_space<vmem>> -> memref<24x24x24xf32, #tpu.memory_space<vmem>>
    %dma_start3A_276 = arith.constant 0 : i32
    %dma_start3A_277 = arith.constant 0 : i32
    %dma_start3A_278 = arith.constant 0 : i32
    %dma_start3A_279 = tpu.memref_slice %arg3[%add3A, %dma_start3A_271, %dma_start3A_276, %dma_start3A_277, %dma_start3A_278] : memref<32x24x24x24x24xf32, #tpu.memory_space<hbm>> -> memref<1x1x24x24x24xf32, #tpu.memory_space<hbm>>
    %dma_start3A_280 = tpu.memref_squeeze %dma_start3A_279 : memref<1x1x24x24x24xf32, #tpu.memory_space<hbm>> -> memref<24x24x24xf32, #tpu.memory_space<hbm>>
    %dma_start3A_281 = arith.constant 0 : i32
    %dma_start3A_282 = arith.constant 0 : i32
    %dma_start3A_283 = arith.constant 0 : i32
    %dma_start3A_284 = tpu.memref_slice %arg3[%add3A, %dma_start3A_271, %dma_start3A_281, %dma_start3A_282, %dma_start3A_283] : memref<32x24x24x24x24xf32, #tpu.memory_space<hbm>> -> memref<1x1x24x24x24xf32, #tpu.memory_space<hbm>>
    %dma_start3A_285 = tpu.memref_squeeze %dma_start3A_284 : memref<1x1x24x24x24xf32, #tpu.memory_space<hbm>> -> memref<24x24x24xf32, #tpu.memory_space<hbm>>
    %dma_start3A_286 = arith.constant 0 : i32
    %dma_start3A_287 = arith.constant 9 : i32
    %dma_start3A_288 = arith.constant 0 : i32
    %dma_start3A_289 = tpu.memref_slice %arg5[%dma_start3A_286, %dma_start3A_287, %dma_start3A_288] : memref<24x47x24xf32, #tpu.memory_space<vmem>> -> memref<24x24x24xf32, #tpu.memory_space<vmem>>
    tpu.enqueue_dma source(%dma_start3A_289 : memref<24x24x24xf32, #tpu.memory_space<vmem>>) target(%dma_start3A_285 : memref<24x24x24xf32, #tpu.memory_space<hbm>>) target_semaphore(%arg6 : memref<!tpu.dma_semaphore, #tpu.memory_space<semaphore_mem>>)
    %dma_start3A_290 = arith.constant 15 : i32
    %dma_start3A_291 = arith.constant 0 : i32
    %dma_start3A_292 = arith.constant 8 : i32
    %dma_start3A_293 = arith.constant 0 : i32
    %dma_start3A_294 = tpu.memref_slice %arg5[%dma_start3A_291, %dma_start3A_292, %dma_start3A_293] : memref<24x47x24xf32, #tpu.memory_space<vmem>> -> memref<24x24x24xf32, #tpu.memory_space<vmem>>
    %dma_start3A_295 = arith.constant 0 : i32
    %dma_start3A_296 = arith.constant 0 : i32
    %dma_start3A_297 = arith.constant 0 : i32
    %dma_start3A_298 = tpu.memref_slice %arg3[%add3A, %dma_start3A_290, %dma_start3A_295, %dma_start3A_296, %dma_start3A_297] : memref<32x24x24x24x24xf32, #tpu.memory_space<hbm>> -> memref<1x1x24x24x24xf32, #tpu.memory_space<hbm>>
    %dma_start3A_299 = tpu.memref_squeeze %dma_start3A_298 : memref<1x1x24x24x24xf32, #tpu.memory_space<hbm>> -> memref<24x24x24xf32, #tpu.memory_space<hbm>>
    %dma_start3A_300 = arith.constant 0 : i32
    %dma_start3A_301 = arith.constant 0 : i32
    %dma_start3A_302 = arith.constant 0 : i32
    %dma_start3A_303 = tpu.memref_slice %arg3[%add3A, %dma_start3A_290, %dma_start3A_300, %dma_start3A_301, %dma_start3A_302] : memref<32x24x24x24x24xf32, #tpu.memory_space<hbm>> -> memref<1x1x24x24x24xf32, #tpu.memory_space<hbm>>
    %dma_start3A_304 = tpu.memref_squeeze %dma_start3A_303 : memref<1x1x24x24x24xf32, #tpu.memory_space<hbm>> -> memref<24x24x24xf32, #tpu.memory_space<hbm>>
    %dma_start3A_305 = arith.constant 0 : i32
    %dma_start3A_306 = arith.constant 8 : i32
    %dma_start3A_307 = arith.constant 0 : i32
    %dma_start3A_308 = tpu.memref_slice %arg5[%dma_start3A_305, %dma_start3A_306, %dma_start3A_307] : memref<24x47x24xf32, #tpu.memory_space<vmem>> -> memref<24x24x24xf32, #tpu.memory_space<vmem>>
    tpu.enqueue_dma source(%dma_start3A_308 : memref<24x24x24xf32, #tpu.memory_space<vmem>>) target(%dma_start3A_304 : memref<24x24x24xf32, #tpu.memory_space<hbm>>) target_semaphore(%arg6 : memref<!tpu.dma_semaphore, #tpu.memory_space<semaphore_mem>>)
    %dma_start3A_309 = arith.constant 16 : i32
    %dma_start3A_310 = arith.constant 0 : i32
    %dma_start3A_311 = arith.constant 7 : i32
    %dma_start3A_312 = arith.constant 0 : i32
    %dma_start3A_313 = tpu.memref_slice %arg5[%dma_start3A_310, %dma_start3A_311, %dma_start3A_312] : memref<24x47x24xf32, #tpu.memory_space<vmem>> -> memref<24x24x24xf32, #tpu.memory_space<vmem>>
    %dma_start3A_314 = arith.constant 0 : i32
    %dma_start3A_315 = arith.constant 0 : i32
    %dma_start3A_316 = arith.constant 0 : i32
    %dma_start3A_317 = tpu.memref_slice %arg3[%add3A, %dma_start3A_309, %dma_start3A_314, %dma_start3A_315, %dma_start3A_316] : memref<32x24x24x24x24xf32, #tpu.memory_space<hbm>> -> memref<1x1x24x24x24xf32, #tpu.memory_space<hbm>>
    %dma_start3A_318 = tpu.memref_squeeze %dma_start3A_317 : memref<1x1x24x24x24xf32, #tpu.memory_space<hbm>> -> memref<24x24x24xf32, #tpu.memory_space<hbm>>
    %dma_start3A_319 = arith.constant 0 : i32
    %dma_start3A_320 = arith.constant 0 : i32
    %dma_start3A_321 = arith.constant 0 : i32
    %dma_start3A_322 = tpu.memref_slice %arg3[%add3A, %dma_start3A_309, %dma_start3A_319, %dma_start3A_320, %dma_start3A_321] : memref<32x24x24x24x24xf32, #tpu.memory_space<hbm>> -> memref<1x1x24x24x24xf32, #tpu.memory_space<hbm>>
    %dma_start3A_323 = tpu.memref_squeeze %dma_start3A_322 : memref<1x1x24x24x24xf32, #tpu.memory_space<hbm>> -> memref<24x24x24xf32, #tpu.memory_space<hbm>>
    %dma_start3A_324 = arith.constant 0 : i32
    %dma_start3A_325 = arith.constant 7 : i32
    %dma_start3A_326 = arith.constant 0 : i32
    %dma_start3A_327 = tpu.memref_slice %arg5[%dma_start3A_324, %dma_start3A_325, %dma_start3A_326] : memref<24x47x24xf32, #tpu.memory_space<vmem>> -> memref<24x24x24xf32, #tpu.memory_space<vmem>>
    tpu.enqueue_dma source(%dma_start3A_327 : memref<24x24x24xf32, #tpu.memory_space<vmem>>) target(%dma_start3A_323 : memref<24x24x24xf32, #tpu.memory_space<hbm>>) target_semaphore(%arg6 : memref<!tpu.dma_semaphore, #tpu.memory_space<semaphore_mem>>)
    %dma_start3A_328 = arith.constant 17 : i32
    %dma_start3A_329 = arith.constant 0 : i32
    %dma_start3A_330 = arith.constant 6 : i32
    %dma_start3A_331 = arith.constant 0 : i32
    %dma_start3A_332 = tpu.memref_slice %arg5[%dma_start3A_329, %dma_start3A_330, %dma_start3A_331] : memref<24x47x24xf32, #tpu.memory_space<vmem>> -> memref<24x24x24xf32, #tpu.memory_space<vmem>>
    %dma_start3A_333 = arith.constant 0 : i32
    %dma_start3A_334 = arith.constant 0 : i32
    %dma_start3A_335 = arith.constant 0 : i32
    %dma_start3A_336 = tpu.memref_slice %arg3[%add3A, %dma_start3A_328, %dma_start3A_333, %dma_start3A_334, %dma_start3A_335] : memref<32x24x24x24x24xf32, #tpu.memory_space<hbm>> -> memref<1x1x24x24x24xf32, #tpu.memory_space<hbm>>
    %dma_start3A_337 = tpu.memref_squeeze %dma_start3A_336 : memref<1x1x24x24x24xf32, #tpu.memory_space<hbm>> -> memref<24x24x24xf32, #tpu.memory_space<hbm>>
    %dma_start3A_338 = arith.constant 0 : i32
    %dma_start3A_339 = arith.constant 0 : i32
    %dma_start3A_340 = arith.constant 0 : i32
    %dma_start3A_341 = tpu.memref_slice %arg3[%add3A, %dma_start3A_328, %dma_start3A_338, %dma_start3A_339, %dma_start3A_340] : memref<32x24x24x24x24xf32, #tpu.memory_space<hbm>> -> memref<1x1x24x24x24xf32, #tpu.memory_space<hbm>>
    %dma_start3A_342 = tpu.memref_squeeze %dma_start3A_341 : memref<1x1x24x24x24xf32, #tpu.memory_space<hbm>> -> memref<24x24x24xf32, #tpu.memory_space<hbm>>
    %dma_start3A_343 = arith.constant 0 : i32
    %dma_start3A_344 = arith.constant 6 : i32
    %dma_start3A_345 = arith.constant 0 : i32
    %dma_start3A_346 = tpu.memref_slice %arg5[%dma_start3A_343, %dma_start3A_344, %dma_start3A_345] : memref<24x47x24xf32, #tpu.memory_space<vmem>> -> memref<24x24x24xf32, #tpu.memory_space<vmem>>
    tpu.enqueue_dma source(%dma_start3A_346 : memref<24x24x24xf32, #tpu.memory_space<vmem>>) target(%dma_start3A_342 : memref<24x24x24xf32, #tpu.memory_space<hbm>>) target_semaphore(%arg6 : memref<!tpu.dma_semaphore, #tpu.memory_space<semaphore_mem>>)
    %dma_start3A_347 = arith.constant 18 : i32
    %dma_start3A_348 = arith.constant 0 : i32
    %dma_start3A_349 = arith.constant 5 : i32
    %dma_start3A_350 = arith.constant 0 : i32
    %dma_start3A_351 = tpu.memref_slice %arg5[%dma_start3A_348, %dma_start3A_349, %dma_start3A_350] : memref<24x47x24xf32, #tpu.memory_space<vmem>> -> memref<24x24x24xf32, #tpu.memory_space<vmem>>
    %dma_start3A_352 = arith.constant 0 : i32
    %dma_start3A_353 = arith.constant 0 : i32
    %dma_start3A_354 = arith.constant 0 : i32
    %dma_start3A_355 = tpu.memref_slice %arg3[%add3A, %dma_start3A_347, %dma_start3A_352, %dma_start3A_353, %dma_start3A_354] : memref<32x24x24x24x24xf32, #tpu.memory_space<hbm>> -> memref<1x1x24x24x24xf32, #tpu.memory_space<hbm>>
    %dma_start3A_356 = tpu.memref_squeeze %dma_start3A_355 : memref<1x1x24x24x24xf32, #tpu.memory_space<hbm>> -> memref<24x24x24xf32, #tpu.memory_space<hbm>>
    %dma_start3A_357 = arith.constant 0 : i32
    %dma_start3A_358 = arith.constant 0 : i32
    %dma_start3A_359 = arith.constant 0 : i32
    %dma_start3A_360 = tpu.memref_slice %arg3[%add3A, %dma_start3A_347, %dma_start3A_357, %dma_start3A_358, %dma_start3A_359] : memref<32x24x24x24x24xf32, #tpu.memory_space<hbm>> -> memref<1x1x24x24x24xf32, #tpu.memory_space<hbm>>
    %dma_start3A_361 = tpu.memref_squeeze %dma_start3A_360 : memref<1x1x24x24x24xf32, #tpu.memory_space<hbm>> -> memref<24x24x24xf32, #tpu.memory_space<hbm>>
    %dma_start3A_362 = arith.constant 0 : i32
    %dma_start3A_363 = arith.constant 5 : i32
    %dma_start3A_364 = arith.constant 0 : i32
    %dma_start3A_365 = tpu.memref_slice %arg5[%dma_start3A_362, %dma_start3A_363, %dma_start3A_364] : memref<24x47x24xf32, #tpu.memory_space<vmem>> -> memref<24x24x24xf32, #tpu.memory_space<vmem>>
    tpu.enqueue_dma source(%dma_start3A_365 : memref<24x24x24xf32, #tpu.memory_space<vmem>>) target(%dma_start3A_361 : memref<24x24x24xf32, #tpu.memory_space<hbm>>) target_semaphore(%arg6 : memref<!tpu.dma_semaphore, #tpu.memory_space<semaphore_mem>>)
    %dma_start3A_366 = arith.constant 19 : i32
    %dma_start3A_367 = arith.constant 0 : i32
    %dma_start3A_368 = arith.constant 4 : i32
    %dma_start3A_369 = arith.constant 0 : i32
    %dma_start3A_370 = tpu.memref_slice %arg5[%dma_start3A_367, %dma_start3A_368, %dma_start3A_369] : memref<24x47x24xf32, #tpu.memory_space<vmem>> -> memref<24x24x24xf32, #tpu.memory_space<vmem>>
    %dma_start3A_371 = arith.constant 0 : i32
    %dma_start3A_372 = arith.constant 0 : i32
    %dma_start3A_373 = arith.constant 0 : i32
    %dma_start3A_374 = tpu.memref_slice %arg3[%add3A, %dma_start3A_366, %dma_start3A_371, %dma_start3A_372, %dma_start3A_373] : memref<32x24x24x24x24xf32, #tpu.memory_space<hbm>> -> memref<1x1x24x24x24xf32, #tpu.memory_space<hbm>>
    %dma_start3A_375 = tpu.memref_squeeze %dma_start3A_374 : memref<1x1x24x24x24xf32, #tpu.memory_space<hbm>> -> memref<24x24x24xf32, #tpu.memory_space<hbm>>
    %dma_start3A_376 = arith.constant 0 : i32
    %dma_start3A_377 = arith.constant 0 : i32
    %dma_start3A_378 = arith.constant 0 : i32
    %dma_start3A_379 = tpu.memref_slice %arg3[%add3A, %dma_start3A_366, %dma_start3A_376, %dma_start3A_377, %dma_start3A_378] : memref<32x24x24x24x24xf32, #tpu.memory_space<hbm>> -> memref<1x1x24x24x24xf32, #tpu.memory_space<hbm>>
    %dma_start3A_380 = tpu.memref_squeeze %dma_start3A_379 : memref<1x1x24x24x24xf32, #tpu.memory_space<hbm>> -> memref<24x24x24xf32, #tpu.memory_space<hbm>>
    %dma_start3A_381 = arith.constant 0 : i32
    %dma_start3A_382 = arith.constant 4 : i32
    %dma_start3A_383 = arith.constant 0 : i32
    %dma_start3A_384 = tpu.memref_slice %arg5[%dma_start3A_381, %dma_start3A_382, %dma_start3A_383] : memref<24x47x24xf32, #tpu.memory_space<vmem>> -> memref<24x24x24xf32, #tpu.memory_space<vmem>>
    tpu.enqueue_dma source(%dma_start3A_384 : memref<24x24x24xf32, #tpu.memory_space<vmem>>) target(%dma_start3A_380 : memref<24x24x24xf32, #tpu.memory_space<hbm>>) target_semaphore(%arg6 : memref<!tpu.dma_semaphore, #tpu.memory_space<semaphore_mem>>)
    %dma_start3A_385 = arith.constant 20 : i32
    %dma_start3A_386 = arith.constant 0 : i32
    %dma_start3A_387 = arith.constant 3 : i32
    %dma_start3A_388 = arith.constant 0 : i32
    %dma_start3A_389 = tpu.memref_slice %arg5[%dma_start3A_386, %dma_start3A_387, %dma_start3A_388] : memref<24x47x24xf32, #tpu.memory_space<vmem>> -> memref<24x24x24xf32, #tpu.memory_space<vmem>>
    %dma_start3A_390 = arith.constant 0 : i32
    %dma_start3A_391 = arith.constant 0 : i32
    %dma_start3A_392 = arith.constant 0 : i32
    %dma_start3A_393 = tpu.memref_slice %arg3[%add3A, %dma_start3A_385, %dma_start3A_390, %dma_start3A_391, %dma_start3A_392] : memref<32x24x24x24x24xf32, #tpu.memory_space<hbm>> -> memref<1x1x24x24x24xf32, #tpu.memory_space<hbm>>
    %dma_start3A_394 = tpu.memref_squeeze %dma_start3A_393 : memref<1x1x24x24x24xf32, #tpu.memory_space<hbm>> -> memref<24x24x24xf32, #tpu.memory_space<hbm>>
    %dma_start3A_395 = arith.constant 0 : i32
    %dma_start3A_396 = arith.constant 0 : i32
    %dma_start3A_397 = arith.constant 0 : i32
    %dma_start3A_398 = tpu.memref_slice %arg3[%add3A, %dma_start3A_385, %dma_start3A_395, %dma_start3A_396, %dma_start3A_397] : memref<32x24x24x24x24xf32, #tpu.memory_space<hbm>> -> memref<1x1x24x24x24xf32, #tpu.memory_space<hbm>>
    %dma_start3A_399 = tpu.memref_squeeze %dma_start3A_398 : memref<1x1x24x24x24xf32, #tpu.memory_space<hbm>> -> memref<24x24x24xf32, #tpu.memory_space<hbm>>
    %dma_start3A_400 = arith.constant 0 : i32
    %dma_start3A_401 = arith.constant 3 : i32
    %dma_start3A_402 = arith.constant 0 : i32
    %dma_start3A_403 = tpu.memref_slice %arg5[%dma_start3A_400, %dma_start3A_401, %dma_start3A_402] : memref<24x47x24xf32, #tpu.memory_space<vmem>> -> memref<24x24x24xf32, #tpu.memory_space<vmem>>
    tpu.enqueue_dma source(%dma_start3A_403 : memref<24x24x24xf32, #tpu.memory_space<vmem>>) target(%dma_start3A_399 : memref<24x24x24xf32, #tpu.memory_space<hbm>>) target_semaphore(%arg6 : memref<!tpu.dma_semaphore, #tpu.memory_space<semaphore_mem>>)
    %dma_start3A_404 = arith.constant 21 : i32
    %dma_start3A_405 = arith.constant 0 : i32
    %dma_start3A_406 = arith.constant 2 : i32
    %dma_start3A_407 = arith.constant 0 : i32
    %dma_start3A_408 = tpu.memref_slice %arg5[%dma_start3A_405, %dma_start3A_406, %dma_start3A_407] : memref<24x47x24xf32, #tpu.memory_space<vmem>> -> memref<24x24x24xf32, #tpu.memory_space<vmem>>
    %dma_start3A_409 = arith.constant 0 : i32
    %dma_start3A_410 = arith.constant 0 : i32
    %dma_start3A_411 = arith.constant 0 : i32
    %dma_start3A_412 = tpu.memref_slice %arg3[%add3A, %dma_start3A_404, %dma_start3A_409, %dma_start3A_410, %dma_start3A_411] : memref<32x24x24x24x24xf32, #tpu.memory_space<hbm>> -> memref<1x1x24x24x24xf32, #tpu.memory_space<hbm>>
    %dma_start3A_413 = tpu.memref_squeeze %dma_start3A_412 : memref<1x1x24x24x24xf32, #tpu.memory_space<hbm>> -> memref<24x24x24xf32, #tpu.memory_space<hbm>>
    %dma_start3A_414 = arith.constant 0 : i32
    %dma_start3A_415 = arith.constant 0 : i32
    %dma_start3A_416 = arith.constant 0 : i32
    %dma_start3A_417 = tpu.memref_slice %arg3[%add3A, %dma_start3A_404, %dma_start3A_414, %dma_start3A_415, %dma_start3A_416] : memref<32x24x24x24x24xf32, #tpu.memory_space<hbm>> -> memref<1x1x24x24x24xf32, #tpu.memory_space<hbm>>
    %dma_start3A_418 = tpu.memref_squeeze %dma_start3A_417 : memref<1x1x24x24x24xf32, #tpu.memory_space<hbm>> -> memref<24x24x24xf32, #tpu.memory_space<hbm>>
    %dma_start3A_419 = arith.constant 0 : i32
    %dma_start3A_420 = arith.constant 2 : i32
    %dma_start3A_421 = arith.constant 0 : i32
    %dma_start3A_422 = tpu.memref_slice %arg5[%dma_start3A_419, %dma_start3A_420, %dma_start3A_421] : memref<24x47x24xf32, #tpu.memory_space<vmem>> -> memref<24x24x24xf32, #tpu.memory_space<vmem>>
    tpu.enqueue_dma source(%dma_start3A_422 : memref<24x24x24xf32, #tpu.memory_space<vmem>>) target(%dma_start3A_418 : memref<24x24x24xf32, #tpu.memory_space<hbm>>) target_semaphore(%arg6 : memref<!tpu.dma_semaphore, #tpu.memory_space<semaphore_mem>>)
    %dma_start3A_423 = arith.constant 22 : i32
    %dma_start3A_424 = arith.constant 0 : i32
    %dma_start3A_425 = arith.constant 1 : i32
    %dma_start3A_426 = arith.constant 0 : i32
    %dma_start3A_427 = tpu.memref_slice %arg5[%dma_start3A_424, %dma_start3A_425, %dma_start3A_426] : memref<24x47x24xf32, #tpu.memory_space<vmem>> -> memref<24x24x24xf32, #tpu.memory_space<vmem>>
    %dma_start3A_428 = arith.constant 0 : i32
    %dma_start3A_429 = arith.constant 0 : i32
    %dma_start3A_430 = arith.constant 0 : i32
    %dma_start3A_431 = tpu.memref_slice %arg3[%add3A, %dma_start3A_423, %dma_start3A_428, %dma_start3A_429, %dma_start3A_430] : memref<32x24x24x24x24xf32, #tpu.memory_space<hbm>> -> memref<1x1x24x24x24xf32, #tpu.memory_space<hbm>>
    %dma_start3A_432 = tpu.memref_squeeze %dma_start3A_431 : memref<1x1x24x24x24xf32, #tpu.memory_space<hbm>> -> memref<24x24x24xf32, #tpu.memory_space<hbm>>
    %dma_start3A_433 = arith.constant 0 : i32
    %dma_start3A_434 = arith.constant 0 : i32
    %dma_start3A_435 = arith.constant 0 : i32
    %dma_start3A_436 = tpu.memref_slice %arg3[%add3A, %dma_start3A_423, %dma_start3A_433, %dma_start3A_434, %dma_start3A_435] : memref<32x24x24x24x24xf32, #tpu.memory_space<hbm>> -> memref<1x1x24x24x24xf32, #tpu.memory_space<hbm>>
    %dma_start3A_437 = tpu.memref_squeeze %dma_start3A_436 : memref<1x1x24x24x24xf32, #tpu.memory_space<hbm>> -> memref<24x24x24xf32, #tpu.memory_space<hbm>>
    %dma_start3A_438 = arith.constant 0 : i32
    %dma_start3A_439 = arith.constant 1 : i32
    %dma_start3A_440 = arith.constant 0 : i32
    %dma_start3A_441 = tpu.memref_slice %arg5[%dma_start3A_438, %dma_start3A_439, %dma_start3A_440] : memref<24x47x24xf32, #tpu.memory_space<vmem>> -> memref<24x24x24xf32, #tpu.memory_space<vmem>>
    tpu.enqueue_dma source(%dma_start3A_441 : memref<24x24x24xf32, #tpu.memory_space<vmem>>) target(%dma_start3A_437 : memref<24x24x24xf32, #tpu.memory_space<hbm>>) target_semaphore(%arg6 : memref<!tpu.dma_semaphore, #tpu.memory_space<semaphore_mem>>)
    %dma_start3A_442 = arith.constant 23 : i32
    %dma_start3A_443 = arith.constant 0 : i32
    %dma_start3A_444 = arith.constant 0 : i32
    %dma_start3A_445 = arith.constant 0 : i32
    %dma_start3A_446 = tpu.memref_slice %arg5[%dma_start3A_443, %dma_start3A_444, %dma_start3A_445] : memref<24x47x24xf32, #tpu.memory_space<vmem>> -> memref<24x24x24xf32, #tpu.memory_space<vmem>>
    %dma_start3A_447 = arith.constant 0 : i32
    %dma_start3A_448 = arith.constant 0 : i32
    %dma_start3A_449 = arith.constant 0 : i32
    %dma_start3A_450 = tpu.memref_slice %arg3[%add3A, %dma_start3A_442, %dma_start3A_447, %dma_start3A_448, %dma_start3A_449] : memref<32x24x24x24x24xf32, #tpu.memory_space<hbm>> -> memref<1x1x24x24x24xf32, #tpu.memory_space<hbm>>
    %dma_start3A_451 = tpu.memref_squeeze %dma_start3A_450 : memref<1x1x24x24x24xf32, #tpu.memory_space<hbm>> -> memref<24x24x24xf32, #tpu.memory_space<hbm>>
    %dma_start3A_452 = arith.constant 0 : i32
    %dma_start3A_453 = arith.constant 0 : i32
    %dma_start3A_454 = arith.constant 0 : i32
    %dma_start3A_455 = tpu.memref_slice %arg3[%add3A, %dma_start3A_442, %dma_start3A_452, %dma_start3A_453, %dma_start3A_454] : memref<32x24x24x24x24xf32, #tpu.memory_space<hbm>> -> memref<1x1x24x24x24xf32, #tpu.memory_space<hbm>>
    %dma_start3A_456 = tpu.memref_squeeze %dma_start3A_455 : memref<1x1x24x24x24xf32, #tpu.memory_space<hbm>> -> memref<24x24x24xf32, #tpu.memory_space<hbm>>
    %dma_start3A_457 = arith.constant 0 : i32
    %dma_start3A_458 = arith.constant 0 : i32
    %dma_start3A_459 = arith.constant 0 : i32
    %dma_start3A_460 = tpu.memref_slice %arg5[%dma_start3A_457, %dma_start3A_458, %dma_start3A_459] : memref<24x47x24xf32, #tpu.memory_space<vmem>> -> memref<24x24x24xf32, #tpu.memory_space<vmem>>
    tpu.enqueue_dma source(%dma_start3A_460 : memref<24x24x24xf32, #tpu.memory_space<vmem>>) target(%dma_start3A_456 : memref<24x24x24xf32, #tpu.memory_space<hbm>>) target_semaphore(%arg6 : memref<!tpu.dma_semaphore, #tpu.memory_space<semaphore_mem>>)
    %dma_wait3A = arith.constant 0 : i32
    %dma_wait3A_461 = arith.constant 0 : i32
    %dma_wait3A_462 = arith.constant 23 : i32
    %dma_wait3A_463 = arith.constant 0 : i32
    %dma_wait3A_464 = tpu.memref_slice %arg5[%dma_wait3A_461, %dma_wait3A_462, %dma_wait3A_463] : memref<24x47x24xf32, #tpu.memory_space<vmem>> -> memref<24x24x24xf32, #tpu.memory_space<vmem>>
    %dma_wait3A_465 = arith.constant 0 : i32
    %dma_wait3A_466 = arith.constant 0 : i32
    %dma_wait3A_467 = arith.constant 0 : i32
    %dma_wait3A_468 = tpu.memref_slice %arg3[%add3A, %dma_wait3A, %dma_wait3A_465, %dma_wait3A_466, %dma_wait3A_467] : memref<32x24x24x24x24xf32, #tpu.memory_space<hbm>> -> memref<1x1x24x24x24xf32, #tpu.memory_space<hbm>>
    %dma_wait3A_469 = tpu.memref_squeeze %dma_wait3A_468 : memref<1x1x24x24x24xf32, #tpu.memory_space<hbm>> -> memref<24x24x24xf32, #tpu.memory_space<hbm>>
    %dma_wait3A_470 = arith.constant 0 : i32
    %dma_wait3A_471 = arith.constant 0 : i32
    %dma_wait3A_472 = arith.constant 0 : i32
    %dma_wait3A_473 = tpu.memref_slice %arg3[%add3A, %dma_wait3A, %dma_wait3A_470, %dma_wait3A_471, %dma_wait3A_472] : memref<32x24x24x24x24xf32, #tpu.memory_space<hbm>> -> memref<1x1x24x24x24xf32, #tpu.memory_space<hbm>>
    %dma_wait3A_474 = tpu.memref_squeeze %dma_wait3A_473 : memref<1x1x24x24x24xf32, #tpu.memory_space<hbm>> -> memref<24x24x24xf32, #tpu.memory_space<hbm>>
    %dma_wait3A_475 = arith.constant 0 : i32
    %dma_wait3A_476 = arith.constant 23 : i32
    %dma_wait3A_477 = arith.constant 0 : i32
    %dma_wait3A_478 = tpu.memref_slice %arg5[%dma_wait3A_475, %dma_wait3A_476, %dma_wait3A_477] : memref<24x47x24xf32, #tpu.memory_space<vmem>> -> memref<24x24x24xf32, #tpu.memory_space<vmem>>
    tpu.wait_dma2 semaphore(%arg6 : memref<!tpu.dma_semaphore, #tpu.memory_space<semaphore_mem>>) src(%dma_wait3A_478 : memref<24x24x24xf32, #tpu.memory_space<vmem>>) dst(%dma_wait3A_474 : memref<24x24x24xf32, #tpu.memory_space<hbm>>)
    %dma_wait3A_479 = arith.constant 1 : i32
    %dma_wait3A_480 = arith.constant 0 : i32
    %dma_wait3A_481 = arith.constant 22 : i32
    %dma_wait3A_482 = arith.constant 0 : i32
    %dma_wait3A_483 = tpu.memref_slice %arg5[%dma_wait3A_480, %dma_wait3A_481, %dma_wait3A_482] : memref<24x47x24xf32, #tpu.memory_space<vmem>> -> memref<24x24x24xf32, #tpu.memory_space<vmem>>
    %dma_wait3A_484 = arith.constant 0 : i32
    %dma_wait3A_485 = arith.constant 0 : i32
    %dma_wait3A_486 = arith.constant 0 : i32
    %dma_wait3A_487 = tpu.memref_slice %arg3[%add3A, %dma_wait3A_479, %dma_wait3A_484, %dma_wait3A_485, %dma_wait3A_486] : memref<32x24x24x24x24xf32, #tpu.memory_space<hbm>> -> memref<1x1x24x24x24xf32, #tpu.memory_space<hbm>>
    %dma_wait3A_488 = tpu.memref_squeeze %dma_wait3A_487 : memref<1x1x24x24x24xf32, #tpu.memory_space<hbm>> -> memref<24x24x24xf32, #tpu.memory_space<hbm>>
    %dma_wait3A_489 = arith.constant 0 : i32
    %dma_wait3A_490 = arith.constant 0 : i32
    %dma_wait3A_491 = arith.constant 0 : i32
    %dma_wait3A_492 = tpu.memref_slice %arg3[%add3A, %dma_wait3A_479, %dma_wait3A_489, %dma_wait3A_490, %dma_wait3A_491] : memref<32x24x24x24x24xf32, #tpu.memory_space<hbm>> -> memref<1x1x24x24x24xf32, #tpu.memory_space<hbm>>
    %dma_wait3A_493 = tpu.memref_squeeze %dma_wait3A_492 : memref<1x1x24x24x24xf32, #tpu.memory_space<hbm>> -> memref<24x24x24xf32, #tpu.memory_space<hbm>>
    %dma_wait3A_494 = arith.constant 0 : i32
    %dma_wait3A_495 = arith.constant 22 : i32
    %dma_wait3A_496 = arith.constant 0 : i32
    %dma_wait3A_497 = tpu.memref_slice %arg5[%dma_wait3A_494, %dma_wait3A_495, %dma_wait3A_496] : memref<24x47x24xf32, #tpu.memory_space<vmem>> -> memref<24x24x24xf32, #tpu.memory_space<vmem>>
    tpu.wait_dma2 semaphore(%arg6 : memref<!tpu.dma_semaphore, #tpu.memory_space<semaphore_mem>>) src(%dma_wait3A_497 : memref<24x24x24xf32, #tpu.memory_space<vmem>>) dst(%dma_wait3A_493 : memref<24x24x24xf32, #tpu.memory_space<hbm>>)
    %dma_wait3A_498 = arith.constant 2 : i32
    %dma_wait3A_499 = arith.constant 0 : i32
    %dma_wait3A_500 = arith.constant 21 : i32
    %dma_wait3A_501 = arith.constant 0 : i32
    %dma_wait3A_502 = tpu.memref_slice %arg5[%dma_wait3A_499, %dma_wait3A_500, %dma_wait3A_501] : memref<24x47x24xf32, #tpu.memory_space<vmem>> -> memref<24x24x24xf32, #tpu.memory_space<vmem>>
    %dma_wait3A_503 = arith.constant 0 : i32
    %dma_wait3A_504 = arith.constant 0 : i32
    %dma_wait3A_505 = arith.constant 0 : i32
    %dma_wait3A_506 = tpu.memref_slice %arg3[%add3A, %dma_wait3A_498, %dma_wait3A_503, %dma_wait3A_504, %dma_wait3A_505] : memref<32x24x24x24x24xf32, #tpu.memory_space<hbm>> -> memref<1x1x24x24x24xf32, #tpu.memory_space<hbm>>
    %dma_wait3A_507 = tpu.memref_squeeze %dma_wait3A_506 : memref<1x1x24x24x24xf32, #tpu.memory_space<hbm>> -> memref<24x24x24xf32, #tpu.memory_space<hbm>>
    %dma_wait3A_508 = arith.constant 0 : i32
    %dma_wait3A_509 = arith.constant 0 : i32
    %dma_wait3A_510 = arith.constant 0 : i32
    %dma_wait3A_511 = tpu.memref_slice %arg3[%add3A, %dma_wait3A_498, %dma_wait3A_508, %dma_wait3A_509, %dma_wait3A_510] : memref<32x24x24x24x24xf32, #tpu.memory_space<hbm>> -> memref<1x1x24x24x24xf32, #tpu.memory_space<hbm>>
    %dma_wait3A_512 = tpu.memref_squeeze %dma_wait3A_511 : memref<1x1x24x24x24xf32, #tpu.memory_space<hbm>> -> memref<24x24x24xf32, #tpu.memory_space<hbm>>
    %dma_wait3A_513 = arith.constant 0 : i32
    %dma_wait3A_514 = arith.constant 21 : i32
    %dma_wait3A_515 = arith.constant 0 : i32
    %dma_wait3A_516 = tpu.memref_slice %arg5[%dma_wait3A_513, %dma_wait3A_514, %dma_wait3A_515] : memref<24x47x24xf32, #tpu.memory_space<vmem>> -> memref<24x24x24xf32, #tpu.memory_space<vmem>>
    tpu.wait_dma2 semaphore(%arg6 : memref<!tpu.dma_semaphore, #tpu.memory_space<semaphore_mem>>) src(%dma_wait3A_516 : memref<24x24x24xf32, #tpu.memory_space<vmem>>) dst(%dma_wait3A_512 : memref<24x24x24xf32, #tpu.memory_space<hbm>>)
    %dma_wait3A_517 = arith.constant 3 : i32
    %dma_wait3A_518 = arith.constant 0 : i32
    %dma_wait3A_519 = arith.constant 20 : i32
    %dma_wait3A_520 = arith.constant 0 : i32
    %dma_wait3A_521 = tpu.memref_slice %arg5[%dma_wait3A_518, %dma_wait3A_519, %dma_wait3A_520] : memref<24x47x24xf32, #tpu.memory_space<vmem>> -> memref<24x24x24xf32, #tpu.memory_space<vmem>>
    %dma_wait3A_522 = arith.constant 0 : i32
    %dma_wait3A_523 = arith.constant 0 : i32
    %dma_wait3A_524 = arith.constant 0 : i32
    %dma_wait3A_525 = tpu.memref_slice %arg3[%add3A, %dma_wait3A_517, %dma_wait3A_522, %dma_wait3A_523, %dma_wait3A_524] : memref<32x24x24x24x24xf32, #tpu.memory_space<hbm>> -> memref<1x1x24x24x24xf32, #tpu.memory_space<hbm>>
    %dma_wait3A_526 = tpu.memref_squeeze %dma_wait3A_525 : memref<1x1x24x24x24xf32, #tpu.memory_space<hbm>> -> memref<24x24x24xf32, #tpu.memory_space<hbm>>
    %dma_wait3A_527 = arith.constant 0 : i32
    %dma_wait3A_528 = arith.constant 0 : i32
    %dma_wait3A_529 = arith.constant 0 : i32
    %dma_wait3A_530 = tpu.memref_slice %arg3[%add3A, %dma_wait3A_517, %dma_wait3A_527, %dma_wait3A_528, %dma_wait3A_529] : memref<32x24x24x24x24xf32, #tpu.memory_space<hbm>> -> memref<1x1x24x24x24xf32, #tpu.memory_space<hbm>>
    %dma_wait3A_531 = tpu.memref_squeeze %dma_wait3A_530 : memref<1x1x24x24x24xf32, #tpu.memory_space<hbm>> -> memref<24x24x24xf32, #tpu.memory_space<hbm>>
    %dma_wait3A_532 = arith.constant 0 : i32
    %dma_wait3A_533 = arith.constant 20 : i32
    %dma_wait3A_534 = arith.constant 0 : i32
    %dma_wait3A_535 = tpu.memref_slice %arg5[%dma_wait3A_532, %dma_wait3A_533, %dma_wait3A_534] : memref<24x47x24xf32, #tpu.memory_space<vmem>> -> memref<24x24x24xf32, #tpu.memory_space<vmem>>
    tpu.wait_dma2 semaphore(%arg6 : memref<!tpu.dma_semaphore, #tpu.memory_space<semaphore_mem>>) src(%dma_wait3A_535 : memref<24x24x24xf32, #tpu.memory_space<vmem>>) dst(%dma_wait3A_531 : memref<24x24x24xf32, #tpu.memory_space<hbm>>)
    %dma_wait3A_536 = arith.constant 4 : i32
    %dma_wait3A_537 = arith.constant 0 : i32
    %dma_wait3A_538 = arith.constant 19 : i32
    %dma_wait3A_539 = arith.constant 0 : i32
    %dma_wait3A_540 = tpu.memref_slice %arg5[%dma_wait3A_537, %dma_wait3A_538, %dma_wait3A_539] : memref<24x47x24xf32, #tpu.memory_space<vmem>> -> memref<24x24x24xf32, #tpu.memory_space<vmem>>
    %dma_wait3A_541 = arith.constant 0 : i32
    %dma_wait3A_542 = arith.constant 0 : i32
    %dma_wait3A_543 = arith.constant 0 : i32
    %dma_wait3A_544 = tpu.memref_slice %arg3[%add3A, %dma_wait3A_536, %dma_wait3A_541, %dma_wait3A_542, %dma_wait3A_543] : memref<32x24x24x24x24xf32, #tpu.memory_space<hbm>> -> memref<1x1x24x24x24xf32, #tpu.memory_space<hbm>>
    %dma_wait3A_545 = tpu.memref_squeeze %dma_wait3A_544 : memref<1x1x24x24x24xf32, #tpu.memory_space<hbm>> -> memref<24x24x24xf32, #tpu.memory_space<hbm>>
    %dma_wait3A_546 = arith.constant 0 : i32
    %dma_wait3A_547 = arith.constant 0 : i32
    %dma_wait3A_548 = arith.constant 0 : i32
    %dma_wait3A_549 = tpu.memref_slice %arg3[%add3A, %dma_wait3A_536, %dma_wait3A_546, %dma_wait3A_547, %dma_wait3A_548] : memref<32x24x24x24x24xf32, #tpu.memory_space<hbm>> -> memref<1x1x24x24x24xf32, #tpu.memory_space<hbm>>
    %dma_wait3A_550 = tpu.memref_squeeze %dma_wait3A_549 : memref<1x1x24x24x24xf32, #tpu.memory_space<hbm>> -> memref<24x24x24xf32, #tpu.memory_space<hbm>>
    %dma_wait3A_551 = arith.constant 0 : i32
    %dma_wait3A_552 = arith.constant 19 : i32
    %dma_wait3A_553 = arith.constant 0 : i32
    %dma_wait3A_554 = tpu.memref_slice %arg5[%dma_wait3A_551, %dma_wait3A_552, %dma_wait3A_553] : memref<24x47x24xf32, #tpu.memory_space<vmem>> -> memref<24x24x24xf32, #tpu.memory_space<vmem>>
    tpu.wait_dma2 semaphore(%arg6 : memref<!tpu.dma_semaphore, #tpu.memory_space<semaphore_mem>>) src(%dma_wait3A_554 : memref<24x24x24xf32, #tpu.memory_space<vmem>>) dst(%dma_wait3A_550 : memref<24x24x24xf32, #tpu.memory_space<hbm>>)
    %dma_wait3A_555 = arith.constant 5 : i32
    %dma_wait3A_556 = arith.constant 0 : i32
    %dma_wait3A_557 = arith.constant 18 : i32
    %dma_wait3A_558 = arith.constant 0 : i32
    %dma_wait3A_559 = tpu.memref_slice %arg5[%dma_wait3A_556, %dma_wait3A_557, %dma_wait3A_558] : memref<24x47x24xf32, #tpu.memory_space<vmem>> -> memref<24x24x24xf32, #tpu.memory_space<vmem>>
    %dma_wait3A_560 = arith.constant 0 : i32
    %dma_wait3A_561 = arith.constant 0 : i32
    %dma_wait3A_562 = arith.constant 0 : i32
    %dma_wait3A_563 = tpu.memref_slice %arg3[%add3A, %dma_wait3A_555, %dma_wait3A_560, %dma_wait3A_561, %dma_wait3A_562] : memref<32x24x24x24x24xf32, #tpu.memory_space<hbm>> -> memref<1x1x24x24x24xf32, #tpu.memory_space<hbm>>
    %dma_wait3A_564 = tpu.memref_squeeze %dma_wait3A_563 : memref<1x1x24x24x24xf32, #tpu.memory_space<hbm>> -> memref<24x24x24xf32, #tpu.memory_space<hbm>>
    %dma_wait3A_565 = arith.constant 0 : i32
    %dma_wait3A_566 = arith.constant 0 : i32
    %dma_wait3A_567 = arith.constant 0 : i32
    %dma_wait3A_568 = tpu.memref_slice %arg3[%add3A, %dma_wait3A_555, %dma_wait3A_565, %dma_wait3A_566, %dma_wait3A_567] : memref<32x24x24x24x24xf32, #tpu.memory_space<hbm>> -> memref<1x1x24x24x24xf32, #tpu.memory_space<hbm>>
    %dma_wait3A_569 = tpu.memref_squeeze %dma_wait3A_568 : memref<1x1x24x24x24xf32, #tpu.memory_space<hbm>> -> memref<24x24x24xf32, #tpu.memory_space<hbm>>
    %dma_wait3A_570 = arith.constant 0 : i32
    %dma_wait3A_571 = arith.constant 18 : i32
    %dma_wait3A_572 = arith.constant 0 : i32
    %dma_wait3A_573 = tpu.memref_slice %arg5[%dma_wait3A_570, %dma_wait3A_571, %dma_wait3A_572] : memref<24x47x24xf32, #tpu.memory_space<vmem>> -> memref<24x24x24xf32, #tpu.memory_space<vmem>>
    tpu.wait_dma2 semaphore(%arg6 : memref<!tpu.dma_semaphore, #tpu.memory_space<semaphore_mem>>) src(%dma_wait3A_573 : memref<24x24x24xf32, #tpu.memory_space<vmem>>) dst(%dma_wait3A_569 : memref<24x24x24xf32, #tpu.memory_space<hbm>>)
    %dma_wait3A_574 = arith.constant 6 : i32
    %dma_wait3A_575 = arith.constant 0 : i32
    %dma_wait3A_576 = arith.constant 17 : i32
    %dma_wait3A_577 = arith.constant 0 : i32
    %dma_wait3A_578 = tpu.memref_slice %arg5[%dma_wait3A_575, %dma_wait3A_576, %dma_wait3A_577] : memref<24x47x24xf32, #tpu.memory_space<vmem>> -> memref<24x24x24xf32, #tpu.memory_space<vmem>>
    %dma_wait3A_579 = arith.constant 0 : i32
    %dma_wait3A_580 = arith.constant 0 : i32
    %dma_wait3A_581 = arith.constant 0 : i32
    %dma_wait3A_582 = tpu.memref_slice %arg3[%add3A, %dma_wait3A_574, %dma_wait3A_579, %dma_wait3A_580, %dma_wait3A_581] : memref<32x24x24x24x24xf32, #tpu.memory_space<hbm>> -> memref<1x1x24x24x24xf32, #tpu.memory_space<hbm>>
    %dma_wait3A_583 = tpu.memref_squeeze %dma_wait3A_582 : memref<1x1x24x24x24xf32, #tpu.memory_space<hbm>> -> memref<24x24x24xf32, #tpu.memory_space<hbm>>
    %dma_wait3A_584 = arith.constant 0 : i32
    %dma_wait3A_585 = arith.constant 0 : i32
    %dma_wait3A_586 = arith.constant 0 : i32
    %dma_wait3A_587 = tpu.memref_slice %arg3[%add3A, %dma_wait3A_574, %dma_wait3A_584, %dma_wait3A_585, %dma_wait3A_586] : memref<32x24x24x24x24xf32, #tpu.memory_space<hbm>> -> memref<1x1x24x24x24xf32, #tpu.memory_space<hbm>>
    %dma_wait3A_588 = tpu.memref_squeeze %dma_wait3A_587 : memref<1x1x24x24x24xf32, #tpu.memory_space<hbm>> -> memref<24x24x24xf32, #tpu.memory_space<hbm>>
    %dma_wait3A_589 = arith.constant 0 : i32
    %dma_wait3A_590 = arith.constant 17 : i32
    %dma_wait3A_591 = arith.constant 0 : i32
    %dma_wait3A_592 = tpu.memref_slice %arg5[%dma_wait3A_589, %dma_wait3A_590, %dma_wait3A_591] : memref<24x47x24xf32, #tpu.memory_space<vmem>> -> memref<24x24x24xf32, #tpu.memory_space<vmem>>
    tpu.wait_dma2 semaphore(%arg6 : memref<!tpu.dma_semaphore, #tpu.memory_space<semaphore_mem>>) src(%dma_wait3A_592 : memref<24x24x24xf32, #tpu.memory_space<vmem>>) dst(%dma_wait3A_588 : memref<24x24x24xf32, #tpu.memory_space<hbm>>)
    %dma_wait3A_593 = arith.constant 7 : i32
    %dma_wait3A_594 = arith.constant 0 : i32
    %dma_wait3A_595 = arith.constant 16 : i32
    %dma_wait3A_596 = arith.constant 0 : i32
    %dma_wait3A_597 = tpu.memref_slice %arg5[%dma_wait3A_594, %dma_wait3A_595, %dma_wait3A_596] : memref<24x47x24xf32, #tpu.memory_space<vmem>> -> memref<24x24x24xf32, #tpu.memory_space<vmem>>
    %dma_wait3A_598 = arith.constant 0 : i32
    %dma_wait3A_599 = arith.constant 0 : i32
    %dma_wait3A_600 = arith.constant 0 : i32
    %dma_wait3A_601 = tpu.memref_slice %arg3[%add3A, %dma_wait3A_593, %dma_wait3A_598, %dma_wait3A_599, %dma_wait3A_600] : memref<32x24x24x24x24xf32, #tpu.memory_space<hbm>> -> memref<1x1x24x24x24xf32, #tpu.memory_space<hbm>>
    %dma_wait3A_602 = tpu.memref_squeeze %dma_wait3A_601 : memref<1x1x24x24x24xf32, #tpu.memory_space<hbm>> -> memref<24x24x24xf32, #tpu.memory_space<hbm>>
    %dma_wait3A_603 = arith.constant 0 : i32
    %dma_wait3A_604 = arith.constant 0 : i32
    %dma_wait3A_605 = arith.constant 0 : i32
    %dma_wait3A_606 = tpu.memref_slice %arg3[%add3A, %dma_wait3A_593, %dma_wait3A_603, %dma_wait3A_604, %dma_wait3A_605] : memref<32x24x24x24x24xf32, #tpu.memory_space<hbm>> -> memref<1x1x24x24x24xf32, #tpu.memory_space<hbm>>
    %dma_wait3A_607 = tpu.memref_squeeze %dma_wait3A_606 : memref<1x1x24x24x24xf32, #tpu.memory_space<hbm>> -> memref<24x24x24xf32, #tpu.memory_space<hbm>>
    %dma_wait3A_608 = arith.constant 0 : i32
    %dma_wait3A_609 = arith.constant 16 : i32
    %dma_wait3A_610 = arith.constant 0 : i32
    %dma_wait3A_611 = tpu.memref_slice %arg5[%dma_wait3A_608, %dma_wait3A_609, %dma_wait3A_610] : memref<24x47x24xf32, #tpu.memory_space<vmem>> -> memref<24x24x24xf32, #tpu.memory_space<vmem>>
    tpu.wait_dma2 semaphore(%arg6 : memref<!tpu.dma_semaphore, #tpu.memory_space<semaphore_mem>>) src(%dma_wait3A_611 : memref<24x24x24xf32, #tpu.memory_space<vmem>>) dst(%dma_wait3A_607 : memref<24x24x24xf32, #tpu.memory_space<hbm>>)
    %dma_wait3A_612 = arith.constant 8 : i32
    %dma_wait3A_613 = arith.constant 0 : i32
    %dma_wait3A_614 = arith.constant 15 : i32
    %dma_wait3A_615 = arith.constant 0 : i32
    %dma_wait3A_616 = tpu.memref_slice %arg5[%dma_wait3A_613, %dma_wait3A_614, %dma_wait3A_615] : memref<24x47x24xf32, #tpu.memory_space<vmem>> -> memref<24x24x24xf32, #tpu.memory_space<vmem>>
    %dma_wait3A_617 = arith.constant 0 : i32
    %dma_wait3A_618 = arith.constant 0 : i32
    %dma_wait3A_619 = arith.constant 0 : i32
    %dma_wait3A_620 = tpu.memref_slice %arg3[%add3A, %dma_wait3A_612, %dma_wait3A_617, %dma_wait3A_618, %dma_wait3A_619] : memref<32x24x24x24x24xf32, #tpu.memory_space<hbm>> -> memref<1x1x24x24x24xf32, #tpu.memory_space<hbm>>
    %dma_wait3A_621 = tpu.memref_squeeze %dma_wait3A_620 : memref<1x1x24x24x24xf32, #tpu.memory_space<hbm>> -> memref<24x24x24xf32, #tpu.memory_space<hbm>>
    %dma_wait3A_622 = arith.constant 0 : i32
    %dma_wait3A_623 = arith.constant 0 : i32
    %dma_wait3A_624 = arith.constant 0 : i32
    %dma_wait3A_625 = tpu.memref_slice %arg3[%add3A, %dma_wait3A_612, %dma_wait3A_622, %dma_wait3A_623, %dma_wait3A_624] : memref<32x24x24x24x24xf32, #tpu.memory_space<hbm>> -> memref<1x1x24x24x24xf32, #tpu.memory_space<hbm>>
    %dma_wait3A_626 = tpu.memref_squeeze %dma_wait3A_625 : memref<1x1x24x24x24xf32, #tpu.memory_space<hbm>> -> memref<24x24x24xf32, #tpu.memory_space<hbm>>
    %dma_wait3A_627 = arith.constant 0 : i32
    %dma_wait3A_628 = arith.constant 15 : i32
    %dma_wait3A_629 = arith.constant 0 : i32
    %dma_wait3A_630 = tpu.memref_slice %arg5[%dma_wait3A_627, %dma_wait3A_628, %dma_wait3A_629] : memref<24x47x24xf32, #tpu.memory_space<vmem>> -> memref<24x24x24xf32, #tpu.memory_space<vmem>>
    tpu.wait_dma2 semaphore(%arg6 : memref<!tpu.dma_semaphore, #tpu.memory_space<semaphore_mem>>) src(%dma_wait3A_630 : memref<24x24x24xf32, #tpu.memory_space<vmem>>) dst(%dma_wait3A_626 : memref<24x24x24xf32, #tpu.memory_space<hbm>>)
    %dma_wait3A_631 = arith.constant 9 : i32
    %dma_wait3A_632 = arith.constant 0 : i32
    %dma_wait3A_633 = arith.constant 14 : i32
    %dma_wait3A_634 = arith.constant 0 : i32
    %dma_wait3A_635 = tpu.memref_slice %arg5[%dma_wait3A_632, %dma_wait3A_633, %dma_wait3A_634] : memref<24x47x24xf32, #tpu.memory_space<vmem>> -> memref<24x24x24xf32, #tpu.memory_space<vmem>>
    %dma_wait3A_636 = arith.constant 0 : i32
    %dma_wait3A_637 = arith.constant 0 : i32
    %dma_wait3A_638 = arith.constant 0 : i32
    %dma_wait3A_639 = tpu.memref_slice %arg3[%add3A, %dma_wait3A_631, %dma_wait3A_636, %dma_wait3A_637, %dma_wait3A_638] : memref<32x24x24x24x24xf32, #tpu.memory_space<hbm>> -> memref<1x1x24x24x24xf32, #tpu.memory_space<hbm>>
    %dma_wait3A_640 = tpu.memref_squeeze %dma_wait3A_639 : memref<1x1x24x24x24xf32, #tpu.memory_space<hbm>> -> memref<24x24x24xf32, #tpu.memory_space<hbm>>
    %dma_wait3A_641 = arith.constant 0 : i32
    %dma_wait3A_642 = arith.constant 0 : i32
    %dma_wait3A_643 = arith.constant 0 : i32
    %dma_wait3A_644 = tpu.memref_slice %arg3[%add3A, %dma_wait3A_631, %dma_wait3A_641, %dma_wait3A_642, %dma_wait3A_643] : memref<32x24x24x24x24xf32, #tpu.memory_space<hbm>> -> memref<1x1x24x24x24xf32, #tpu.memory_space<hbm>>
    %dma_wait3A_645 = tpu.memref_squeeze %dma_wait3A_644 : memref<1x1x24x24x24xf32, #tpu.memory_space<hbm>> -> memref<24x24x24xf32, #tpu.memory_space<hbm>>
    %dma_wait3A_646 = arith.constant 0 : i32
    %dma_wait3A_647 = arith.constant 14 : i32
    %dma_wait3A_648 = arith.constant 0 : i32
    %dma_wait3A_649 = tpu.memref_slice %arg5[%dma_wait3A_646, %dma_wait3A_647, %dma_wait3A_648] : memref<24x47x24xf32, #tpu.memory_space<vmem>> -> memref<24x24x24xf32, #tpu.memory_space<vmem>>
    tpu.wait_dma2 semaphore(%arg6 : memref<!tpu.dma_semaphore, #tpu.memory_space<semaphore_mem>>) src(%dma_wait3A_649 : memref<24x24x24xf32, #tpu.memory_space<vmem>>) dst(%dma_wait3A_645 : memref<24x24x24xf32, #tpu.memory_space<hbm>>)
    %dma_wait3A_650 = arith.constant 10 : i32
    %dma_wait3A_651 = arith.constant 0 : i32
    %dma_wait3A_652 = arith.constant 13 : i32
    %dma_wait3A_653 = arith.constant 0 : i32
    %dma_wait3A_654 = tpu.memref_slice %arg5[%dma_wait3A_651, %dma_wait3A_652, %dma_wait3A_653] : memref<24x47x24xf32, #tpu.memory_space<vmem>> -> memref<24x24x24xf32, #tpu.memory_space<vmem>>
    %dma_wait3A_655 = arith.constant 0 : i32
    %dma_wait3A_656 = arith.constant 0 : i32
    %dma_wait3A_657 = arith.constant 0 : i32
    %dma_wait3A_658 = tpu.memref_slice %arg3[%add3A, %dma_wait3A_650, %dma_wait3A_655, %dma_wait3A_656, %dma_wait3A_657] : memref<32x24x24x24x24xf32, #tpu.memory_space<hbm>> -> memref<1x1x24x24x24xf32, #tpu.memory_space<hbm>>
    %dma_wait3A_659 = tpu.memref_squeeze %dma_wait3A_658 : memref<1x1x24x24x24xf32, #tpu.memory_space<hbm>> -> memref<24x24x24xf32, #tpu.memory_space<hbm>>
    %dma_wait3A_660 = arith.constant 0 : i32
    %dma_wait3A_661 = arith.constant 0 : i32
    %dma_wait3A_662 = arith.constant 0 : i32
    %dma_wait3A_663 = tpu.memref_slice %arg3[%add3A, %dma_wait3A_650, %dma_wait3A_660, %dma_wait3A_661, %dma_wait3A_662] : memref<32x24x24x24x24xf32, #tpu.memory_space<hbm>> -> memref<1x1x24x24x24xf32, #tpu.memory_space<hbm>>
    %dma_wait3A_664 = tpu.memref_squeeze %dma_wait3A_663 : memref<1x1x24x24x24xf32, #tpu.memory_space<hbm>> -> memref<24x24x24xf32, #tpu.memory_space<hbm>>
    %dma_wait3A_665 = arith.constant 0 : i32
    %dma_wait3A_666 = arith.constant 13 : i32
    %dma_wait3A_667 = arith.constant 0 : i32
    %dma_wait3A_668 = tpu.memref_slice %arg5[%dma_wait3A_665, %dma_wait3A_666, %dma_wait3A_667] : memref<24x47x24xf32, #tpu.memory_space<vmem>> -> memref<24x24x24xf32, #tpu.memory_space<vmem>>
    tpu.wait_dma2 semaphore(%arg6 : memref<!tpu.dma_semaphore, #tpu.memory_space<semaphore_mem>>) src(%dma_wait3A_668 : memref<24x24x24xf32, #tpu.memory_space<vmem>>) dst(%dma_wait3A_664 : memref<24x24x24xf32, #tpu.memory_space<hbm>>)
    %dma_wait3A_669 = arith.constant 11 : i32
    %dma_wait3A_670 = arith.constant 0 : i32
    %dma_wait3A_671 = arith.constant 12 : i32
    %dma_wait3A_672 = arith.constant 0 : i32
    %dma_wait3A_673 = tpu.memref_slice %arg5[%dma_wait3A_670, %dma_wait3A_671, %dma_wait3A_672] : memref<24x47x24xf32, #tpu.memory_space<vmem>> -> memref<24x24x24xf32, #tpu.memory_space<vmem>>
    %dma_wait3A_674 = arith.constant 0 : i32
    %dma_wait3A_675 = arith.constant 0 : i32
    %dma_wait3A_676 = arith.constant 0 : i32
    %dma_wait3A_677 = tpu.memref_slice %arg3[%add3A, %dma_wait3A_669, %dma_wait3A_674, %dma_wait3A_675, %dma_wait3A_676] : memref<32x24x24x24x24xf32, #tpu.memory_space<hbm>> -> memref<1x1x24x24x24xf32, #tpu.memory_space<hbm>>
    %dma_wait3A_678 = tpu.memref_squeeze %dma_wait3A_677 : memref<1x1x24x24x24xf32, #tpu.memory_space<hbm>> -> memref<24x24x24xf32, #tpu.memory_space<hbm>>
    %dma_wait3A_679 = arith.constant 0 : i32
    %dma_wait3A_680 = arith.constant 0 : i32
    %dma_wait3A_681 = arith.constant 0 : i32
    %dma_wait3A_682 = tpu.memref_slice %arg3[%add3A, %dma_wait3A_669, %dma_wait3A_679, %dma_wait3A_680, %dma_wait3A_681] : memref<32x24x24x24x24xf32, #tpu.memory_space<hbm>> -> memref<1x1x24x24x24xf32, #tpu.memory_space<hbm>>
    %dma_wait3A_683 = tpu.memref_squeeze %dma_wait3A_682 : memref<1x1x24x24x24xf32, #tpu.memory_space<hbm>> -> memref<24x24x24xf32, #tpu.memory_space<hbm>>
    %dma_wait3A_684 = arith.constant 0 : i32
    %dma_wait3A_685 = arith.constant 12 : i32
    %dma_wait3A_686 = arith.constant 0 : i32
    %dma_wait3A_687 = tpu.memref_slice %arg5[%dma_wait3A_684, %dma_wait3A_685, %dma_wait3A_686] : memref<24x47x24xf32, #tpu.memory_space<vmem>> -> memref<24x24x24xf32, #tpu.memory_space<vmem>>
    tpu.wait_dma2 semaphore(%arg6 : memref<!tpu.dma_semaphore, #tpu.memory_space<semaphore_mem>>) src(%dma_wait3A_687 : memref<24x24x24xf32, #tpu.memory_space<vmem>>) dst(%dma_wait3A_683 : memref<24x24x24xf32, #tpu.memory_space<hbm>>)
    %dma_wait3A_688 = arith.constant 12 : i32
    %dma_wait3A_689 = arith.constant 0 : i32
    %dma_wait3A_690 = arith.constant 11 : i32
    %dma_wait3A_691 = arith.constant 0 : i32
    %dma_wait3A_692 = tpu.memref_slice %arg5[%dma_wait3A_689, %dma_wait3A_690, %dma_wait3A_691] : memref<24x47x24xf32, #tpu.memory_space<vmem>> -> memref<24x24x24xf32, #tpu.memory_space<vmem>>
    %dma_wait3A_693 = arith.constant 0 : i32
    %dma_wait3A_694 = arith.constant 0 : i32
    %dma_wait3A_695 = arith.constant 0 : i32
    %dma_wait3A_696 = tpu.memref_slice %arg3[%add3A, %dma_wait3A_688, %dma_wait3A_693, %dma_wait3A_694, %dma_wait3A_695] : memref<32x24x24x24x24xf32, #tpu.memory_space<hbm>> -> memref<1x1x24x24x24xf32, #tpu.memory_space<hbm>>
    %dma_wait3A_697 = tpu.memref_squeeze %dma_wait3A_696 : memref<1x1x24x24x24xf32, #tpu.memory_space<hbm>> -> memref<24x24x24xf32, #tpu.memory_space<hbm>>
    %dma_wait3A_698 = arith.constant 0 : i32
    %dma_wait3A_699 = arith.constant 0 : i32
    %dma_wait3A_700 = arith.constant 0 : i32
    %dma_wait3A_701 = tpu.memref_slice %arg3[%add3A, %dma_wait3A_688, %dma_wait3A_698, %dma_wait3A_699, %dma_wait3A_700] : memref<32x24x24x24x24xf32, #tpu.memory_space<hbm>> -> memref<1x1x24x24x24xf32, #tpu.memory_space<hbm>>
    %dma_wait3A_702 = tpu.memref_squeeze %dma_wait3A_701 : memref<1x1x24x24x24xf32, #tpu.memory_space<hbm>> -> memref<24x24x24xf32, #tpu.memory_space<hbm>>
    %dma_wait3A_703 = arith.constant 0 : i32
    %dma_wait3A_704 = arith.constant 11 : i32
    %dma_wait3A_705 = arith.constant 0 : i32
    %dma_wait3A_706 = tpu.memref_slice %arg5[%dma_wait3A_703, %dma_wait3A_704, %dma_wait3A_705] : memref<24x47x24xf32, #tpu.memory_space<vmem>> -> memref<24x24x24xf32, #tpu.memory_space<vmem>>
    tpu.wait_dma2 semaphore(%arg6 : memref<!tpu.dma_semaphore, #tpu.memory_space<semaphore_mem>>) src(%dma_wait3A_706 : memref<24x24x24xf32, #tpu.memory_space<vmem>>) dst(%dma_wait3A_702 : memref<24x24x24xf32, #tpu.memory_space<hbm>>)
    %dma_wait3A_707 = arith.constant 13 : i32
    %dma_wait3A_708 = arith.constant 0 : i32
    %dma_wait3A_709 = arith.constant 10 : i32
    %dma_wait3A_710 = arith.constant 0 : i32
    %dma_wait3A_711 = tpu.memref_slice %arg5[%dma_wait3A_708, %dma_wait3A_709, %dma_wait3A_710] : memref<24x47x24xf32, #tpu.memory_space<vmem>> -> memref<24x24x24xf32, #tpu.memory_space<vmem>>
    %dma_wait3A_712 = arith.constant 0 : i32
    %dma_wait3A_713 = arith.constant 0 : i32
    %dma_wait3A_714 = arith.constant 0 : i32
    %dma_wait3A_715 = tpu.memref_slice %arg3[%add3A, %dma_wait3A_707, %dma_wait3A_712, %dma_wait3A_713, %dma_wait3A_714] : memref<32x24x24x24x24xf32, #tpu.memory_space<hbm>> -> memref<1x1x24x24x24xf32, #tpu.memory_space<hbm>>
    %dma_wait3A_716 = tpu.memref_squeeze %dma_wait3A_715 : memref<1x1x24x24x24xf32, #tpu.memory_space<hbm>> -> memref<24x24x24xf32, #tpu.memory_space<hbm>>
    %dma_wait3A_717 = arith.constant 0 : i32
    %dma_wait3A_718 = arith.constant 0 : i32
    %dma_wait3A_719 = arith.constant 0 : i32
    %dma_wait3A_720 = tpu.memref_slice %arg3[%add3A, %dma_wait3A_707, %dma_wait3A_717, %dma_wait3A_718, %dma_wait3A_719] : memref<32x24x24x24x24xf32, #tpu.memory_space<hbm>> -> memref<1x1x24x24x24xf32, #tpu.memory_space<hbm>>
    %dma_wait3A_721 = tpu.memref_squeeze %dma_wait3A_720 : memref<1x1x24x24x24xf32, #tpu.memory_space<hbm>> -> memref<24x24x24xf32, #tpu.memory_space<hbm>>
    %dma_wait3A_722 = arith.constant 0 : i32
    %dma_wait3A_723 = arith.constant 10 : i32
    %dma_wait3A_724 = arith.constant 0 : i32
    %dma_wait3A_725 = tpu.memref_slice %arg5[%dma_wait3A_722, %dma_wait3A_723, %dma_wait3A_724] : memref<24x47x24xf32, #tpu.memory_space<vmem>> -> memref<24x24x24xf32, #tpu.memory_space<vmem>>
    tpu.wait_dma2 semaphore(%arg6 : memref<!tpu.dma_semaphore, #tpu.memory_space<semaphore_mem>>) src(%dma_wait3A_725 : memref<24x24x24xf32, #tpu.memory_space<vmem>>) dst(%dma_wait3A_721 : memref<24x24x24xf32, #tpu.memory_space<hbm>>)
    %dma_wait3A_726 = arith.constant 14 : i32
    %dma_wait3A_727 = arith.constant 0 : i32
    %dma_wait3A_728 = arith.constant 9 : i32
    %dma_wait3A_729 = arith.constant 0 : i32
    %dma_wait3A_730 = tpu.memref_slice %arg5[%dma_wait3A_727, %dma_wait3A_728, %dma_wait3A_729] : memref<24x47x24xf32, #tpu.memory_space<vmem>> -> memref<24x24x24xf32, #tpu.memory_space<vmem>>
    %dma_wait3A_731 = arith.constant 0 : i32
    %dma_wait3A_732 = arith.constant 0 : i32
    %dma_wait3A_733 = arith.constant 0 : i32
    %dma_wait3A_734 = tpu.memref_slice %arg3[%add3A, %dma_wait3A_726, %dma_wait3A_731, %dma_wait3A_732, %dma_wait3A_733] : memref<32x24x24x24x24xf32, #tpu.memory_space<hbm>> -> memref<1x1x24x24x24xf32, #tpu.memory_space<hbm>>
    %dma_wait3A_735 = tpu.memref_squeeze %dma_wait3A_734 : memref<1x1x24x24x24xf32, #tpu.memory_space<hbm>> -> memref<24x24x24xf32, #tpu.memory_space<hbm>>
    %dma_wait3A_736 = arith.constant 0 : i32
    %dma_wait3A_737 = arith.constant 0 : i32
    %dma_wait3A_738 = arith.constant 0 : i32
    %dma_wait3A_739 = tpu.memref_slice %arg3[%add3A, %dma_wait3A_726, %dma_wait3A_736, %dma_wait3A_737, %dma_wait3A_738] : memref<32x24x24x24x24xf32, #tpu.memory_space<hbm>> -> memref<1x1x24x24x24xf32, #tpu.memory_space<hbm>>
    %dma_wait3A_740 = tpu.memref_squeeze %dma_wait3A_739 : memref<1x1x24x24x24xf32, #tpu.memory_space<hbm>> -> memref<24x24x24xf32, #tpu.memory_space<hbm>>
    %dma_wait3A_741 = arith.constant 0 : i32
    %dma_wait3A_742 = arith.constant 9 : i32
    %dma_wait3A_743 = arith.constant 0 : i32
    %dma_wait3A_744 = tpu.memref_slice %arg5[%dma_wait3A_741, %dma_wait3A_742, %dma_wait3A_743] : memref<24x47x24xf32, #tpu.memory_space<vmem>> -> memref<24x24x24xf32, #tpu.memory_space<vmem>>
    tpu.wait_dma2 semaphore(%arg6 : memref<!tpu.dma_semaphore, #tpu.memory_space<semaphore_mem>>) src(%dma_wait3A_744 : memref<24x24x24xf32, #tpu.memory_space<vmem>>) dst(%dma_wait3A_740 : memref<24x24x24xf32, #tpu.memory_space<hbm>>)
    %dma_wait3A_745 = arith.constant 15 : i32
    %dma_wait3A_746 = arith.constant 0 : i32
    %dma_wait3A_747 = arith.constant 8 : i32
    %dma_wait3A_748 = arith.constant 0 : i32
    %dma_wait3A_749 = tpu.memref_slice %arg5[%dma_wait3A_746, %dma_wait3A_747, %dma_wait3A_748] : memref<24x47x24xf32, #tpu.memory_space<vmem>> -> memref<24x24x24xf32, #tpu.memory_space<vmem>>
    %dma_wait3A_750 = arith.constant 0 : i32
    %dma_wait3A_751 = arith.constant 0 : i32
    %dma_wait3A_752 = arith.constant 0 : i32
    %dma_wait3A_753 = tpu.memref_slice %arg3[%add3A, %dma_wait3A_745, %dma_wait3A_750, %dma_wait3A_751, %dma_wait3A_752] : memref<32x24x24x24x24xf32, #tpu.memory_space<hbm>> -> memref<1x1x24x24x24xf32, #tpu.memory_space<hbm>>
    %dma_wait3A_754 = tpu.memref_squeeze %dma_wait3A_753 : memref<1x1x24x24x24xf32, #tpu.memory_space<hbm>> -> memref<24x24x24xf32, #tpu.memory_space<hbm>>
    %dma_wait3A_755 = arith.constant 0 : i32
    %dma_wait3A_756 = arith.constant 0 : i32
    %dma_wait3A_757 = arith.constant 0 : i32
    %dma_wait3A_758 = tpu.memref_slice %arg3[%add3A, %dma_wait3A_745, %dma_wait3A_755, %dma_wait3A_756, %dma_wait3A_757] : memref<32x24x24x24x24xf32, #tpu.memory_space<hbm>> -> memref<1x1x24x24x24xf32, #tpu.memory_space<hbm>>
    %dma_wait3A_759 = tpu.memref_squeeze %dma_wait3A_758 : memref<1x1x24x24x24xf32, #tpu.memory_space<hbm>> -> memref<24x24x24xf32, #tpu.memory_space<hbm>>
    %dma_wait3A_760 = arith.constant 0 : i32
    %dma_wait3A_761 = arith.constant 8 : i32
    %dma_wait3A_762 = arith.constant 0 : i32
    %dma_wait3A_763 = tpu.memref_slice %arg5[%dma_wait3A_760, %dma_wait3A_761, %dma_wait3A_762] : memref<24x47x24xf32, #tpu.memory_space<vmem>> -> memref<24x24x24xf32, #tpu.memory_space<vmem>>
    tpu.wait_dma2 semaphore(%arg6 : memref<!tpu.dma_semaphore, #tpu.memory_space<semaphore_mem>>) src(%dma_wait3A_763 : memref<24x24x24xf32, #tpu.memory_space<vmem>>) dst(%dma_wait3A_759 : memref<24x24x24xf32, #tpu.memory_space<hbm>>)
    %dma_wait3A_764 = arith.constant 16 : i32
    %dma_wait3A_765 = arith.constant 0 : i32
    %dma_wait3A_766 = arith.constant 7 : i32
    %dma_wait3A_767 = arith.constant 0 : i32
    %dma_wait3A_768 = tpu.memref_slice %arg5[%dma_wait3A_765, %dma_wait3A_766, %dma_wait3A_767] : memref<24x47x24xf32, #tpu.memory_space<vmem>> -> memref<24x24x24xf32, #tpu.memory_space<vmem>>
    %dma_wait3A_769 = arith.constant 0 : i32
    %dma_wait3A_770 = arith.constant 0 : i32
    %dma_wait3A_771 = arith.constant 0 : i32
    %dma_wait3A_772 = tpu.memref_slice %arg3[%add3A, %dma_wait3A_764, %dma_wait3A_769, %dma_wait3A_770, %dma_wait3A_771] : memref<32x24x24x24x24xf32, #tpu.memory_space<hbm>> -> memref<1x1x24x24x24xf32, #tpu.memory_space<hbm>>
    %dma_wait3A_773 = tpu.memref_squeeze %dma_wait3A_772 : memref<1x1x24x24x24xf32, #tpu.memory_space<hbm>> -> memref<24x24x24xf32, #tpu.memory_space<hbm>>
    %dma_wait3A_774 = arith.constant 0 : i32
    %dma_wait3A_775 = arith.constant 0 : i32
    %dma_wait3A_776 = arith.constant 0 : i32
    %dma_wait3A_777 = tpu.memref_slice %arg3[%add3A, %dma_wait3A_764, %dma_wait3A_774, %dma_wait3A_775, %dma_wait3A_776] : memref<32x24x24x24x24xf32, #tpu.memory_space<hbm>> -> memref<1x1x24x24x24xf32, #tpu.memory_space<hbm>>
    %dma_wait3A_778 = tpu.memref_squeeze %dma_wait3A_777 : memref<1x1x24x24x24xf32, #tpu.memory_space<hbm>> -> memref<24x24x24xf32, #tpu.memory_space<hbm>>
    %dma_wait3A_779 = arith.constant 0 : i32
    %dma_wait3A_780 = arith.constant 7 : i32
    %dma_wait3A_781 = arith.constant 0 : i32
    %dma_wait3A_782 = tpu.memref_slice %arg5[%dma_wait3A_779, %dma_wait3A_780, %dma_wait3A_781] : memref<24x47x24xf32, #tpu.memory_space<vmem>> -> memref<24x24x24xf32, #tpu.memory_space<vmem>>
    tpu.wait_dma2 semaphore(%arg6 : memref<!tpu.dma_semaphore, #tpu.memory_space<semaphore_mem>>) src(%dma_wait3A_782 : memref<24x24x24xf32, #tpu.memory_space<vmem>>) dst(%dma_wait3A_778 : memref<24x24x24xf32, #tpu.memory_space<hbm>>)
    %dma_wait3A_783 = arith.constant 17 : i32
    %dma_wait3A_784 = arith.constant 0 : i32
    %dma_wait3A_785 = arith.constant 6 : i32
    %dma_wait3A_786 = arith.constant 0 : i32
    %dma_wait3A_787 = tpu.memref_slice %arg5[%dma_wait3A_784, %dma_wait3A_785, %dma_wait3A_786] : memref<24x47x24xf32, #tpu.memory_space<vmem>> -> memref<24x24x24xf32, #tpu.memory_space<vmem>>
    %dma_wait3A_788 = arith.constant 0 : i32
    %dma_wait3A_789 = arith.constant 0 : i32
    %dma_wait3A_790 = arith.constant 0 : i32
    %dma_wait3A_791 = tpu.memref_slice %arg3[%add3A, %dma_wait3A_783, %dma_wait3A_788, %dma_wait3A_789, %dma_wait3A_790] : memref<32x24x24x24x24xf32, #tpu.memory_space<hbm>> -> memref<1x1x24x24x24xf32, #tpu.memory_space<hbm>>
    %dma_wait3A_792 = tpu.memref_squeeze %dma_wait3A_791 : memref<1x1x24x24x24xf32, #tpu.memory_space<hbm>> -> memref<24x24x24xf32, #tpu.memory_space<hbm>>
    %dma_wait3A_793 = arith.constant 0 : i32
    %dma_wait3A_794 = arith.constant 0 : i32
    %dma_wait3A_795 = arith.constant 0 : i32
    %dma_wait3A_796 = tpu.memref_slice %arg3[%add3A, %dma_wait3A_783, %dma_wait3A_793, %dma_wait3A_794, %dma_wait3A_795] : memref<32x24x24x24x24xf32, #tpu.memory_space<hbm>> -> memref<1x1x24x24x24xf32, #tpu.memory_space<hbm>>
    %dma_wait3A_797 = tpu.memref_squeeze %dma_wait3A_796 : memref<1x1x24x24x24xf32, #tpu.memory_space<hbm>> -> memref<24x24x24xf32, #tpu.memory_space<hbm>>
    %dma_wait3A_798 = arith.constant 0 : i32
    %dma_wait3A_799 = arith.constant 6 : i32
    %dma_wait3A_800 = arith.constant 0 : i32
    %dma_wait3A_801 = tpu.memref_slice %arg5[%dma_wait3A_798, %dma_wait3A_799, %dma_wait3A_800] : memref<24x47x24xf32, #tpu.memory_space<vmem>> -> memref<24x24x24xf32, #tpu.memory_space<vmem>>
    tpu.wait_dma2 semaphore(%arg6 : memref<!tpu.dma_semaphore, #tpu.memory_space<semaphore_mem>>) src(%dma_wait3A_801 : memref<24x24x24xf32, #tpu.memory_space<vmem>>) dst(%dma_wait3A_797 : memref<24x24x24xf32, #tpu.memory_space<hbm>>)
    %dma_wait3A_802 = arith.constant 18 : i32
    %dma_wait3A_803 = arith.constant 0 : i32
    %dma_wait3A_804 = arith.constant 5 : i32
    %dma_wait3A_805 = arith.constant 0 : i32
    %dma_wait3A_806 = tpu.memref_slice %arg5[%dma_wait3A_803, %dma_wait3A_804, %dma_wait3A_805] : memref<24x47x24xf32, #tpu.memory_space<vmem>> -> memref<24x24x24xf32, #tpu.memory_space<vmem>>
    %dma_wait3A_807 = arith.constant 0 : i32
    %dma_wait3A_808 = arith.constant 0 : i32
    %dma_wait3A_809 = arith.constant 0 : i32
    %dma_wait3A_810 = tpu.memref_slice %arg3[%add3A, %dma_wait3A_802, %dma_wait3A_807, %dma_wait3A_808, %dma_wait3A_809] : memref<32x24x24x24x24xf32, #tpu.memory_space<hbm>> -> memref<1x1x24x24x24xf32, #tpu.memory_space<hbm>>
    %dma_wait3A_811 = tpu.memref_squeeze %dma_wait3A_810 : memref<1x1x24x24x24xf32, #tpu.memory_space<hbm>> -> memref<24x24x24xf32, #tpu.memory_space<hbm>>
    %dma_wait3A_812 = arith.constant 0 : i32
    %dma_wait3A_813 = arith.constant 0 : i32
    %dma_wait3A_814 = arith.constant 0 : i32
    %dma_wait3A_815 = tpu.memref_slice %arg3[%add3A, %dma_wait3A_802, %dma_wait3A_812, %dma_wait3A_813, %dma_wait3A_814] : memref<32x24x24x24x24xf32, #tpu.memory_space<hbm>> -> memref<1x1x24x24x24xf32, #tpu.memory_space<hbm>>
    %dma_wait3A_816 = tpu.memref_squeeze %dma_wait3A_815 : memref<1x1x24x24x24xf32, #tpu.memory_space<hbm>> -> memref<24x24x24xf32, #tpu.memory_space<hbm>>
    %dma_wait3A_817 = arith.constant 0 : i32
    %dma_wait3A_818 = arith.constant 5 : i32
    %dma_wait3A_819 = arith.constant 0 : i32
    %dma_wait3A_820 = tpu.memref_slice %arg5[%dma_wait3A_817, %dma_wait3A_818, %dma_wait3A_819] : memref<24x47x24xf32, #tpu.memory_space<vmem>> -> memref<24x24x24xf32, #tpu.memory_space<vmem>>
    tpu.wait_dma2 semaphore(%arg6 : memref<!tpu.dma_semaphore, #tpu.memory_space<semaphore_mem>>) src(%dma_wait3A_820 : memref<24x24x24xf32, #tpu.memory_space<vmem>>) dst(%dma_wait3A_816 : memref<24x24x24xf32, #tpu.memory_space<hbm>>)
    %dma_wait3A_821 = arith.constant 19 : i32
    %dma_wait3A_822 = arith.constant 0 : i32
    %dma_wait3A_823 = arith.constant 4 : i32
    %dma_wait3A_824 = arith.constant 0 : i32
    %dma_wait3A_825 = tpu.memref_slice %arg5[%dma_wait3A_822, %dma_wait3A_823, %dma_wait3A_824] : memref<24x47x24xf32, #tpu.memory_space<vmem>> -> memref<24x24x24xf32, #tpu.memory_space<vmem>>
    %dma_wait3A_826 = arith.constant 0 : i32
    %dma_wait3A_827 = arith.constant 0 : i32
    %dma_wait3A_828 = arith.constant 0 : i32
    %dma_wait3A_829 = tpu.memref_slice %arg3[%add3A, %dma_wait3A_821, %dma_wait3A_826, %dma_wait3A_827, %dma_wait3A_828] : memref<32x24x24x24x24xf32, #tpu.memory_space<hbm>> -> memref<1x1x24x24x24xf32, #tpu.memory_space<hbm>>
    %dma_wait3A_830 = tpu.memref_squeeze %dma_wait3A_829 : memref<1x1x24x24x24xf32, #tpu.memory_space<hbm>> -> memref<24x24x24xf32, #tpu.memory_space<hbm>>
    %dma_wait3A_831 = arith.constant 0 : i32
    %dma_wait3A_832 = arith.constant 0 : i32
    %dma_wait3A_833 = arith.constant 0 : i32
    %dma_wait3A_834 = tpu.memref_slice %arg3[%add3A, %dma_wait3A_821, %dma_wait3A_831, %dma_wait3A_832, %dma_wait3A_833] : memref<32x24x24x24x24xf32, #tpu.memory_space<hbm>> -> memref<1x1x24x24x24xf32, #tpu.memory_space<hbm>>
    %dma_wait3A_835 = tpu.memref_squeeze %dma_wait3A_834 : memref<1x1x24x24x24xf32, #tpu.memory_space<hbm>> -> memref<24x24x24xf32, #tpu.memory_space<hbm>>
    %dma_wait3A_836 = arith.constant 0 : i32
    %dma_wait3A_837 = arith.constant 4 : i32
    %dma_wait3A_838 = arith.constant 0 : i32
    %dma_wait3A_839 = tpu.memref_slice %arg5[%dma_wait3A_836, %dma_wait3A_837, %dma_wait3A_838] : memref<24x47x24xf32, #tpu.memory_space<vmem>> -> memref<24x24x24xf32, #tpu.memory_space<vmem>>
    tpu.wait_dma2 semaphore(%arg6 : memref<!tpu.dma_semaphore, #tpu.memory_space<semaphore_mem>>) src(%dma_wait3A_839 : memref<24x24x24xf32, #tpu.memory_space<vmem>>) dst(%dma_wait3A_835 : memref<24x24x24xf32, #tpu.memory_space<hbm>>)
    %dma_wait3A_840 = arith.constant 20 : i32
    %dma_wait3A_841 = arith.constant 0 : i32
    %dma_wait3A_842 = arith.constant 3 : i32
    %dma_wait3A_843 = arith.constant 0 : i32
    %dma_wait3A_844 = tpu.memref_slice %arg5[%dma_wait3A_841, %dma_wait3A_842, %dma_wait3A_843] : memref<24x47x24xf32, #tpu.memory_space<vmem>> -> memref<24x24x24xf32, #tpu.memory_space<vmem>>
    %dma_wait3A_845 = arith.constant 0 : i32
    %dma_wait3A_846 = arith.constant 0 : i32
    %dma_wait3A_847 = arith.constant 0 : i32
    %dma_wait3A_848 = tpu.memref_slice %arg3[%add3A, %dma_wait3A_840, %dma_wait3A_845, %dma_wait3A_846, %dma_wait3A_847] : memref<32x24x24x24x24xf32, #tpu.memory_space<hbm>> -> memref<1x1x24x24x24xf32, #tpu.memory_space<hbm>>
    %dma_wait3A_849 = tpu.memref_squeeze %dma_wait3A_848 : memref<1x1x24x24x24xf32, #tpu.memory_space<hbm>> -> memref<24x24x24xf32, #tpu.memory_space<hbm>>
    %dma_wait3A_850 = arith.constant 0 : i32
    %dma_wait3A_851 = arith.constant 0 : i32
    %dma_wait3A_852 = arith.constant 0 : i32
    %dma_wait3A_853 = tpu.memref_slice %arg3[%add3A, %dma_wait3A_840, %dma_wait3A_850, %dma_wait3A_851, %dma_wait3A_852] : memref<32x24x24x24x24xf32, #tpu.memory_space<hbm>> -> memref<1x1x24x24x24xf32, #tpu.memory_space<hbm>>
    %dma_wait3A_854 = tpu.memref_squeeze %dma_wait3A_853 : memref<1x1x24x24x24xf32, #tpu.memory_space<hbm>> -> memref<24x24x24xf32, #tpu.memory_space<hbm>>
    %dma_wait3A_855 = arith.constant 0 : i32
    %dma_wait3A_856 = arith.constant 3 : i32
    %dma_wait3A_857 = arith.constant 0 : i32
    %dma_wait3A_858 = tpu.memref_slice %arg5[%dma_wait3A_855, %dma_wait3A_856, %dma_wait3A_857] : memref<24x47x24xf32, #tpu.memory_space<vmem>> -> memref<24x24x24xf32, #tpu.memory_space<vmem>>
    tpu.wait_dma2 semaphore(%arg6 : memref<!tpu.dma_semaphore, #tpu.memory_space<semaphore_mem>>) src(%dma_wait3A_858 : memref<24x24x24xf32, #tpu.memory_space<vmem>>) dst(%dma_wait3A_854 : memref<24x24x24xf32, #tpu.memory_space<hbm>>)
    %dma_wait3A_859 = arith.constant 21 : i32
    %dma_wait3A_860 = arith.constant 0 : i32
    %dma_wait3A_861 = arith.constant 2 : i32
    %dma_wait3A_862 = arith.constant 0 : i32
    %dma_wait3A_863 = tpu.memref_slice %arg5[%dma_wait3A_860, %dma_wait3A_861, %dma_wait3A_862] : memref<24x47x24xf32, #tpu.memory_space<vmem>> -> memref<24x24x24xf32, #tpu.memory_space<vmem>>
    %dma_wait3A_864 = arith.constant 0 : i32
    %dma_wait3A_865 = arith.constant 0 : i32
    %dma_wait3A_866 = arith.constant 0 : i32
    %dma_wait3A_867 = tpu.memref_slice %arg3[%add3A, %dma_wait3A_859, %dma_wait3A_864, %dma_wait3A_865, %dma_wait3A_866] : memref<32x24x24x24x24xf32, #tpu.memory_space<hbm>> -> memref<1x1x24x24x24xf32, #tpu.memory_space<hbm>>
    %dma_wait3A_868 = tpu.memref_squeeze %dma_wait3A_867 : memref<1x1x24x24x24xf32, #tpu.memory_space<hbm>> -> memref<24x24x24xf32, #tpu.memory_space<hbm>>
    %dma_wait3A_869 = arith.constant 0 : i32
    %dma_wait3A_870 = arith.constant 0 : i32
    %dma_wait3A_871 = arith.constant 0 : i32
    %dma_wait3A_872 = tpu.memref_slice %arg3[%add3A, %dma_wait3A_859, %dma_wait3A_869, %dma_wait3A_870, %dma_wait3A_871] : memref<32x24x24x24x24xf32, #tpu.memory_space<hbm>> -> memref<1x1x24x24x24xf32, #tpu.memory_space<hbm>>
    %dma_wait3A_873 = tpu.memref_squeeze %dma_wait3A_872 : memref<1x1x24x24x24xf32, #tpu.memory_space<hbm>> -> memref<24x24x24xf32, #tpu.memory_space<hbm>>
    %dma_wait3A_874 = arith.constant 0 : i32
    %dma_wait3A_875 = arith.constant 2 : i32
    %dma_wait3A_876 = arith.constant 0 : i32
    %dma_wait3A_877 = tpu.memref_slice %arg5[%dma_wait3A_874, %dma_wait3A_875, %dma_wait3A_876] : memref<24x47x24xf32, #tpu.memory_space<vmem>> -> memref<24x24x24xf32, #tpu.memory_space<vmem>>
    tpu.wait_dma2 semaphore(%arg6 : memref<!tpu.dma_semaphore, #tpu.memory_space<semaphore_mem>>) src(%dma_wait3A_877 : memref<24x24x24xf32, #tpu.memory_space<vmem>>) dst(%dma_wait3A_873 : memref<24x24x24xf32, #tpu.memory_space<hbm>>)
    %dma_wait3A_878 = arith.constant 22 : i32
    %dma_wait3A_879 = arith.constant 0 : i32
    %dma_wait3A_880 = arith.constant 1 : i32
    %dma_wait3A_881 = arith.constant 0 : i32
    %dma_wait3A_882 = tpu.memref_slice %arg5[%dma_wait3A_879, %dma_wait3A_880, %dma_wait3A_881] : memref<24x47x24xf32, #tpu.memory_space<vmem>> -> memref<24x24x24xf32, #tpu.memory_space<vmem>>
    %dma_wait3A_883 = arith.constant 0 : i32
    %dma_wait3A_884 = arith.constant 0 : i32
    %dma_wait3A_885 = arith.constant 0 : i32
    %dma_wait3A_886 = tpu.memref_slice %arg3[%add3A, %dma_wait3A_878, %dma_wait3A_883, %dma_wait3A_884, %dma_wait3A_885] : memref<32x24x24x24x24xf32, #tpu.memory_space<hbm>> -> memref<1x1x24x24x24xf32, #tpu.memory_space<hbm>>
    %dma_wait3A_887 = tpu.memref_squeeze %dma_wait3A_886 : memref<1x1x24x24x24xf32, #tpu.memory_space<hbm>> -> memref<24x24x24xf32, #tpu.memory_space<hbm>>
    %dma_wait3A_888 = arith.constant 0 : i32
    %dma_wait3A_889 = arith.constant 0 : i32
    %dma_wait3A_890 = arith.constant 0 : i32
    %dma_wait3A_891 = tpu.memref_slice %arg3[%add3A, %dma_wait3A_878, %dma_wait3A_888, %dma_wait3A_889, %dma_wait3A_890] : memref<32x24x24x24x24xf32, #tpu.memory_space<hbm>> -> memref<1x1x24x24x24xf32, #tpu.memory_space<hbm>>
    %dma_wait3A_892 = tpu.memref_squeeze %dma_wait3A_891 : memref<1x1x24x24x24xf32, #tpu.memory_space<hbm>> -> memref<24x24x24xf32, #tpu.memory_space<hbm>>
    %dma_wait3A_893 = arith.constant 0 : i32
    %dma_wait3A_894 = arith.constant 1 : i32
    %dma_wait3A_895 = arith.constant 0 : i32
    %dma_wait3A_896 = tpu.memref_slice %arg5[%dma_wait3A_893, %dma_wait3A_894, %dma_wait3A_895] : memref<24x47x24xf32, #tpu.memory_space<vmem>> -> memref<24x24x24xf32, #tpu.memory_space<vmem>>
    tpu.wait_dma2 semaphore(%arg6 : memref<!tpu.dma_semaphore, #tpu.memory_space<semaphore_mem>>) src(%dma_wait3A_896 : memref<24x24x24xf32, #tpu.memory_space<vmem>>) dst(%dma_wait3A_892 : memref<24x24x24xf32, #tpu.memory_space<hbm>>)
    %dma_wait3A_897 = arith.constant 23 : i32
    %dma_wait3A_898 = arith.constant 0 : i32
    %dma_wait3A_899 = arith.constant 0 : i32
    %dma_wait3A_900 = arith.constant 0 : i32
    %dma_wait3A_901 = tpu.memref_slice %arg5[%dma_wait3A_898, %dma_wait3A_899, %dma_wait3A_900] : memref<24x47x24xf32, #tpu.memory_space<vmem>> -> memref<24x24x24xf32, #tpu.memory_space<vmem>>
    %dma_wait3A_902 = arith.constant 0 : i32
    %dma_wait3A_903 = arith.constant 0 : i32
    %dma_wait3A_904 = arith.constant 0 : i32
    %dma_wait3A_905 = tpu.memref_slice %arg3[%add3A, %dma_wait3A_897, %dma_wait3A_902, %dma_wait3A_903, %dma_wait3A_904] : memref<32x24x24x24x24xf32, #tpu.memory_space<hbm>> -> memref<1x1x24x24x24xf32, #tpu.memory_space<hbm>>
    %dma_wait3A_906 = tpu.memref_squeeze %dma_wait3A_905 : memref<1x1x24x24x24xf32, #tpu.memory_space<hbm>> -> memref<24x24x24xf32, #tpu.memory_space<hbm>>
    %dma_wait3A_907 = arith.constant 0 : i32
    %dma_wait3A_908 = arith.constant 0 : i32
    %dma_wait3A_909 = arith.constant 0 : i32
    %dma_wait3A_910 = tpu.memref_slice %arg3[%add3A, %dma_wait3A_897, %dma_wait3A_907, %dma_wait3A_908, %dma_wait3A_909] : memref<32x24x24x24x24xf32, #tpu.memory_space<hbm>> -> memref<1x1x24x24x24xf32, #tpu.memory_space<hbm>>
    %dma_wait3A_911 = tpu.memref_squeeze %dma_wait3A_910 : memref<1x1x24x24x24xf32, #tpu.memory_space<hbm>> -> memref<24x24x24xf32, #tpu.memory_space<hbm>>
    %dma_wait3A_912 = arith.constant 0 : i32
    %dma_wait3A_913 = arith.constant 0 : i32
    %dma_wait3A_914 = arith.constant 0 : i32
    %dma_wait3A_915 = tpu.memref_slice %arg5[%dma_wait3A_912, %dma_wait3A_913, %dma_wait3A_914] : memref<24x47x24xf32, #tpu.memory_space<vmem>> -> memref<24x24x24xf32, #tpu.memory_space<vmem>>
    tpu.wait_dma2 semaphore(%arg6 : memref<!tpu.dma_semaphore, #tpu.memory_space<semaphore_mem>>) src(%dma_wait3A_915 : memref<24x24x24xf32, #tpu.memory_space<vmem>>) dst(%dma_wait3A_911 : memref<24x24x24xf32, #tpu.memory_space<hbm>>)
    return
  }
}

module attributes {stable_mosaic.version = 14 : i64} {
  func.func @_tc_mlp_body(%arg0: memref<2x2256xf32, #tpu.memory_space<vmem>>, %arg1: memref<2x512xf32, #tpu.memory_space<vmem>>, %arg2: memref<512xf32, #tpu.memory_space<vmem>>, %arg3: memref<512x32xf32, #tpu.memory_space<vmem>>, %arg4: memref<32x47x48xf32, #tpu.memory_space<vmem>>) attributes {dimension_semantics = [], scalar_prefetch = 0 : i64, scratch_operands = 0 : i64, tpu.core_type = #tpu.core_type<tc>} {
    %get3A = arith.constant 0 : index
    %get3A_0 = arith.constant 0 : index
    %get3A_1 = vector.load %arg0[%get3A, %get3A_0] : memref<2x2256xf32, #tpu.memory_space<vmem>>, vector<2x2256xf32>
    %get3A_2 = arith.constant 0 : index
    %get3A_3 = arith.constant 0 : index
    %get3A_4 = vector.load %arg1[%get3A_2, %get3A_3] : memref<2x512xf32, #tpu.memory_space<vmem>>, vector<2x512xf32>
    %transpose3A = tpu.transpose %get3A_4, [1, 0] : vector<2x512xf32> -> vector<512x2xf32>
    %get3A_5 = arith.constant 0 : index
    %get3A_6 = vector.load %arg2[%get3A_5] : memref<512xf32, #tpu.memory_space<vmem>>, vector<512xf32>
    %reshape3A = vector.shape_cast %get3A_6 : vector<512xf32> to vector<1x512xf32>
    %transpose3A_7 = tpu.transpose %reshape3A, [1, 0] : vector<1x512xf32> -> vector<512x1xf32>
    %slice3A = vector.extract_strided_slice %transpose3A {offsets = [0, 0], sizes = [512, 1], strides = [1, 1]} : vector<512x2xf32> to vector<512x1xf32>
    %slice3A_8 = vector.extract_strided_slice %get3A_1 {offsets = [0, 0], sizes = [1, 2256], strides = [1, 1]} : vector<2x2256xf32> to vector<1x2256xf32>
    %mul3A = vector.broadcast %slice3A : vector<512x1xf32> to vector<512x2256xf32>
    %mul3A_9 = vector.broadcast %slice3A_8 : vector<1x2256xf32> to vector<512x2256xf32>
    %mul3A_10 = arith.mulf %mul3A, %mul3A_9 : vector<512x2256xf32>
    %slice3A_11 = vector.extract_strided_slice %transpose3A {offsets = [0, 1], sizes = [512, 1], strides = [1, 1]} : vector<512x2xf32> to vector<512x1xf32>
    %slice3A_12 = vector.extract_strided_slice %get3A_1 {offsets = [1, 0], sizes = [1, 2256], strides = [1, 1]} : vector<2x2256xf32> to vector<1x2256xf32>
    %mul3A_13 = vector.broadcast %slice3A_11 : vector<512x1xf32> to vector<512x2256xf32>
    %mul3A_14 = vector.broadcast %slice3A_12 : vector<1x2256xf32> to vector<512x2256xf32>
    %mul3A_15 = arith.mulf %mul3A_13, %mul3A_14 : vector<512x2256xf32>
    %add3A = arith.addf %mul3A_10, %mul3A_15 : vector<512x2256xf32>
    %add3A_16 = vector.broadcast %transpose3A_7 : vector<512x1xf32> to vector<512x2256xf32>
    %add3A_17 = arith.addf %add3A, %add3A_16 : vector<512x2256xf32>
    %max3A = arith.constant 0.000000e+00 : f32
    %max3A_18 = vector.broadcast %max3A : f32 to vector<512x2256xf32>
    %max3A_19 = arith.maximumf %add3A_17, %max3A_18 : vector<512x2256xf32>
    %get3A_20 = arith.constant 0 : index
    %get3A_21 = arith.constant 0 : index
    %get3A_22 = vector.load %arg3[%get3A_20, %get3A_21] : memref<512x32xf32, #tpu.memory_space<vmem>>, vector<512x32xf32>
    %transpose3A_23 = tpu.transpose %get3A_22, [1, 0] : vector<512x32xf32> -> vector<32x512xf32>
    %dot_general3A = arith.constant dense<0.000000e+00> : vector<32x2256xf32>
    %dot_general3A_24 = tpu.matmul %transpose3A_23, %max3A_19, %dot_general3A {dimension_numbers = #tpu.dot_dimension_numbers<[1], [0], [0], [1], [0, 0, 1, 1], [], []>, transpose_lhs_hint = false} : vector<32x512xf32>, vector<512x2256xf32>, vector<32x2256xf32> -> vector<32x2256xf32>
    %neg3A = arith.constant 0.000000e+00 : f32
    %neg3A_25 = vector.broadcast %neg3A : f32 to vector<32x2256xf32>
    %neg3A_26 = arith.subf %neg3A_25, %dot_general3A_24 : vector<32x2256xf32>
    %exp3A = math.exp %neg3A_26 : vector<32x2256xf32>
    %add3A_27 = arith.constant 1.000000e+00 : f32
    %add3A_28 = vector.broadcast %add3A_27 : f32 to vector<32x2256xf32>
    %add3A_29 = arith.addf %add3A_28, %exp3A : vector<32x2256xf32>
    %div3A = arith.constant 1.600000e+01 : f32
    %div3A_30 = vector.broadcast %div3A : f32 to vector<32x2256xf32>
    %div3A_31 = arith.divf %div3A_30, %add3A_29 : vector<32x2256xf32>
    %reshape3A_32 = vector.shape_cast %div3A_31 : vector<32x2256xf32> to vector<32x47x48xf32>
    %swap3A = arith.constant 0 : index
    %swap3A_33 = arith.constant 0 : index
    %swap3A_34 = arith.constant 0 : index
    %swap3A_35 = vector.load %arg4[%swap3A, %swap3A_33, %swap3A_34] : memref<32x47x48xf32, #tpu.memory_space<vmem>>, vector<32x47x48xf32>
    tpu.vector_store %arg4[%swap3A, %swap3A_33, %swap3A_34], %reshape3A_32 {strides = array<i32>} : memref<32x47x48xf32, #tpu.memory_space<vmem>>, vector<32x47x48xf32>,
    return
  }
}

</mosaic_0001>

<sc_bundles>
// kernel: kernel.4.cloned.1.call-start
scs
__scs_entry_jumppad:
0x0: {  	(pc) =	sbr.rel $0x88, $3  }
0x1: {  	(tag) =	ssettag $0x0;
	lr =	simm.s32 $0x1  }
0x2: {  	[smem:$0x3F9E] =	sst lr;
	_ =	strace $0xD0000000  }
0x3: {  	_ = 	snop  }
0x4: {  	_ = 	snop  }
0x5: {  	_ = 	snop  }
0x6: {  	_ = 	snop  }
0x7: {  	_ = 	snop  }
__scs_overlays_trampoline_lowered:
0x8: {  	[smem:$0x3FAD] =	sst s0  }
0x9: {  	[smem:$0x3FAE] =	sst s1  }
0xa: {  	[smem:$0x3FAF] =	sst s2  }
0xb: {  	[smem:$0x3FB0] =	sst s3  }
0xc: {  	[smem:$0x3FB1] =	sst s4  }
0xd: {  	[smem:$0x3FB2] =	sst s5  }
0xe: {  	[smem:$0x3FB3] =	sst s6  }
0xf: {  	[smem:$0x3FB4] =	sst s7  }
0x10: {  	[smem:$0x3FB5] =	sst s8  }
0x11: {  	[smem:$0x3FB6] =	sst s9;
	s0 =	simm.s32 @!p0 $0x0  }
0x12: {  	s1 =	sld [smem:$0x3F9C];
	s0 =	simm.s32 @p0 $0x1  }
0x13: {  	[smem:$0x3FB7] =	sst s0;
	s0 =	simm.s32 @!p1 $0x0  }
0x14: {  	s2 =	sld [smem:$0x3F9B];
	s0 =	simm.s32 @p1 $0x1  }
0x15: {  	[smem:$0x3FB8] =	sst s0;
	s0 =	simm.s32 @!p2 $0x0  }
0x16: {  	s3 =	sld [smem:$0x3FDB];
	s0 =	simm.s32 @p2 $0x1  }
0x17: {  	s4 =	simm.s32 $0x1BF5;
	[smem:$0x3FBA] =	sst s0  }
0x18: {  	s0 =	sld [smem:$0x3F9D];
	_ =	swait.ge [sflag:s4], $0x0  }
0x19: {  	s7 =	sld [smem:$0x3F9E]  }
0x1a: {  	s8 =	sadd.s32 $0xFFFFE003, lr  }
0x1b: {  	s9 =	sadd.s32 $0xFFFFFEF7, lr;
	s5 =	simm.s32 $0xFFFFFFFF;
	p2 =	slt.u32 s8, $0xFFFFF086  }
0x1c: {  	p1 =	slt.u32 s9, $0xF7A;
	s5 =	simm.s32 @!p2 $0x0  }
0x1d: {  	s5 =	simm.s32 @p1 $0x1;
	p0 =	seq.s32 s7, s2  }
0x1e: {  	s7 =	smul.u32 @!p0 $0xF7A, s2;
	p2 =	seq.s32 @!p0 s5, $0x0  }
0x1f: {  	s9 =	smul.u32 $0xF7A, s1;
	s8 =	simm.s32 @!p0 $0x1BF5;
	p2 =	por !p2, p0  }
0x20: {  	[sflag:s8] =	ssyncset.s32 @!p0 $0xFFFFF086;
	s6 =	sadd.s32 @!p0 s3, s7;
	s7 =	simm.s32 @!p0 $0x108  }
0x21: {  	s3 =	sadd.s32 s3, s9;
	s6 =	sadd.s32 @!p0 $0x88, s6;
	s7 =	simm.s32 @p2 $0x1082  }
0x22: {  	[simem:s7], [sflag:s8] =	dma.local @!p0 [hbm:s6], $0xF7A  }
0x23: {  	s9 =	sor.u32 $0xD0000000, s2;
	s6 =	simm.s32 $0x108;
	_ =	swait.ge @!p0 [sflag:s8], $0x0  }
0x24: {  	s3 =	sadd.s32 $0x88, s3;
	s6 =	simm.s32 @!p1 $0x1082;
	[sflag:s4] =	ssyncset.s32 $0xFFFFF086  }
0x25: {  	[simem:s6], [sflag:s4] =	dma.local [hbm:s3], $0xF7A  }
0x26: {  	[smem:$0x3F9E] =	sst s1;
	(tag) =	ssettag s2;
	_ =	strace s9  }
0x27: {  	s1 =	sld [smem:$0x3FAE]  }
0x28: {  	s2 =	sld [smem:$0x3FAF]  }
0x29: {  	s4 =	sld [smem:$0x3FB1]  }
0x2a: {  	p0 =	seq.s32 s5, $0x0;
	s5 =	sld [smem:$0x3FB2]  }
0x2b: {  	s6 =	sld [smem:$0x3FB3]  }
0x2c: {  	s7 =	sld [smem:$0x3FB4]  }
0x2d: {  	s3 =	simm.s32 $0x108;
	s8 =	sld [smem:$0x3FB5]  }
0x2e: {  	s3 =	simm.s32 @!p0 $0x1082;
	s9 =	sld [smem:$0x3FB6]  }
0x2f: {  	lr =	sadd.s32 s0, s3;
	s0 =	sld [smem:$0x3FAD]  }
0x30: {  	s3 =	sld [smem:$0x3FB0]  }
0x31: {  	[smem:$0x3FB9] =	sst s10  }
0x32: {  	s10 =	sld [smem:$0x3FB7];
	_ =	sdelay $0x3  }
0x33: {  	p0 =	seq.s32 s10, $0x1;
	s10 =	sld [smem:$0x3FB9];
	_ =	sdelay $0x3  }
0x34: {  	[smem:$0x3FB9] =	sst s10  }
0x35: {  	s10 =	sld [smem:$0x3FB8];
	_ =	sdelay $0x3  }
0x36: {  	p1 =	seq.s32 s10, $0x1;
	s10 =	sld [smem:$0x3FB9];
	_ =	sdelay $0x3  }
0x37: {  	[smem:$0x3FB9] =	sst s10  }
0x38: {  	s10 =	sld [smem:$0x3FBA]  }
0x39: {  	_ = 	snop;
	(pc) =	sbr.ind lr, $3  }
0x3a: {  	_ = 	snop  }
0x3b: {  	_ = 	snop  }
0x3c: {  	p2 =	seq.s32 s10, $0x1;
	s10 =	sld [smem:$0x3FB9]  }
0x3d: {  	_ =	shalt  }
0x3e: {  	_ =	shalt  }
0x3f: {  	_ =	shalt  }
0x40: {  	_ =	shalt  }
0x41: {  	_ =	shalt  }
0x42: {  	_ =	shalt  }
0x43: {  	_ =	shalt  }
0x44: {  	_ =	shalt  }
0x45: {  	_ =	shalt  }
0x46: {  	_ =	shalt  }
0x47: {  	_ =	shalt  }
0x48: {  	_ =	shalt  }
0x49: {  	_ =	shalt  }
0x4a: {  	_ =	shalt  }
0x4b: {  	_ =	shalt  }
0x4c: {  	_ =	shalt  }
0x4d: {  	_ =	shalt  }
0x4e: {  	_ =	shalt  }
0x4f: {  	_ =	shalt  }
0x50: {  	_ =	shalt  }
0x51: {  	_ =	shalt  }
0x52: {  	_ =	shalt  }
0x53: {  	_ =	shalt  }
0x54: {  	_ =	shalt  }
0x55: {  	_ =	shalt  }
0x56: {  	_ =	shalt  }
0x57: {  	_ =	shalt  }
0x58: {  	_ =	shalt  }
0x59: {  	_ =	shalt  }
0x5a: {  	_ =	shalt  }
0x5b: {  	_ =	shalt  }
0x5c: {  	_ =	shalt  }
0x5d: {  	_ =	shalt  }
0x5e: {  	_ =	shalt  }
0x5f: {  	_ =	shalt  }
0x60: {  	_ =	shalt  }
0x61: {  	_ =	shalt  }
0x62: {  	_ =	shalt  }
0x63: {  	_ =	shalt  }
0x64: {  	_ =	shalt  }
0x65: {  	_ =	shalt  }
0x66: {  	_ =	shalt  }
0x67: {  	_ =	shalt  }
0x68: {  	_ =	shalt  }
0x69: {  	_ =	shalt  }
0x6a: {  	_ =	shalt  }
0x6b: {  	_ =	shalt  }
0x6c: {  	_ =	shalt  }
0x6d: {  	_ =	shalt  }
0x6e: {  	_ =	shalt  }
0x6f: {  	_ =	shalt  }
0x70: {  	_ =	shalt  }
0x71: {  	_ =	shalt  }
0x72: {  	_ =	shalt  }
0x73: {  	_ =	shalt  }
0x74: {  	_ =	shalt  }
0x75: {  	_ =	shalt  }
0x76: {  	_ =	shalt  }
0x77: {  	_ =	shalt  }
0x78: {  	_ =	shalt  }
0x79: {  	_ =	shalt  }
0x7a: {  	_ =	shalt  }
0x7b: {  	_ =	shalt  }
0x7c: {  	_ =	shalt  }
0x7d: {  	_ =	shalt  }
0x7e: {  	_ =	shalt  }
0x7f: {  	_ =	shalt  }
0x80: {  	_ =	shalt  }
0x81: {  	_ =	shalt  }
0x82: {  	_ =	shalt  }
0x83: {  	_ =	shalt  }
0x84: {  	_ =	shalt  }
0x85: {  	_ =	shalt  }
0x86: {  	_ =	shalt  }
0x87: {  	_ =	shalt  }
.Lfunc_end0:
.L_simem_size_0:
called_computation_lowered:
.L_overlay_start_0:
0x88: {  	s2 =	sld [smem:$0x3FD9]  }
0x89: {  	s3 =	sld [smem:$0x3FFE];
	_ =	sdelay $0x1  }
0x8a: {  	s1 =	srdreg.scid  }
0x8b: {  	s0 =	sand.u32 $0x1, s1  }
0x8c: {  	s17 =	sshll.u32 s0, $0xA;
	s2 =	sadd.s32 s3, s2  }
0x8d: {  	s2 =	sadd.s32 s2, s17  }
0x8e: {  	[smem:$0x3FC5] =	sst s2  }
0x8f: {  	_ = 	snop  }
0x90: {  	s2 =	sld [smem:$0x3FD0];
	(tm) =	ssettm $0x1  }
0x91: {  	s18 =	sld [smem:$0x3FFB];
	_ =	sdelay $0x3  }
0x92: {  	_ =	strace s18  }
0x93: {  	s3 =	sld [smem:$0x3FFC];
	_ =	sdelay $0x3  }
0x94: {  	_ =	strace s3  }
0x95: {  	s3 =	sld [smem:$0x3FFD];
	_ =	sdelay $0x3  }
0x96: {  	_ =	strace s3  }
0x97: {  	_ =	strace $0x8FFFFFFF  }
0x98: {  	s19 =	sld [smem:$0x3FDB];
	_ =	sdelay $0x1  }
0x99: {  	s4 =	simm.s32 $_scs_section_size  }
0x9a: {  	s5 =	simm.s32 $_size__tile_overlayer_lowered;
	s6 =	simm.s32 $_tile_overlayer_lowered  }
0x9b: {  	s22 =	simm.s32 $0x1BFF;
	s21 =	sshll.u32 s6, $0x1;
	s3 =	sadd.s32 s4, s19  }
0x9c: {  	s7 =	simm.s32 $0x0;
	s20 =	sshll.u32 s5, $0x1;
	s5 =	sadd.s32 s21, s3  }
0x9d: {  	[timem:s7], [sflag:s22] =	dma.local [hbm:s5], s20  }
0x9e: {  	_ =	swait.ge [sflag:s22], s20  }
0x9f: {  	s4 =	ssub.s32 $0x0, s20;
	[sflag:s22] =	ssyncset.done $0x0  }
0xa0: {  	[sflag:s22] =	ssyncadd.s32 s4;
	_ =	sdelay $0x1  }
0xa1: {  	s23 =	simm.s32 $0x1B8B  }
0xa2: {  	_ =	swait.ge [sflag:s23], $0x1  }
0xa3: {  	[sflag:s23] =	ssyncset.done $0x0  }
0xa4: {  	s25 =	simm.s32 $0x1B8E;
	s24 =	sld [smem:$0x3FFE];
	[sflag:s23] =	ssyncadd.s32 $0xFFFFFFFF  }
0xa5: {  	s26 =	simm.s32 $execute0_lowered;
	[smem:$0x3FD2] =	sst s25  }
0xa6: {  	s5 =	sshll.u32 s26, $0x1;
	_ =	strace $0x80000046;
	[dreg:$0x1] =	wrdreg $0xFFFFFFFF  }
0xa7: {  	s28 =	simm.s32 $_size_execute0_lowered;
	s3 =	sadd.s32 s3, s5;
	[dreg:$0x0] =	wrdreg $0x0  }
0xa8: {  	s5 =	sshll.u32 s28, $0x1;
	[dreg:$0x2] =	wrdreg s3  }
0xa9: {  	[dreg:$0x3] =	wrdreg s5  }
0xaa: {  	[dreg:$0x4] =	wrdreg $0xC0  }
0xab: {  	_ =	task [dreg:s7], $0x5FFFF  }
0xac: {  	[dreg:$0x1] =	wrdreg $0xFFFFFFFF  }
0xad: {  	[dreg:$0x0] =	wrdreg $0x60  }
0xae: {  	[dreg:$0x2] =	wrdreg s2  }
0xaf: {  	[dreg:$0x3] =	wrdreg s24  }
0xb0: {  	[dreg:$0x4] =	wrdreg $0x9  }
0xb1: {  	_ =	task.clear_ibuf [dreg:s7], $0x5FFFF;
	_ =	strace $0x90000046  }
0xb2: {  	s29 =	simm.s32 $0x9;
	_ =	strace $0x80000048  }
0xb3: {  	_ =	swait.ge [sflag:s29], $0x1  }
0xb4: {  	[sflag:s29] =	ssyncadd.s32 $0xFFFFFFFF  }
0xb5: {  	_ =	strace $0x90000048  }
0xb6: {  	_ =	sfence  }
0xb7: {  	s30 =	sld [smem:$0x0];
	_ =	sdelay $0x2  }
0xb8: {  	s31 =	sshll.u32 s1, $0xD;
	s1 =	sshrl.u32 s1, $0x2  }
0xb9: {  	s3 =	sand.u32 $0x4000, s31;
	s1 =	sadd.s32 s1, s30  }
0xba: {  	s0 =	sor.u32 s3, s0;
	s1 =	sshll.u32 s1, $0x11  }
0xbb: {  	s0 =	sor.u32 s1, s0  }
0xbc: {  	s0 =	sadd.s32 $0x8F2B, s0  }
0xbd: {  	[sflag:s0] =	ssyncadd.remote.s32 $0x1  }
0xbe: {  	_ =	sfence.sel $0xFFFF  }
0xbf: {  	[dreg:$0x0] =	wrdreg $0xFFFFFFFF;
	(pc) =	sbr.abs _section_cstart, $3  }
0xc0: {  	[dreg:$0x1] =	wrdreg $0xFFFFFFFF  }
0xc1: {  	_ =	task.clear_ibuf [dreg:s7], $0x2FFFF;
	_ =	strace $0x9FFFFFFF  }
0xc2: {  	(tm) =	ssettm $0x7FFFFFFF  }
0xc3: {  	_ =	shalt  }
tec
execute0_lowered:
.L_overlay_start_1:
0x0: {  	(tag) =	ssettag $0x1  }
0x1: {  	s0 =	srdreg.scid;
	s2 =	stileid.u32  }
0x2: {  	s0 =	sand.u32 $0x1, s0;
	s2 =	sshll.u32 s2, $0x1  }
0x3: {  	s1 =	rddreg [dreg:$0x0];
	s4 =	sor.u32 s0, s2  }
0x4: {  	s3 =	rddreg [dreg:$0x1];
	s5 =	smul.u32 $0x51000, s4  }
0x5: {  	s2 =	simm.s32 $0x0;
	s0 =	ssub.s32 $0x2, s0;
	s4 =	smul.u32 $0x11A, s4  }
0x6: {  	s31 =	simm.s32 $0x1;
	[smem:$0x7FF] =	sst s2;
	s30 =	sshrl.u32 s0, $0x1  }
0x7: {  	_ =	strace $0x80000047;
	s0 =	ssub.s32 s0, s30;
	s1 =	sadd.s32 s1, s4  }
0x8: {  	s5 =	sshrl.u32 s5, $0x3;
	s0 =	smax.u32 s0, $0x1;
	[dreg:$0x3] =	wrdreg s1  }
0x9: {  	s3 =	sadd.s32 s5, s3;
	[dreg:$0x4] =	wrdreg s0;
	s1 =	simm.s32 $0x0  }
0xa: {  	s4 =	sadd.s32 $0xA00, s3;
	s5 =	sadd.s32 $0x10C0, s3;
	s6 =	sadd.s32 $0x1780, s3  }
0xb: {  	s7 =	sadd.s32 $0x1E40, s3;
	s8 =	sadd.s32 $0x2500, s3;
	s9 =	sadd.s32 $0x2BC0, s3  }
0xc: {  	s10 =	sadd.s32 $0x3280, s3;
	s11 =	sadd.s32 $0x3940, s3;
	s12 =	sadd.s32 $0x4000, s3  }
0xd: {  	s13 =	sadd.s32 $0x46C0, s3;
	s14 =	sadd.s32 $0x4D80, s3;
	s15 =	sadd.s32 $0x5440, s3  }
0xe: {  	s16 =	sadd.s32 $0x5B00, s3;
	s17 =	sadd.s32 $0x61C0, s3;
	s18 =	sadd.s32 $0x6880, s3  }
0xf: {  	s19 =	sadd.s32 $0x6F40, s3;
	s20 =	sadd.s32 $0x7600, s3;
	s21 =	sadd.s32 $0x7CC0, s3  }
0x10: {  	s22 =	sadd.s32 $0x8380, s3;
	s23 =	sadd.s32 $0x8A40, s3;
	s24 =	sadd.s32 $0x9100, s3  }
0x11: {  	s25 =	sadd.s32 $0x97C0, s3;
	s26 =	sadd.s32 $0x9E80, s3;
	s28 =	sadd.s32 $0xA540, s3  }
.LBB2_1:
0x12: {  	s0 =	rddreg [dreg:$0x3];
	s30 =	simm.s32 $0x2  }
0x13: {  	[tilespmem:s2], [sflag:$0x2] =	stream.linear.gather [hbm4b:s0+s2], $0x8D0, $0x38;
	[tilespmem:$0x7290] =	vst v63  }
0x14: {  	_ =	swait.ge [sflag:s30], $0x8D0  }
0x15: {  	[sflag:s30] =	ssyncset.done $0x0  }
0x16: {  	s0 =	simm.s32 $0x10;
	[sflag:s30] =	ssyncadd.s32 $0xFFFFF730  }
0x17: {  	s3 =	simm.s32 $0x60;
	s29 =	simm.s32 $0x0;
	v0 =	vld [tilespmem:s0+$0x7]  }
.LBB2_2:
0x18: {  	p0 =	sne.s32 s3, $0x1140;
	_ =	sdelay $0x2  }
0x19: {  	s30 =	sshra.s32 s29, $0x2;
	s29 =	smov.u32 s3  }
0x1a: {  	[tilespmem:s30+$0x8D0] =	vst v0  }
0x1b: {  	v0 =	vld [tilespmem:s0+$0xF];
	_ =	sdelay $0x4  }
0x1c: {  	[tilespmem:s30+$0x8D8] =	vst v0  }
0x1d: {  	v0 =	vld [tilespmem:s0+$0x6];
	_ =	sdelay $0x4  }
0x1e: {  	[tilespmem:s30+$0xD38] =	vst v0  }
0x1f: {  	v0 =	vld [tilespmem:s0+$0xE];
	_ =	sdelay $0x4  }
0x20: {  	[tilespmem:s30+$0xD40] =	vst v0  }
0x21: {  	v0 =	vld [tilespmem:s0+$0x5];
	_ =	sdelay $0x4  }
0x22: {  	[tilespmem:s30+$0x11A0] =	vst v0  }
0x23: {  	v0 =	vld [tilespmem:s0+$0xD];
	_ =	sdelay $0x4  }
0x24: {  	[tilespmem:s30+$0x11A8] =	vst v0  }
0x25: {  	v0 =	vld [tilespmem:s0+$0x4];
	_ =	sdelay $0x4  }
0x26: {  	[tilespmem:s30+$0x1608] =	vst v0  }
0x27: {  	v0 =	vld [tilespmem:s0+$0xC];
	_ =	sdelay $0x4  }
0x28: {  	[tilespmem:s30+$0x1610] =	vst v0  }
0x29: {  	v0 =	vld [tilespmem:s0+$0x3];
	_ =	sdelay $0x4  }
0x2a: {  	[tilespmem:s30+$0x1A70] =	vst v0  }
0x2b: {  	v0 =	vld [tilespmem:s0+$0xB];
	_ =	sdelay $0x4  }
0x2c: {  	[tilespmem:s30+$0x1A78] =	vst v0  }
0x2d: {  	v0 =	vld [tilespmem:s0+$0x2];
	_ =	sdelay $0x4  }
0x2e: {  	[tilespmem:s30+$0x1ED8] =	vst v0  }
0x2f: {  	v0 =	vld [tilespmem:s0+$0xA];
	_ =	sdelay $0x4  }
0x30: {  	[tilespmem:s30+$0x1EE0] =	vst v0  }
0x31: {  	v0 =	vld [tilespmem:s0+$0x1];
	_ =	sdelay $0x4  }
0x32: {  	[tilespmem:s30+$0x2340] =	vst v0  }
0x33: {  	v0 =	vld [tilespmem:s0+$0x9];
	_ =	sdelay $0x4  }
0x34: {  	[tilespmem:s30+$0x2348] =	vst v0  }
0x35: {  	v0 =	vld [tilespmem:s0+$0x0];
	_ =	sdelay $0x4  }
0x36: {  	[tilespmem:s30+$0x27A8] =	vst v0  }
0x37: {  	v0 =	vld [tilespmem:s0+$0x8];
	_ =	sdelay $0x4  }
0x38: {  	[tilespmem:s30+$0x27B0] =	vst v0  }
0x39: {  	v0 =	vld [tilespmem:s0+$0xFFFFFFFF];
	_ =	sdelay $0x4  }
0x3a: {  	[tilespmem:s30+$0x2C10] =	vst v0  }
0x3b: {  	v0 =	vld [tilespmem:s0+$0x7];
	_ =	sdelay $0x4  }
0x3c: {  	[tilespmem:s30+$0x2C18] =	vst v0  }
0x3d: {  	v0 =	vld [tilespmem:s0+$0xFFFFFFFE];
	_ =	sdelay $0x4  }
0x3e: {  	[tilespmem:s30+$0x3078] =	vst v0  }
0x3f: {  	v0 =	vld [tilespmem:s0+$0x6];
	_ =	sdelay $0x4  }
0x40: {  	[tilespmem:s30+$0x3080] =	vst v0  }
0x41: {  	v0 =	vld [tilespmem:s0+$0xFFFFFFFD];
	_ =	sdelay $0x4  }
0x42: {  	[tilespmem:s30+$0x34E0] =	vst v0  }
0x43: {  	v0 =	vld [tilespmem:s0+$0x5];
	_ =	sdelay $0x4  }
0x44: {  	[tilespmem:s30+$0x34E8] =	vst v0  }
0x45: {  	v0 =	vld [tilespmem:s0+$0xFFFFFFFC];
	_ =	sdelay $0x4  }
0x46: {  	[tilespmem:s30+$0x3948] =	vst v0  }
0x47: {  	v0 =	vld [tilespmem:s0+$0x4];
	_ =	sdelay $0x4  }
0x48: {  	[tilespmem:s30+$0x3950] =	vst v0  }
0x49: {  	v0 =	vld [tilespmem:s0+$0xFFFFFFFB];
	_ =	sdelay $0x4  }
0x4a: {  	[tilespmem:s30+$0x3DB0] =	vst v0  }
0x4b: {  	v0 =	vld [tilespmem:s0+$0x3];
	_ =	sdelay $0x4  }
0x4c: {  	[tilespmem:s30+$0x3DB8] =	vst v0  }
0x4d: {  	v0 =	vld [tilespmem:s0+$0xFFFFFFFA];
	_ =	sdelay $0x4  }
0x4e: {  	[tilespmem:s30+$0x4218] =	vst v0  }
0x4f: {  	v0 =	vld [tilespmem:s0+$0x2];
	_ =	sdelay $0x4  }
0x50: {  	[tilespmem:s30+$0x4220] =	vst v0  }
0x51: {  	v0 =	vld [tilespmem:s0+$0xFFFFFFF9];
	_ =	sdelay $0x4  }
0x52: {  	[tilespmem:s30+$0x4680] =	vst v0  }
0x53: {  	v0 =	vld [tilespmem:s0+$0x1];
	_ =	sdelay $0x4  }
0x54: {  	[tilespmem:s30+$0x4688] =	vst v0  }
0x55: {  	v0 =	vld [tilespmem:s0+$0xFFFFFFF8];
	_ =	sdelay $0x4  }
0x56: {  	[tilespmem:s30+$0x4AE8] =	vst v0  }
0x57: {  	v0 =	vld [tilespmem:s0+$0x0];
	_ =	sdelay $0x4  }
0x58: {  	[tilespmem:s30+$0x4AF0] =	vst v0  }
0x59: {  	v0 =	vld [tilespmem:s0+$0xFFFFFFF7];
	_ =	sdelay $0x4  }
0x5a: {  	[tilespmem:s30+$0x4F50] =	vst v0  }
0x5b: {  	v0 =	vld [tilespmem:s0+$0xFFFFFFFF];
	_ =	sdelay $0x4  }
0x5c: {  	[tilespmem:s30+$0x4F58] =	vst v0  }
0x5d: {  	v0 =	vld [tilespmem:s0+$0xFFFFFFF6];
	_ =	sdelay $0x4  }
0x5e: {  	[tilespmem:s30+$0x53B8] =	vst v0  }
0x5f: {  	v0 =	vld [tilespmem:s0+$0xFFFFFFFE];
	_ =	sdelay $0x4  }
0x60: {  	[tilespmem:s30+$0x53C0] =	vst v0  }
0x61: {  	v0 =	vld [tilespmem:s0+$0xFFFFFFF5];
	_ =	sdelay $0x4  }
0x62: {  	[tilespmem:s30+$0x5820] =	vst v0  }
0x63: {  	v0 =	vld [tilespmem:s0+$0xFFFFFFFD];
	_ =	sdelay $0x4  }
0x64: {  	[tilespmem:s30+$0x5828] =	vst v0  }
0x65: {  	v0 =	vld [tilespmem:s0+$0xFFFFFFF4];
	_ =	sdelay $0x4  }
0x66: {  	[tilespmem:s30+$0x5C88] =	vst v0  }
0x67: {  	v0 =	vld [tilespmem:s0+$0xFFFFFFFC];
	_ =	sdelay $0x4  }
0x68: {  	[tilespmem:s30+$0x5C90] =	vst v0  }
0x69: {  	v0 =	vld [tilespmem:s0+$0xFFFFFFF3];
	_ =	sdelay $0x4  }
0x6a: {  	[tilespmem:s30+$0x60F0] =	vst v0  }
0x6b: {  	v0 =	vld [tilespmem:s0+$0xFFFFFFFB];
	_ =	sdelay $0x4  }
0x6c: {  	[tilespmem:s30+$0x60F8] =	vst v0  }
0x6d: {  	v0 =	vld [tilespmem:s0+$0xFFFFFFF2];
	_ =	sdelay $0x4  }
0x6e: {  	[tilespmem:s30+$0x6558] =	vst v0  }
0x6f: {  	v0 =	vld [tilespmem:s0+$0xFFFFFFFA];
	_ =	sdelay $0x4  }
0x70: {  	[tilespmem:s30+$0x6560] =	vst v0  }
0x71: {  	v0 =	vld [tilespmem:s0+$0xFFFFFFF1];
	_ =	sdelay $0x4  }
0x72: {  	[tilespmem:s30+$0x69C0] =	vst v0  }
0x73: {  	v0 =	vld [tilespmem:s0+$0xFFFFFFF9];
	_ =	sdelay $0x4  }
0x74: {  	[tilespmem:s30+$0x69C8] =	vst v0  }
0x75: {  	v0 =	vld [tilespmem:s0+$0xFFFFFFF0];
	_ =	sdelay $0x4  }
0x76: {  	[tilespmem:s30+$0x6E28] =	vst v0  }
0x77: {  	v0 =	vld [tilespmem:s0+$0xFFFFFFF8];
	_ =	sdelay $0x1  }
.Ltmp0:
0x78: {  	(pc) =	sbr.rel @p0 .LBB2_2-.Ltmp0, $3  }
0x79: {  	_ =	sdelay $0x1  }
0x7a: {  	s0 =	sadd.s32 $0x30, s0;
	[tilespmem:s30+$0x6E30] =	vst v0  }
0x7b: {  	s3 =	sadd.s32 $0x60, s3;
	v0 =	vld [tilespmem:s0+$0x7]  }
0x7c: {  	_ =	sdelay $0x2  }
0x7d: {  	s3 =	sshra.s32 s29, $0x2  }
0x7e: {  	[tilespmem:s3+$0x8D0] =	vst v0  }
0x7f: {  	v0 =	vld [tilespmem:s0+$0xF];
	_ =	sdelay $0x4  }
0x80: {  	[tilespmem:s3+$0x8D8] =	vst v0  }
0x81: {  	v0 =	vld [tilespmem:s0+$0x6];
	_ =	sdelay $0x4  }
0x82: {  	[tilespmem:s3+$0xD38] =	vst v0  }
0x83: {  	v0 =	vld [tilespmem:s0+$0xE];
	_ =	sdelay $0x4  }
0x84: {  	[tilespmem:s3+$0xD40] =	vst v0  }
0x85: {  	v0 =	vld [tilespmem:s0+$0x5];
	_ =	sdelay $0x4  }
0x86: {  	[tilespmem:s3+$0x11A0] =	vst v0  }
0x87: {  	v0 =	vld [tilespmem:s0+$0xD];
	_ =	sdelay $0x4  }
0x88: {  	[tilespmem:s3+$0x11A8] =	vst v0  }
0x89: {  	v0 =	vld [tilespmem:s0+$0x4];
	_ =	sdelay $0x4  }
0x8a: {  	[tilespmem:s3+$0x1608] =	vst v0  }
0x8b: {  	v0 =	vld [tilespmem:s0+$0xC];
	_ =	sdelay $0x4  }
0x8c: {  	[tilespmem:s3+$0x1610] =	vst v0  }
0x8d: {  	v0 =	vld [tilespmem:s0+$0x3];
	_ =	sdelay $0x4  }
0x8e: {  	[tilespmem:s3+$0x1A70] =	vst v0  }
0x8f: {  	v0 =	vld [tilespmem:s0+$0xB];
	_ =	sdelay $0x4  }
0x90: {  	[tilespmem:s3+$0x1A78] =	vst v0  }
0x91: {  	v0 =	vld [tilespmem:s0+$0x2];
	_ =	sdelay $0x4  }
0x92: {  	[tilespmem:s3+$0x1ED8] =	vst v0  }
0x93: {  	v0 =	vld [tilespmem:s0+$0xA];
	_ =	sdelay $0x4  }
0x94: {  	[tilespmem:s3+$0x1EE0] =	vst v0  }
0x95: {  	v0 =	vld [tilespmem:s0+$0x1];
	_ =	sdelay $0x4  }
0x96: {  	[tilespmem:s3+$0x2340] =	vst v0  }
0x97: {  	v0 =	vld [tilespmem:s0+$0x9];
	_ =	sdelay $0x4  }
0x98: {  	[tilespmem:s3+$0x2348] =	vst v0  }
0x99: {  	v0 =	vld [tilespmem:s0+$0x0];
	_ =	sdelay $0x4  }
0x9a: {  	[tilespmem:s3+$0x27A8] =	vst v0  }
0x9b: {  	v0 =	vld [tilespmem:s0+$0x8];
	_ =	sdelay $0x4  }
0x9c: {  	[tilespmem:s3+$0x27B0] =	vst v0  }
0x9d: {  	v0 =	vld [tilespmem:s0+$0xFFFFFFFF];
	_ =	sdelay $0x4  }
0x9e: {  	[tilespmem:s3+$0x2C10] =	vst v0  }
0x9f: {  	v0 =	vld [tilespmem:s0+$0x7];
	_ =	sdelay $0x4  }
0xa0: {  	[tilespmem:s3+$0x2C18] =	vst v0  }
0xa1: {  	v0 =	vld [tilespmem:s0+$0xFFFFFFFE];
	_ =	sdelay $0x4  }
0xa2: {  	[tilespmem:s3+$0x3078] =	vst v0  }
0xa3: {  	v0 =	vld [tilespmem:s0+$0x6];
	_ =	sdelay $0x4  }
0xa4: {  	[tilespmem:s3+$0x3080] =	vst v0  }
0xa5: {  	v0 =	vld [tilespmem:s0+$0xFFFFFFFD];
	_ =	sdelay $0x4  }
0xa6: {  	[tilespmem:s3+$0x34E0] =	vst v0  }
0xa7: {  	v0 =	vld [tilespmem:s0+$0x5];
	_ =	sdelay $0x4  }
0xa8: {  	[tilespmem:s3+$0x34E8] =	vst v0  }
0xa9: {  	v0 =	vld [tilespmem:s0+$0xFFFFFFFC];
	_ =	sdelay $0x4  }
0xaa: {  	[tilespmem:s3+$0x3948] =	vst v0  }
0xab: {  	v0 =	vld [tilespmem:s0+$0x4];
	_ =	sdelay $0x4  }
0xac: {  	[tilespmem:s3+$0x3950] =	vst v0  }
0xad: {  	v0 =	vld [tilespmem:s0+$0xFFFFFFFB];
	_ =	sdelay $0x4  }
0xae: {  	[tilespmem:s3+$0x3DB0] =	vst v0  }
0xaf: {  	v0 =	vld [tilespmem:s0+$0x3];
	_ =	sdelay $0x4  }
0xb0: {  	[tilespmem:s3+$0x3DB8] =	vst v0  }
0xb1: {  	v0 =	vld [tilespmem:s0+$0xFFFFFFFA];
	_ =	sdelay $0x4  }
0xb2: {  	[tilespmem:s3+$0x4218] =	vst v0  }
0xb3: {  	v0 =	vld [tilespmem:s0+$0x2];
	_ =	sdelay $0x4  }
0xb4: {  	[tilespmem:s3+$0x4220] =	vst v0  }
0xb5: {  	v0 =	vld [tilespmem:s0+$0xFFFFFFF9];
	_ =	sdelay $0x4  }
0xb6: {  	[tilespmem:s3+$0x4680] =	vst v0  }
0xb7: {  	v0 =	vld [tilespmem:s0+$0x1];
	_ =	sdelay $0x4  }
0xb8: {  	[tilespmem:s3+$0x4688] =	vst v0  }
0xb9: {  	v0 =	vld [tilespmem:s0+$0xFFFFFFF8];
	_ =	sdelay $0x4  }
0xba: {  	[tilespmem:s3+$0x4AE8] =	vst v0  }
0xbb: {  	v0 =	vld [tilespmem:s0+$0x0];
	_ =	sdelay $0x4  }
0xbc: {  	[tilespmem:s3+$0x4AF0] =	vst v0  }
0xbd: {  	v0 =	vld [tilespmem:s0+$0xFFFFFFF7];
	_ =	sdelay $0x4  }
0xbe: {  	[tilespmem:s3+$0x4F50] =	vst v0  }
0xbf: {  	v0 =	vld [tilespmem:s0+$0xFFFFFFFF];
	_ =	sdelay $0x4  }
0xc0: {  	[tilespmem:s3+$0x4F58] =	vst v0  }
0xc1: {  	v0 =	vld [tilespmem:s0+$0xFFFFFFF6];
	_ =	sdelay $0x4  }
0xc2: {  	[tilespmem:s3+$0x53B8] =	vst v0  }
0xc3: {  	v0 =	vld [tilespmem:s0+$0xFFFFFFFE];
	_ =	sdelay $0x4  }
0xc4: {  	[tilespmem:s3+$0x53C0] =	vst v0  }
0xc5: {  	v0 =	vld [tilespmem:s0+$0xFFFFFFF5];
	_ =	sdelay $0x4  }
0xc6: {  	[tilespmem:s3+$0x5820] =	vst v0  }
0xc7: {  	v0 =	vld [tilespmem:s0+$0xFFFFFFFD];
	_ =	sdelay $0x4  }
0xc8: {  	[tilespmem:s3+$0x5828] =	vst v0  }
0xc9: {  	v0 =	vld [tilespmem:s0+$0xFFFFFFF4];
	_ =	sdelay $0x4  }
0xca: {  	[tilespmem:s3+$0x5C88] =	vst v0  }
0xcb: {  	v0 =	vld [tilespmem:s0+$0xFFFFFFFC];
	_ =	sdelay $0x4  }
0xcc: {  	[tilespmem:s3+$0x5C90] =	vst v0  }
0xcd: {  	v0 =	vld [tilespmem:s0+$0xFFFFFFF3];
	_ =	sdelay $0x4  }
0xce: {  	[tilespmem:s3+$0x60F0] =	vst v0  }
0xcf: {  	v0 =	vld [tilespmem:s0+$0xFFFFFFFB];
	_ =	sdelay $0x4  }
0xd0: {  	[tilespmem:s3+$0x60F8] =	vst v0  }
0xd1: {  	v0 =	vld [tilespmem:s0+$0xFFFFFFF2];
	_ =	sdelay $0x4  }
0xd2: {  	[tilespmem:s3+$0x6558] =	vst v0  }
0xd3: {  	v0 =	vld [tilespmem:s0+$0xFFFFFFFA];
	_ =	sdelay $0x4  }
0xd4: {  	[tilespmem:s3+$0x6560] =	vst v0  }
0xd5: {  	v0 =	vld [tilespmem:s0+$0xFFFFFFF1];
	_ =	sdelay $0x4  }
0xd6: {  	[tilespmem:s3+$0x69C0] =	vst v0  }
0xd7: {  	v0 =	vld [tilespmem:s0+$0xFFFFFFF9];
	_ =	sdelay $0x4  }
0xd8: {  	[tilespmem:s3+$0x69C8] =	vst v0  }
0xd9: {  	v0 =	vld [tilespmem:s0+$0xFFFFFFF0];
	_ =	sdelay $0x4  }
0xda: {  	[tilespmem:s3+$0x6E28] =	vst v0  }
0xdb: {  	v0 =	vld [tilespmem:s0+$0xFFFFFFF8];
	_ =	sdelay $0x3  }
0xdc: {  	s30 =	sadd.s32 $0x0, s4  }
0xdd: {  	s29 =	simm.s32 $0xF60;
	s0 =	simm.s32 $0xAF8;
	[tilespmem:s3+$0x6E30] =	vst v0;
	s3 =	simm.s32 $0x48  }
.LBB2_4:
0xde: {  	[hbm4b:s30+s2] =	stream.linear.scatter [tilespmem:s0], [sflag:$0x1], $0x240, $0x38;
	[tilespmem:$0x7290] =	vst v63  }
0xdf: {  	s30 =	smov.u32 s3;
	s0 =	smov.u32 s29;
	p0 =	sne.s32 s3, $0x678  }
.Ltmp1:
0xe0: {  	s3 =	sadd.s32 $0x48, s3;
	(pc) =	sbr.rel @p0 .LBB2_4-.Ltmp1, $2  }
0xe1: {  	_ =	sdelay $0x2  }
0xe2: {  	s29 =	sadd.s32 $0x468, s29;
	s30 =	sadd.s32 s30, s4  }
0xe3: {  	[hbm4b:s30+s2] =	stream.linear.scatter [tilespmem:s0], [sflag:$0x1], $0x240, $0x38;
	[tilespmem:$0x7290] =	vst v63  }
0xe4: {  	s0 =	simm.s32 $0xAE0  }
0xe5: {  	s3 =	simm.s32 $0x48;
	s30 =	sadd.s32 $0x0, s5;
	s29 =	simm.s32 $0xF48  }
.LBB2_6:
0xe6: {  	[hbm4b:s30+s2] =	stream.linear.scatter [tilespmem:s0], [sflag:$0x1], $0x240, $0x38;
	[tilespmem:$0x7290] =	vst v63  }
0xe7: {  	s30 =	smov.u32 s3;
	s0 =	smov.u32 s29;
	p0 =	sne.s32 s3, $0x678  }
.Ltmp2:
0xe8: {  	s3 =	sadd.s32 $0x48, s3;
	(pc) =	sbr.rel @p0 .LBB2_6-.Ltmp2, $2  }
0xe9: {  	_ =	sdelay $0x2  }
0xea: {  	s29 =	sadd.s32 $0x468, s29;
	s30 =	sadd.s32 s30, s5  }
0xeb: {  	[hbm4b:s30+s2] =	stream.linear.scatter [tilespmem:s0], [sflag:$0x1], $0x240, $0x38;
	[tilespmem:$0x7290] =	vst v63  }
0xec: {  	s0 =	simm.s32 $0xAC8  }
0xed: {  	s3 =	simm.s32 $0x48;
	s30 =	sadd.s32 $0x0, s6;
	s29 =	simm.s32 $0xF30  }
.LBB2_8:
0xee: {  	[hbm4b:s30+s2] =	stream.linear.scatter [tilespmem:s0], [sflag:$0x1], $0x240, $0x38;
	[tilespmem:$0x7290] =	vst v63  }
0xef: {  	s30 =	smov.u32 s3;
	s0 =	smov.u32 s29;
	p0 =	sne.s32 s3, $0x678  }
.Ltmp3:
0xf0: {  	s3 =	sadd.s32 $0x48, s3;
	(pc) =	sbr.rel @p0 .LBB2_8-.Ltmp3, $2  }
0xf1: {  	_ =	sdelay $0x2  }
0xf2: {  	s29 =	sadd.s32 $0x468, s29;
	s30 =	sadd.s32 s30, s6  }
0xf3: {  	[hbm4b:s30+s2] =	stream.linear.scatter [tilespmem:s0], [sflag:$0x1], $0x240, $0x38;
	[tilespmem:$0x7290] =	vst v63  }
0xf4: {  	s0 =	simm.s32 $0xAB0  }
0xf5: {  	s3 =	simm.s32 $0x48;
	s30 =	sadd.s32 $0x0, s7;
	s29 =	simm.s32 $0xF18  }
.LBB2_10:
0xf6: {  	[hbm4b:s30+s2] =	stream.linear.scatter [tilespmem:s0], [sflag:$0x1], $0x240, $0x38;
	[tilespmem:$0x7290] =	vst v63  }
0xf7: {  	s30 =	smov.u32 s3;
	s0 =	smov.u32 s29;
	p0 =	sne.s32 s3, $0x678  }
.Ltmp4:
0xf8: {  	s3 =	sadd.s32 $0x48, s3;
	(pc) =	sbr.rel @p0 .LBB2_10-.Ltmp4, $2  }
0xf9: {  	_ =	sdelay $0x2  }
0xfa: {  	s29 =	sadd.s32 $0x468, s29;
	s30 =	sadd.s32 s30, s7  }
0xfb: {  	[hbm4b:s30+s2] =	stream.linear.scatter [tilespmem:s0], [sflag:$0x1], $0x240, $0x38;
	[tilespmem:$0x7290] =	vst v63  }
0xfc: {  	s0 =	simm.s32 $0xA98  }
0xfd: {  	s3 =	simm.s32 $0x48;
	s30 =	sadd.s32 $0x0, s8;
	s29 =	simm.s32 $0xF00  }
.LBB2_12:
0xfe: {  	[hbm4b:s30+s2] =	stream.linear.scatter [tilespmem:s0], [sflag:$0x1], $0x240, $0x38;
	[tilespmem:$0x7290] =	vst v63  }
0xff: {  	s30 =	smov.u32 s3;
	s0 =	smov.u32 s29;
	p0 =	sne.s32 s3, $0x678  }
.Ltmp5:
0x100: {  	s3 =	sadd.s32 $0x48, s3;
	(pc) =	sbr.rel @p0 .LBB2_12-.Ltmp5, $2  }
0x101: {  	_ =	sdelay $0x2  }
0x102: {  	s29 =	sadd.s32 $0x468, s29;
	s30 =	sadd.s32 s30, s8  }
0x103: {  	[hbm4b:s30+s2] =	stream.linear.scatter [tilespmem:s0], [sflag:$0x1], $0x240, $0x38;
	[tilespmem:$0x7290] =	vst v63  }
0x104: {  	s0 =	simm.s32 $0xA80  }
0x105: {  	s3 =	simm.s32 $0x48;
	s30 =	sadd.s32 $0x0, s9;
	s29 =	simm.s32 $0xEE8  }
.LBB2_14:
0x106: {  	[hbm4b:s30+s2] =	stream.linear.scatter [tilespmem:s0], [sflag:$0x1], $0x240, $0x38;
	[tilespmem:$0x7290] =	vst v63  }
0x107: {  	s30 =	smov.u32 s3;
	s0 =	smov.u32 s29;
	p0 =	sne.s32 s3, $0x678  }
.Ltmp6:
0x108: {  	s3 =	sadd.s32 $0x48, s3;
	(pc) =	sbr.rel @p0 .LBB2_14-.Ltmp6, $2  }
0x109: {  	_ =	sdelay $0x2  }
0x10a: {  	s29 =	sadd.s32 $0x468, s29;
	s30 =	sadd.s32 s30, s9  }
0x10b: {  	[hbm4b:s30+s2] =	stream.linear.scatter [tilespmem:s0], [sflag:$0x1], $0x240, $0x38;
	[tilespmem:$0x7290] =	vst v63  }
0x10c: {  	s0 =	simm.s32 $0xA68  }
0x10d: {  	s3 =	simm.s32 $0x48;
	s30 =	sadd.s32 $0x0, s10;
	s29 =	simm.s32 $0xED0  }
.LBB2_16:
0x10e: {  	[hbm4b:s30+s2] =	stream.linear.scatter [tilespmem:s0], [sflag:$0x1], $0x240, $0x38;
	[tilespmem:$0x7290] =	vst v63  }
0x10f: {  	s30 =	smov.u32 s3;
	s0 =	smov.u32 s29;
	p0 =	sne.s32 s3, $0x678  }
.Ltmp7:
0x110: {  	s3 =	sadd.s32 $0x48, s3;
	(pc) =	sbr.rel @p0 .LBB2_16-.Ltmp7, $2  }
0x111: {  	_ =	sdelay $0x2  }
0x112: {  	s29 =	sadd.s32 $0x468, s29;
	s30 =	sadd.s32 s30, s10  }
0x113: {  	[hbm4b:s30+s2] =	stream.linear.scatter [tilespmem:s0], [sflag:$0x1], $0x240, $0x38;
	[tilespmem:$0x7290] =	vst v63  }
0x114: {  	s0 =	simm.s32 $0xA50  }
0x115: {  	s3 =	simm.s32 $0x48;
	s30 =	sadd.s32 $0x0, s11;
	s29 =	simm.s32 $0xEB8  }
.LBB2_18:
0x116: {  	[hbm4b:s30+s2] =	stream.linear.scatter [tilespmem:s0], [sflag:$0x1], $0x240, $0x38;
	[tilespmem:$0x7290] =	vst v63  }
0x117: {  	s30 =	smov.u32 s3;
	s0 =	smov.u32 s29;
	p0 =	sne.s32 s3, $0x678  }
.Ltmp8:
0x118: {  	s3 =	sadd.s32 $0x48, s3;
	(pc) =	sbr.rel @p0 .LBB2_18-.Ltmp8, $2  }
0x119: {  	_ =	sdelay $0x2  }
0x11a: {  	s29 =	sadd.s32 $0x468, s29;
	s30 =	sadd.s32 s30, s11  }
0x11b: {  	[hbm4b:s30+s2] =	stream.linear.scatter [tilespmem:s0], [sflag:$0x1], $0x240, $0x38;
	[tilespmem:$0x7290] =	vst v63  }
0x11c: {  	s0 =	simm.s32 $0xA38  }
0x11d: {  	s3 =	simm.s32 $0x48;
	s30 =	sadd.s32 $0x0, s12;
	s29 =	simm.s32 $0xEA0  }
.LBB2_20:
0x11e: {  	[hbm4b:s30+s2] =	stream.linear.scatter [tilespmem:s0], [sflag:$0x1], $0x240, $0x38;
	[tilespmem:$0x7290] =	vst v63  }
0x11f: {  	s30 =	smov.u32 s3;
	s0 =	smov.u32 s29;
	p0 =	sne.s32 s3, $0x678  }
.Ltmp9:
0x120: {  	s3 =	sadd.s32 $0x48, s3;
	(pc) =	sbr.rel @p0 .LBB2_20-.Ltmp9, $2  }
0x121: {  	_ =	sdelay $0x2  }
0x122: {  	s29 =	sadd.s32 $0x468, s29;
	s30 =	sadd.s32 s30, s12  }
0x123: {  	[hbm4b:s30+s2] =	stream.linear.scatter [tilespmem:s0], [sflag:$0x1], $0x240, $0x38;
	[tilespmem:$0x7290] =	vst v63  }
0x124: {  	s0 =	simm.s32 $0xA20  }
0x125: {  	s3 =	simm.s32 $0x48;
	s30 =	sadd.s32 $0x0, s13;
	s29 =	simm.s32 $0xE88  }
.LBB2_22:
0x126: {  	[hbm4b:s30+s2] =	stream.linear.scatter [tilespmem:s0], [sflag:$0x1], $0x240, $0x38;
	[tilespmem:$0x7290] =	vst v63  }
0x127: {  	s30 =	smov.u32 s3;
	s0 =	smov.u32 s29;
	p0 =	sne.s32 s3, $0x678  }
.Ltmp10:
0x128: {  	s3 =	sadd.s32 $0x48, s3;
	(pc) =	sbr.rel @p0 .LBB2_22-.Ltmp10, $2  }
0x129: {  	_ =	sdelay $0x2  }
0x12a: {  	s29 =	sadd.s32 $0x468, s29;
	s30 =	sadd.s32 s30, s13  }
0x12b: {  	[hbm4b:s30+s2] =	stream.linear.scatter [tilespmem:s0], [sflag:$0x1], $0x240, $0x38;
	[tilespmem:$0x7290] =	vst v63  }
0x12c: {  	s0 =	simm.s32 $0xA08  }
0x12d: {  	s3 =	simm.s32 $0x48;
	s30 =	sadd.s32 $0x0, s14;
	s29 =	simm.s32 $0xE70  }
.LBB2_24:
0x12e: {  	[hbm4b:s30+s2] =	stream.linear.scatter [tilespmem:s0], [sflag:$0x1], $0x240, $0x38;
	[tilespmem:$0x7290] =	vst v63  }
0x12f: {  	s30 =	smov.u32 s3;
	s0 =	smov.u32 s29;
	p0 =	sne.s32 s3, $0x678  }
.Ltmp11:
0x130: {  	s3 =	sadd.s32 $0x48, s3;
	(pc) =	sbr.rel @p0 .LBB2_24-.Ltmp11, $2  }
0x131: {  	_ =	sdelay $0x2  }
0x132: {  	s29 =	sadd.s32 $0x468, s29;
	s30 =	sadd.s32 s30, s14  }
0x133: {  	[hbm4b:s30+s2] =	stream.linear.scatter [tilespmem:s0], [sflag:$0x1], $0x240, $0x38;
	[tilespmem:$0x7290] =	vst v63  }
0x134: {  	s0 =	simm.s32 $0x9F0  }
0x135: {  	s3 =	simm.s32 $0x48;
	s30 =	sadd.s32 $0x0, s15;
	s29 =	simm.s32 $0xE58  }
.LBB2_26:
0x136: {  	[hbm4b:s30+s2] =	stream.linear.scatter [tilespmem:s0], [sflag:$0x1], $0x240, $0x38;
	[tilespmem:$0x7290] =	vst v63  }
0x137: {  	s30 =	smov.u32 s3;
	s0 =	smov.u32 s29;
	p0 =	sne.s32 s3, $0x678  }
.Ltmp12:
0x138: {  	s3 =	sadd.s32 $0x48, s3;
	(pc) =	sbr.rel @p0 .LBB2_26-.Ltmp12, $2  }
0x139: {  	_ =	sdelay $0x2  }
0x13a: {  	s29 =	sadd.s32 $0x468, s29;
	s30 =	sadd.s32 s30, s15  }
0x13b: {  	[hbm4b:s30+s2] =	stream.linear.scatter [tilespmem:s0], [sflag:$0x1], $0x240, $0x38;
	[tilespmem:$0x7290] =	vst v63  }
0x13c: {  	s0 =	simm.s32 $0x9D8  }
0x13d: {  	s3 =	simm.s32 $0x48;
	s30 =	sadd.s32 $0x0, s16;
	s29 =	simm.s32 $0xE40  }
.LBB2_28:
0x13e: {  	[hbm4b:s30+s2] =	stream.linear.scatter [tilespmem:s0], [sflag:$0x1], $0x240, $0x38;
	[tilespmem:$0x7290] =	vst v63  }
0x13f: {  	s30 =	smov.u32 s3;
	s0 =	smov.u32 s29;
	p0 =	sne.s32 s3, $0x678  }
.Ltmp13:
0x140: {  	s3 =	sadd.s32 $0x48, s3;
	(pc) =	sbr.rel @p0 .LBB2_28-.Ltmp13, $2  }
0x141: {  	_ =	sdelay $0x2  }
0x142: {  	s29 =	sadd.s32 $0x468, s29;
	s30 =	sadd.s32 s30, s16  }
0x143: {  	[hbm4b:s30+s2] =	stream.linear.scatter [tilespmem:s0], [sflag:$0x1], $0x240, $0x38;
	[tilespmem:$0x7290] =	vst v63  }
0x144: {  	s0 =	simm.s32 $0x9C0  }
0x145: {  	s3 =	simm.s32 $0x48;
	s30 =	sadd.s32 $0x0, s17;
	s29 =	simm.s32 $0xE28  }
.LBB2_30:
0x146: {  	[hbm4b:s30+s2] =	stream.linear.scatter [tilespmem:s0], [sflag:$0x1], $0x240, $0x38;
	[tilespmem:$0x7290] =	vst v63  }
0x147: {  	s30 =	smov.u32 s3;
	s0 =	smov.u32 s29;
	p0 =	sne.s32 s3, $0x678  }
.Ltmp14:
0x148: {  	s3 =	sadd.s32 $0x48, s3;
	(pc) =	sbr.rel @p0 .LBB2_30-.Ltmp14, $2  }
0x149: {  	_ =	sdelay $0x2  }
0x14a: {  	s29 =	sadd.s32 $0x468, s29;
	s30 =	sadd.s32 s30, s17  }
0x14b: {  	[hbm4b:s30+s2] =	stream.linear.scatter [tilespmem:s0], [sflag:$0x1], $0x240, $0x38;
	[tilespmem:$0x7290] =	vst v63  }
0x14c: {  	s0 =	simm.s32 $0x9A8  }
0x14d: {  	s3 =	simm.s32 $0x48;
	s30 =	sadd.s32 $0x0, s18;
	s29 =	simm.s32 $0xE10  }
.LBB2_32:
0x14e: {  	[hbm4b:s30+s2] =	stream.linear.scatter [tilespmem:s0], [sflag:$0x1], $0x240, $0x38;
	[tilespmem:$0x7290] =	vst v63  }
0x14f: {  	s30 =	smov.u32 s3;
	s0 =	smov.u32 s29;
	p0 =	sne.s32 s3, $0x678  }
.Ltmp15:
0x150: {  	s3 =	sadd.s32 $0x48, s3;
	(pc) =	sbr.rel @p0 .LBB2_32-.Ltmp15, $2  }
0x151: {  	_ =	sdelay $0x2  }
0x152: {  	s29 =	sadd.s32 $0x468, s29;
	s30 =	sadd.s32 s30, s18  }
0x153: {  	[hbm4b:s30+s2] =	stream.linear.scatter [tilespmem:s0], [sflag:$0x1], $0x240, $0x38;
	[tilespmem:$0x7290] =	vst v63  }
0x154: {  	s0 =	simm.s32 $0x990  }
0x155: {  	s3 =	simm.s32 $0x48;
	s30 =	sadd.s32 $0x0, s19;
	s29 =	simm.s32 $0xDF8  }
.LBB2_34:
0x156: {  	[hbm4b:s30+s2] =	stream.linear.scatter [tilespmem:s0], [sflag:$0x1], $0x240, $0x38;
	[tilespmem:$0x7290] =	vst v63  }
0x157: {  	s30 =	smov.u32 s3;
	s0 =	smov.u32 s29;
	p0 =	sne.s32 s3, $0x678  }
.Ltmp16:
0x158: {  	s3 =	sadd.s32 $0x48, s3;
	(pc) =	sbr.rel @p0 .LBB2_34-.Ltmp16, $2  }
0x159: {  	_ =	sdelay $0x2  }
0x15a: {  	s29 =	sadd.s32 $0x468, s29;
	s30 =	sadd.s32 s30, s19  }
0x15b: {  	[hbm4b:s30+s2] =	stream.linear.scatter [tilespmem:s0], [sflag:$0x1], $0x240, $0x38;
	[tilespmem:$0x7290] =	vst v63  }
0x15c: {  	s0 =	simm.s32 $0x978  }
0x15d: {  	s3 =	simm.s32 $0x48;
	s30 =	sadd.s32 $0x0, s20;
	s29 =	simm.s32 $0xDE0  }
.LBB2_36:
0x15e: {  	[hbm4b:s30+s2] =	stream.linear.scatter [tilespmem:s0], [sflag:$0x1], $0x240, $0x38;
	[tilespmem:$0x7290] =	vst v63  }
0x15f: {  	s30 =	smov.u32 s3;
	s0 =	smov.u32 s29;
	p0 =	sne.s32 s3, $0x678  }
.Ltmp17:
0x160: {  	s3 =	sadd.s32 $0x48, s3;
	(pc) =	sbr.rel @p0 .LBB2_36-.Ltmp17, $2  }
0x161: {  	_ =	sdelay $0x2  }
0x162: {  	s29 =	sadd.s32 $0x468, s29;
	s30 =	sadd.s32 s30, s20  }
0x163: {  	[hbm4b:s30+s2] =	stream.linear.scatter [tilespmem:s0], [sflag:$0x1], $0x240, $0x38;
	[tilespmem:$0x7290] =	vst v63  }
0x164: {  	s0 =	simm.s32 $0x960  }
0x165: {  	s3 =	simm.s32 $0x48;
	s30 =	sadd.s32 $0x0, s21;
	s29 =	simm.s32 $0xDC8  }
.LBB2_38:
0x166: {  	[hbm4b:s30+s2] =	stream.linear.scatter [tilespmem:s0], [sflag:$0x1], $0x240, $0x38;
	[tilespmem:$0x7290] =	vst v63  }
0x167: {  	s30 =	smov.u32 s3;
	s0 =	smov.u32 s29;
	p0 =	sne.s32 s3, $0x678  }
.Ltmp18:
0x168: {  	s3 =	sadd.s32 $0x48, s3;
	(pc) =	sbr.rel @p0 .LBB2_38-.Ltmp18, $2  }
0x169: {  	_ =	sdelay $0x2  }
0x16a: {  	s29 =	sadd.s32 $0x468, s29;
	s30 =	sadd.s32 s30, s21  }
0x16b: {  	[hbm4b:s30+s2] =	stream.linear.scatter [tilespmem:s0], [sflag:$0x1], $0x240, $0x38;
	[tilespmem:$0x7290] =	vst v63  }
0x16c: {  	s0 =	simm.s32 $0x948  }
0x16d: {  	s3 =	simm.s32 $0x48;
	s30 =	sadd.s32 $0x0, s22;
	s29 =	simm.s32 $0xDB0  }
.LBB2_40:
0x16e: {  	[hbm4b:s30+s2] =	stream.linear.scatter [tilespmem:s0], [sflag:$0x1], $0x240, $0x38;
	[tilespmem:$0x7290] =	vst v63  }
0x16f: {  	s30 =	smov.u32 s3;
	s0 =	smov.u32 s29;
	p0 =	sne.s32 s3, $0x678  }
.Ltmp19:
0x170: {  	s3 =	sadd.s32 $0x48, s3;
	(pc) =	sbr.rel @p0 .LBB2_40-.Ltmp19, $2  }
0x171: {  	_ =	sdelay $0x2  }
0x172: {  	s29 =	sadd.s32 $0x468, s29;
	s30 =	sadd.s32 s30, s22  }
0x173: {  	[hbm4b:s30+s2] =	stream.linear.scatter [tilespmem:s0], [sflag:$0x1], $0x240, $0x38;
	[tilespmem:$0x7290] =	vst v63  }
0x174: {  	s0 =	simm.s32 $0x930  }
0x175: {  	s3 =	simm.s32 $0x48;
	s30 =	sadd.s32 $0x0, s23;
	s29 =	simm.s32 $0xD98  }
.LBB2_42:
0x176: {  	[hbm4b:s30+s2] =	stream.linear.scatter [tilespmem:s0], [sflag:$0x1], $0x240, $0x38;
	[tilespmem:$0x7290] =	vst v63  }
0x177: {  	s30 =	smov.u32 s3;
	s0 =	smov.u32 s29;
	p0 =	sne.s32 s3, $0x678  }
.Ltmp20:
0x178: {  	s3 =	sadd.s32 $0x48, s3;
	(pc) =	sbr.rel @p0 .LBB2_42-.Ltmp20, $2  }
0x179: {  	_ =	sdelay $0x2  }
0x17a: {  	s29 =	sadd.s32 $0x468, s29;
	s30 =	sadd.s32 s30, s23  }
0x17b: {  	[hbm4b:s30+s2] =	stream.linear.scatter [tilespmem:s0], [sflag:$0x1], $0x240, $0x38;
	[tilespmem:$0x7290] =	vst v63  }
0x17c: {  	s0 =	simm.s32 $0x918  }
0x17d: {  	s3 =	simm.s32 $0x48;
	s30 =	sadd.s32 $0x0, s24;
	s29 =	simm.s32 $0xD80  }
.LBB2_44:
0x17e: {  	[hbm4b:s30+s2] =	stream.linear.scatter [tilespmem:s0], [sflag:$0x1], $0x240, $0x38;
	[tilespmem:$0x7290] =	vst v63  }
0x17f: {  	s30 =	smov.u32 s3;
	s0 =	smov.u32 s29;
	p0 =	sne.s32 s3, $0x678  }
.Ltmp21:
0x180: {  	s3 =	sadd.s32 $0x48, s3;
	(pc) =	sbr.rel @p0 .LBB2_44-.Ltmp21, $2  }
0x181: {  	_ =	sdelay $0x2  }
0x182: {  	s29 =	sadd.s32 $0x468, s29;
	s30 =	sadd.s32 s30, s24  }
0x183: {  	[hbm4b:s30+s2] =	stream.linear.scatter [tilespmem:s0], [sflag:$0x1], $0x240, $0x38;
	[tilespmem:$0x7290] =	vst v63  }
0x184: {  	s0 =	simm.s32 $0x900  }
0x185: {  	s3 =	simm.s32 $0x48;
	s30 =	sadd.s32 $0x0, s25;
	s29 =	simm.s32 $0xD68  }
.LBB2_46:
0x186: {  	[hbm4b:s30+s2] =	stream.linear.scatter [tilespmem:s0], [sflag:$0x1], $0x240, $0x38;
	[tilespmem:$0x7290] =	vst v63  }
0x187: {  	s30 =	smov.u32 s3;
	s0 =	smov.u32 s29;
	p0 =	sne.s32 s3, $0x678  }
.Ltmp22:
0x188: {  	s3 =	sadd.s32 $0x48, s3;
	(pc) =	sbr.rel @p0 .LBB2_46-.Ltmp22, $2  }
0x189: {  	_ =	sdelay $0x2  }
0x18a: {  	s29 =	sadd.s32 $0x468, s29;
	s30 =	sadd.s32 s30, s25  }
0x18b: {  	[hbm4b:s30+s2] =	stream.linear.scatter [tilespmem:s0], [sflag:$0x1], $0x240, $0x38;
	[tilespmem:$0x7290] =	vst v63  }
0x18c: {  	s0 =	simm.s32 $0x8E8  }
0x18d: {  	s3 =	simm.s32 $0x48;
	s30 =	sadd.s32 $0x0, s26;
	s29 =	simm.s32 $0xD50  }
.LBB2_48:
0x18e: {  	[hbm4b:s30+s2] =	stream.linear.scatter [tilespmem:s0], [sflag:$0x1], $0x240, $0x38;
	[tilespmem:$0x7290] =	vst v63  }
0x18f: {  	s30 =	smov.u32 s3;
	s0 =	smov.u32 s29;
	p0 =	sne.s32 s3, $0x678  }
.Ltmp23:
0x190: {  	s3 =	sadd.s32 $0x48, s3;
	(pc) =	sbr.rel @p0 .LBB2_48-.Ltmp23, $2  }
0x191: {  	_ =	sdelay $0x2  }
0x192: {  	s29 =	sadd.s32 $0x468, s29;
	s30 =	sadd.s32 s30, s26  }
0x193: {  	[hbm4b:s30+s2] =	stream.linear.scatter [tilespmem:s0], [sflag:$0x1], $0x240, $0x38;
	[tilespmem:$0x7290] =	vst v63  }
0x194: {  	s0 =	simm.s32 $0x8D0  }
0x195: {  	s3 =	simm.s32 $0x48;
	s30 =	sadd.s32 $0x0, s28;
	s29 =	simm.s32 $0xD38  }
.LBB2_50:
0x196: {  	[hbm4b:s30+s2] =	stream.linear.scatter [tilespmem:s0], [sflag:$0x1], $0x240, $0x38;
	[tilespmem:$0x7290] =	vst v63  }
0x197: {  	s30 =	smov.u32 s3;
	s0 =	smov.u32 s29;
	p0 =	sne.s32 s3, $0x678  }
.Ltmp24:
0x198: {  	s3 =	sadd.s32 $0x48, s3;
	(pc) =	sbr.rel @p0 .LBB2_50-.Ltmp24, $2  }
0x199: {  	_ =	sdelay $0x2  }
0x19a: {  	s29 =	sadd.s32 $0x468, s29;
	s30 =	sadd.s32 s30, s28  }
0x19b: {  	[hbm4b:s30+s2] =	stream.linear.scatter [tilespmem:s0], [sflag:$0x1], $0x240, $0x38;
	[tilespmem:$0x7290] =	vst v63  }
0x19c: {  	_ =	swait.ge [sflag:s31], $0x3600  }
0x19d: {  	[sflag:s31] =	ssyncset.done $0x0  }
0x19e: {  	[sflag:s31] =	ssyncadd.s32 $0xFFFFCA00  }
0x19f: {  	_ =	swait.ge [sflag:s31], $0x3600  }
0x1a0: {  	[sflag:s31] =	ssyncset.done $0x0  }
0x1a1: {  	[sflag:s31] =	ssyncadd.s32 $0xFFFFCA00  }
0x1a2: {  	_ =	swait.ge [sflag:s31], $0x3600  }
0x1a3: {  	[sflag:s31] =	ssyncset.done $0x0  }
0x1a4: {  	[sflag:s31] =	ssyncadd.s32 $0xFFFFCA00  }
0x1a5: {  	_ =	swait.ge [sflag:s31], $0x3600  }
0x1a6: {  	[sflag:s31] =	ssyncset.done $0x0  }
0x1a7: {  	[sflag:s31] =	ssyncadd.s32 $0xFFFFCA00  }
0x1a8: {  	_ =	swait.ge [sflag:s31], $0x3600  }
0x1a9: {  	[sflag:s31] =	ssyncset.done $0x0  }
0x1aa: {  	[sflag:s31] =	ssyncadd.s32 $0xFFFFCA00  }
0x1ab: {  	_ =	swait.ge [sflag:s31], $0x3600  }
0x1ac: {  	[sflag:s31] =	ssyncset.done $0x0  }
0x1ad: {  	[sflag:s31] =	ssyncadd.s32 $0xFFFFCA00  }
0x1ae: {  	_ =	swait.ge [sflag:s31], $0x3600  }
0x1af: {  	[sflag:s31] =	ssyncset.done $0x0  }
0x1b0: {  	[sflag:s31] =	ssyncadd.s32 $0xFFFFCA00  }
0x1b1: {  	_ =	swait.ge [sflag:s31], $0x3600  }
0x1b2: {  	[sflag:s31] =	ssyncset.done $0x0  }
0x1b3: {  	[sflag:s31] =	ssyncadd.s32 $0xFFFFCA00  }
0x1b4: {  	_ =	swait.ge [sflag:s31], $0x3600  }
0x1b5: {  	[sflag:s31] =	ssyncset.done $0x0  }
0x1b6: {  	[sflag:s31] =	ssyncadd.s32 $0xFFFFCA00  }
0x1b7: {  	_ =	swait.ge [sflag:s31], $0x3600  }
0x1b8: {  	[sflag:s31] =	ssyncset.done $0x0  }
0x1b9: {  	[sflag:s31] =	ssyncadd.s32 $0xFFFFCA00  }
0x1ba: {  	_ =	swait.ge [sflag:s31], $0x3600  }
0x1bb: {  	[sflag:s31] =	ssyncset.done $0x0  }
0x1bc: {  	[sflag:s31] =	ssyncadd.s32 $0xFFFFCA00  }
0x1bd: {  	_ =	swait.ge [sflag:s31], $0x3600  }
0x1be: {  	[sflag:s31] =	ssyncset.done $0x0  }
0x1bf: {  	[sflag:s31] =	ssyncadd.s32 $0xFFFFCA00  }
0x1c0: {  	_ =	swait.ge [sflag:s31], $0x3600  }
0x1c1: {  	[sflag:s31] =	ssyncset.done $0x0  }
0x1c2: {  	[sflag:s31] =	ssyncadd.s32 $0xFFFFCA00  }
0x1c3: {  	_ =	swait.ge [sflag:s31], $0x3600  }
0x1c4: {  	[sflag:s31] =	ssyncset.done $0x0  }
0x1c5: {  	[sflag:s31] =	ssyncadd.s32 $0xFFFFCA00  }
0x1c6: {  	_ =	swait.ge [sflag:s31], $0x3600  }
0x1c7: {  	[sflag:s31] =	ssyncset.done $0x0  }
0x1c8: {  	[sflag:s31] =	ssyncadd.s32 $0xFFFFCA00  }
0x1c9: {  	_ =	swait.ge [sflag:s31], $0x3600  }
0x1ca: {  	[sflag:s31] =	ssyncset.done $0x0  }
0x1cb: {  	[sflag:s31] =	ssyncadd.s32 $0xFFFFCA00  }
0x1cc: {  	_ =	swait.ge [sflag:s31], $0x3600  }
0x1cd: {  	[sflag:s31] =	ssyncset.done $0x0  }
0x1ce: {  	[sflag:s31] =	ssyncadd.s32 $0xFFFFCA00  }
0x1cf: {  	_ =	swait.ge [sflag:s31], $0x3600  }
0x1d0: {  	[sflag:s31] =	ssyncset.done $0x0  }
0x1d1: {  	[sflag:s31] =	ssyncadd.s32 $0xFFFFCA00  }
0x1d2: {  	_ =	swait.ge [sflag:s31], $0x3600  }
0x1d3: {  	[sflag:s31] =	ssyncset.done $0x0  }
0x1d4: {  	[sflag:s31] =	ssyncadd.s32 $0xFFFFCA00  }
0x1d5: {  	_ =	swait.ge [sflag:s31], $0x3600  }
0x1d6: {  	[sflag:s31] =	ssyncset.done $0x0  }
0x1d7: {  	[sflag:s31] =	ssyncadd.s32 $0xFFFFCA00  }
0x1d8: {  	_ =	swait.ge [sflag:s31], $0x3600  }
0x1d9: {  	[sflag:s31] =	ssyncset.done $0x0  }
0x1da: {  	[sflag:s31] =	ssyncadd.s32 $0xFFFFCA00  }
0x1db: {  	_ =	swait.ge [sflag:s31], $0x3600  }
0x1dc: {  	[sflag:s31] =	ssyncset.done $0x0  }
0x1dd: {  	[sflag:s31] =	ssyncadd.s32 $0xFFFFCA00  }
0x1de: {  	_ =	swait.ge [sflag:s31], $0x3600  }
0x1df: {  	[sflag:s31] =	ssyncset.done $0x0  }
0x1e0: {  	[sflag:s31] =	ssyncadd.s32 $0xFFFFCA00  }
0x1e1: {  	_ =	swait.ge [sflag:s31], $0x3600  }
0x1e2: {  	s1 =	sadd.s32 $0x1, s1;
	s30 =	rddreg [dreg:$0x4]  }
0x1e3: {  	p0 =	sne.s32 s1, s30  }
.Ltmp25:
0x1e4: {  	_ = 	snop;
	(pc) =	sbr.rel @p0 .LBB2_1-.Ltmp25, $3  }
0x1e5: {  	_ =	sdelay $0x1  }
0x1e6: {  	[sflag:s31] =	ssyncset.done $0x0  }
0x1e7: {  	[sflag:s31] =	ssyncadd.s32 $0xFFFFCA00  }
0x1e8: {  	_ =	sfence.sel $0x180000  }
0x1e9: {  	[bflag:$0x0] =	sbarrier.arrive $0xFFFF  }
0x1ea: {  	_ =	strace $0x90000047  }
0x1eb: {  	s0 =	stileid.u32;
	[bflag:$0x2] =	sbarrier.arrive $0xFFFF  }
0x1ec: {  	p0 =	sne.s32 s0, $0x0;
	s0 =	rddreg [dreg:$0x2]  }
0x1ed: {  	s0 =	sadd.s32 @!p0 $0x100000, s0  }
0x1ee: {  	[sflag:s0] =	ssyncadd.tile.s32 @!p0 $0x1;
	_ =	shalt  }
.Lfunc_end2:
_tile_overlayer_lowered:
.L_overlay_start_2:
0x1ef: {  	(tag) =	ssettag $0x2  }
0x1f0: {  	s0 =	rddreg [dreg:$0x0];
	s2 =	stileid.u32  }
0x1f1: {  	s1 =	rddreg [dreg:$0x1];
	p0 =	sne.s32 s2, $0x0  }
0x1f2: {  	s3 =	rddreg [dreg:$0x2];
	[bflag:$0x3] =	sbarrier.arrive $0xFFFF;
	s2 =	simm.s32 @!p0 $0x1C02  }
0x1f3: {  	[timem:s3], [sflag:s2] =	dma.local @!p0 [hbm:s0], s1  }
0x1f4: {  	s0 =	simm.s32 @!p0 $0x2  }
0x1f5: {  	_ =	swait.ge @!p0 [sflag:s0], s1  }
0x1f6: {  	s1 =	ssub.s32 @!p0 $0x0, s1;
	[sflag:s0] =	ssyncset.done @!p0 $0x0  }
0x1f7: {  	[sflag:s0] =	ssyncadd.s32 @!p0 s1  }
0x1f8: {  	[bflag:$0x3] =	sbarrier.arrive $0xFFFF  }
0x1f9: {  	_ =	shalt  }

</sc_bundles>
